<compile_context>
chip_gen: v7x
topology: tpu7x:2x2x1
jax: 0.10.2.dev20260603
libtpu: 0.0.44.dev20260713+nightly
codegen_flags: <defaults>
</compile_context>

<pallas_src>
import jax
import jax.numpy as jnp
from jax import lax
from jax.experimental import pallas as pl
from jax.experimental.pallas import tpu as pltpu
from jax.experimental.pallas import tpu_sc as plsc

N = 10000
D = 128
NC = 2
NS = 16
L = 16
NW = NC * NS
CHUNK = 128
GCHUNK = 128
N_PAD = 10112
STRIPE = N_PAD // NS


def _make_agg(E_pad: int):
    EPT = E_pad // NW
    CPT = EPT // GCHUNK
    mesh = plsc.VectorSubcoreMesh(core_axis_name="c", subcore_axis_name="s",
                                  num_cores=NC, num_subcores=NS)

    out_type = jax.ShapeDtypeStruct((NC, N_PAD, D), jnp.float32)
    scratch = [
        pltpu.VMEM((GCHUNK,), jnp.int32),
        pltpu.VMEM((GCHUNK,), jnp.int32),
        pltpu.VMEM((GCHUNK, D), jnp.float32),
        pltpu.VMEM_SHARED((N_PAD, D), jnp.float32),
        pltpu.SemaphoreType.DMA,
    ]

    def body(x_hbm, src_hbm, dst_hbm, acc_out, src_v0, dst_v0,
             rows_v0, acc_sh, sem0):
        cid = lax.axis_index("c")
        sid = lax.axis_index("s")
        wid = sid * NC + cid

        zero = jnp.zeros((L,), jnp.float32)

        def zrow(r, _):
            for cc in range(D // L):
                rows_v0[r, pl.ds(cc * L, L)] = zero
            return 0
        lax.fori_loop(0, GCHUNK, zrow, 0)
        off = 0
        while off < STRIPE:
            w = min(GCHUNK, STRIPE - off)
            pltpu.sync_copy(rows_v0.at[pl.ds(0, w)],
                            acc_sh.at[pl.ds(sid * STRIPE + off, w)])
            off += w

        plsc.subcore_barrier()

        base0 = wid * EPT

        def step(c, _):
            base = base0 + c * GCHUNK
            pltpu.sync_copy(src_hbm.at[pl.ds(base, GCHUNK)], src_v0)
            pltpu.sync_copy(dst_hbm.at[pl.ds(base, GCHUNK)], dst_v0)
            pltpu.async_copy(x_hbm.at[src_v0], rows_v0, sem0).wait()
            pltpu.sync_copy(rows_v0, acc_sh.at[dst_v0], add=True)
            return 0
        lax.fori_loop(0, CPT, step, 0)

        plsc.subcore_barrier()

        pltpu.sync_copy(acc_sh.at[pl.ds(sid * STRIPE, STRIPE)],
                        acc_out.at[cid, pl.ds(sid * STRIPE, STRIPE)])

    return pl.kernel(body, out_type=out_type, mesh=mesh,
                     scratch_types=scratch)


def _make_deg(E_pad: int):
    EPT = E_pad // NW
    CPT = EPT // CHUNK
    mesh = plsc.VectorSubcoreMesh(core_axis_name="c", subcore_axis_name="s",
                                  num_cores=NC, num_subcores=NS)

    out_type = jax.ShapeDtypeStruct((NC, N_PAD, D), jnp.float32)
    scratch = [
        pltpu.VMEM((CHUNK,), jnp.int32),
        pltpu.VMEM((CHUNK, D), jnp.float32),
        pltpu.VMEM((CHUNK, D), jnp.float32),
        pltpu.VMEM_SHARED((N_PAD, D), jnp.float32),
    ]

    def body(dst_hbm, deg_out, dst_v, ones_v, dchunk_v, deg_sh):
        cid = lax.axis_index("c")
        sid = lax.axis_index("s")
        wid = sid * NC + cid

        zero = jnp.zeros((L,), jnp.float32)
        one = jnp.full((L,), 1.0, jnp.float32)

        def orow(r, _):
            for cc in range(D // L):
                ones_v[r, pl.ds(cc * L, L)] = one
                dchunk_v[r, pl.ds(cc * L, L)] = zero
            return 0
        lax.fori_loop(0, CHUNK, orow, 0)
        off = 0
        while off < STRIPE:
            w = min(CHUNK, STRIPE - off)
            pltpu.sync_copy(dchunk_v.at[pl.ds(0, w)],
                            deg_sh.at[pl.ds(sid * STRIPE + off, w)])
            off += w

        plsc.subcore_barrier()

        base0 = wid * EPT

        def step(c, _):
            base = base0 + c * CHUNK
            pltpu.sync_copy(dst_hbm.at[pl.ds(base, CHUNK)], dst_v)
            pltpu.sync_copy(ones_v, deg_sh.at[dst_v], add=True)
            return 0
        lax.fori_loop(0, CPT, step, 0)

        plsc.subcore_barrier()

        pltpu.sync_copy(deg_sh.at[pl.ds(sid * STRIPE, STRIPE)],
                        deg_out.at[cid, pl.ds(sid * STRIPE, STRIPE)])

    return pl.kernel(body, out_type=out_type, mesh=mesh,
                     scratch_types=scratch)


def _dense(acc, d0, d1, x, A, B, c, do_relu: bool):
    BLK = 1000

    def body(a0_r, a1_r, d0_r, d1_r, x_r, A_r, B_r, c_r, o_r):
        s = a0_r[...] + a1_r[...]
        dg = d0_r[...] + d1_r[...]
        r = 1.0 / jnp.maximum(dg[:, 0:1], 1.0)
        h = (jnp.dot(s * r, A_r[...], preferred_element_type=jnp.float32)
             + jnp.dot(x_r[...], B_r[...], preferred_element_type=jnp.float32)
             + c_r[...])
        if do_relu:
            h = jnp.maximum(h, 0.0)
        o_r[...] = h

    row = lambda i: (i, 0)
    full = lambda i: (0, 0)
    return pl.pallas_call(
        body,
        grid=(N // BLK,),
        in_specs=[
            pl.BlockSpec((BLK, D), row),
            pl.BlockSpec((BLK, D), row),
            pl.BlockSpec((BLK, D), row),
            pl.BlockSpec((BLK, D), row),
            pl.BlockSpec((BLK, D), row),
            pl.BlockSpec((D, D), full),
            pl.BlockSpec((D, D), full),
            pl.BlockSpec((1, D), full),
        ],
        out_specs=pl.BlockSpec((BLK, D), row),
        out_shape=jax.ShapeDtypeStruct((N, D), jnp.float32),
    )(acc[0], acc[1], d0, d1, x, A, B, c)


def kernel(x, edge_index, W_l1, b_l1, W_r1, g1, be1, m1, v1,
           W_l2, b_l2, W_r2, g2, be2, m2, v2, W_l3, b_l3, W_r3):
    E = edge_index.shape[1]
    SBALL = NW * GCHUNK
    E_pad = -(-E // SBALL) * SBALL
    assert E_pad % (NW * CHUNK) == 0
    pad = E_pad - E
    src = jnp.concatenate([edge_index[0], jnp.zeros((pad,), jnp.int32)])
    dst = jnp.concatenate(
        [edge_index[1], jnp.full((pad,), N_PAD - 1, jnp.int32)])

    agg = _make_agg(E_pad)
    degf = _make_deg(E_pad)

    eps = 1e-5
    s1 = g1 * lax.rsqrt(v1 + eps)
    A1 = W_l1.T * s1[None, :]
    B1 = W_r1.T * s1[None, :]
    c1 = (b_l1 * s1 + be1 - m1 * s1)[None, :]
    s2 = g2 * lax.rsqrt(v2 + eps)
    A2 = W_l2.T * s2[None, :]
    B2 = W_r2.T * s2[None, :]
    c2 = (b_l2 * s2 + be2 - m2 * s2)[None, :]
    A3 = W_l3.T
    B3 = W_r3.T
    c3 = b_l3[None, :]

    deg = degf(dst)
    d0, d1 = deg[0], deg[1]
    acc1 = agg(x, src, dst)
    h1 = _dense(acc1, d0, d1, x, A1, B1, c1, True)
    acc2 = agg(h1, src, dst)
    h2 = _dense(acc2, d0, d1, h1, A2, B2, c2, True)
    acc3 = agg(h2, src, dst)
    return _dense(acc3, d0, d1, h2, A3, B3, c3, False)

# --- scband reference (transcript-rebuilt; emitter-appended) ---
"""Pipeline reference for scband-cluster-gcn-77833397338551 (READ-ONLY COPY).

The authoritative reference and input builder live on the scoring server;
editing this copy changes nothing except your own understanding.
"""

import jax, jax.numpy as jnp
import numpy as np

N = 10000
E = 320000
D = 128


def sage_conv(x, edge_index, W_l, b_l, W_r):
    # PyG SAGEConv with mean aggregation: out = lin_l(mean_agg(x_src -> dst)) + lin_r(x)
    src = edge_index[0]
    dst = edge_index[1]
    msgs = x[src]
    agg = jax.ops.segment_sum(msgs, dst, num_segments=x.shape[0])
    deg = jax.ops.segment_sum(jnp.ones((edge_index.shape[1],), x.dtype), dst, num_segments=x.shape[0])
    mean = agg / jnp.clip(deg, 1.0)[:, None]
    return mean @ W_l.T + b_l + x @ W_r.T


def batch_norm(x, gamma, beta, rm, rv, eps=1e-5):
    # eval-mode BatchNorm1d using running statistics
    return (x - rm) / jnp.sqrt(rv + eps) * gamma + beta


def setup_inputs(seed: int = 0) -> dict:
    key = jax.random.key(seed)
    ks = jax.random.split(key, 16)
    s = 1.0 / np.sqrt(D)
    inp = {}
    inp['x'] = jax.random.normal(ks[0], (N, D), jnp.float32)
    inp['edge_index'] = jax.random.randint(ks[1], (2, E), 0, N, jnp.int32)
    # layer 1 (in -> hidden)
    inp['W_l1'] = jax.random.normal(ks[2], (D, D), jnp.float32) * s
    inp['b_l1'] = jnp.zeros((D,), jnp.float32)
    inp['W_r1'] = jax.random.normal(ks[3], (D, D), jnp.float32) * s
    inp['g1'] = jnp.ones((D,), jnp.float32)
    inp['be1'] = jnp.zeros((D,), jnp.float32)
    inp['m1'] = jnp.zeros((D,), jnp.float32)
    inp['v1'] = jnp.ones((D,), jnp.float32)
    # layer 2 (hidden -> hidden)
    inp['W_l2'] = jax.random.normal(ks[4], (D, D), jnp.float32) * s
    inp['b_l2'] = jnp.zeros((D,), jnp.float32)
    inp['W_r2'] = jax.random.normal(ks[5], (D, D), jnp.float32) * s
    inp['g2'] = jnp.ones((D,), jnp.float32)
    inp['be2'] = jnp.zeros((D,), jnp.float32)
    inp['m2'] = jnp.zeros((D,), jnp.float32)
    inp['v2'] = jnp.ones((D,), jnp.float32)
    # layer 3 (hidden -> out, no BN/relu/dropout)
    inp['W_l3'] = jax.random.normal(ks[6], (D, D), jnp.float32) * s
    inp['b_l3'] = jnp.zeros((D,), jnp.float32)
    inp['W_r3'] = jax.random.normal(ks[7], (D, D), jnp.float32) * s
    return inp


def reference(x, edge_index, W_l1, b_l1, W_r1, g1, be1, m1, v1, W_l2, b_l2, W_r2, g2, be2, m2, v2, W_l3, b_l3, W_r3):
    # dropout p=0.2 is identity in eval mode
    h = sage_conv(x, edge_index, W_l1, b_l1, W_r1)
    h = jax.nn.relu(batch_norm(h, g1, be1, m1, v1))
    h = sage_conv(h, edge_index, W_l2, b_l2, W_r2)
    h = jax.nn.relu(batch_norm(h, g2, be2, m2, v2))
    out = sage_conv(h, edge_index, W_l3, b_l3, W_r3)
    return out

if __name__ == "__main__":
    import jax
    _d = setup_inputs()
    print(jax.jit(kernel)(*tuple(_d.values())))

</pallas_src>

<mosaic_0001>
#map = affine_map<(d0, d1) -> (0, 0)>
#map1 = affine_map<(d0, d1) -> (0)>
#map2 = affine_map<(d0, d1) -> (0, 0, 0)>
module attributes {stable_mosaic.version = 14 : i64} {
  func.func @body(%arg0: i32, %arg1: i32, %arg2: memref<10000x128xf32, #tpu.memory_space<hbm>>, %arg3: memref<323584xi32, #tpu.memory_space<hbm>>, %arg4: memref<323584xi32, #tpu.memory_space<hbm>>, %arg5: memref<2x10112x128xf32, #tpu.memory_space<hbm>>, %arg6: memref<128xi32, #tpu.memory_space<vmem>>, %arg7: memref<128xi32, #tpu.memory_space<vmem>>, %arg8: memref<128x128xf32, #tpu.memory_space<vmem>>, %arg9: memref<10112x128xf32, #tpu.memory_space<vmem_shared>>, %arg10: memref<!tpu.dma_semaphore, #tpu.memory_space<semaphore_mem>>) attributes {dimension_semantics = [#tpu.dimension_semantics<core_parallel>, #tpu.dimension_semantics<subcore_parallel>], iteration_bounds = array<i64: 2, 16>, scalar_prefetch = 0 : i64, scratch_operands = 5 : i64, tpu.core_type = #tpu.core_type<sc_vector_subcore>, window_params = [{transform_indices = #map}, {transform_indices = #map1}, {transform_indices = #map1}, {transform_indices = #map2}]} {
    %mul3A = arith.constant 2 : i32
    %mul3A_0 = arith.muli %arg1, %mul3A : i32
    %add3A = arith.addi %mul3A_0, %arg0 : i32
    %broadcast_in_dim3A = arith.constant 0.000000e+00 : f32
    %broadcast_in_dim3A_1 = vector.broadcast %broadcast_in_dim3A : f32 to vector<16xf32>
    %scan3A = arith.constant 0 : i32
    %scan3A_2 = arith.constant 0 : i32
    %scan3A_3 = arith.constant 128 : i32
    %scan3A_4 = arith.addi %scan3A_2, %scan3A_3 : i32
    %scan3A_5 = arith.constant 1 : i32
    %scan3A_6 = scf.for %scan3A_42 = %scan3A_2 to %scan3A_4 step %scan3A_5 iter_args(%scan3A_43 = %scan3A) -> (i32)  : i32 {
      %swap3A = arith.index_cast %scan3A_42 : i32 to index
      %swap3A_44 = arith.constant 0 : index
      %swap3A_45 = tpu.vector_load %arg8[%swap3A, %swap3A_44] {strides = array<i32>} : memref<128x128xf32, #tpu.memory_space<vmem>>, vector<1x16xf32>,
      %swap3A_46 = vector.shape_cast %swap3A_45 : vector<1x16xf32> to vector<16xf32>
      %swap3A_47 = vector.shape_cast %broadcast_in_dim3A_1 : vector<16xf32> to vector<1x16xf32>
      tpu.vector_store %arg8[%swap3A, %swap3A_44], %swap3A_47 {strides = array<i32>} : memref<128x128xf32, #tpu.memory_space<vmem>>, vector<1x16xf32>,
      %swap3A_48 = arith.index_cast %scan3A_42 : i32 to index
      %swap3A_49 = arith.constant 16 : index
      %swap3A_50 = tpu.vector_load %arg8[%swap3A_48, %swap3A_49] {strides = array<i32>} : memref<128x128xf32, #tpu.memory_space<vmem>>, vector<1x16xf32>,
      %swap3A_51 = vector.shape_cast %swap3A_50 : vector<1x16xf32> to vector<16xf32>
      %swap3A_52 = vector.shape_cast %broadcast_in_dim3A_1 : vector<16xf32> to vector<1x16xf32>
      tpu.vector_store %arg8[%swap3A_48, %swap3A_49], %swap3A_52 {strides = array<i32>} : memref<128x128xf32, #tpu.memory_space<vmem>>, vector<1x16xf32>,
      %swap3A_53 = arith.index_cast %scan3A_42 : i32 to index
      %swap3A_54 = arith.constant 32 : index
      %swap3A_55 = tpu.vector_load %arg8[%swap3A_53, %swap3A_54] {strides = array<i32>} : memref<128x128xf32, #tpu.memory_space<vmem>>, vector<1x16xf32>,
      %swap3A_56 = vector.shape_cast %swap3A_55 : vector<1x16xf32> to vector<16xf32>
      %swap3A_57 = vector.shape_cast %broadcast_in_dim3A_1 : vector<16xf32> to vector<1x16xf32>
      tpu.vector_store %arg8[%swap3A_53, %swap3A_54], %swap3A_57 {strides = array<i32>} : memref<128x128xf32, #tpu.memory_space<vmem>>, vector<1x16xf32>,
      %swap3A_58 = arith.index_cast %scan3A_42 : i32 to index
      %swap3A_59 = arith.constant 48 : index
      %swap3A_60 = tpu.vector_load %arg8[%swap3A_58, %swap3A_59] {strides = array<i32>} : memref<128x128xf32, #tpu.memory_space<vmem>>, vector<1x16xf32>,
      %swap3A_61 = vector.shape_cast %swap3A_60 : vector<1x16xf32> to vector<16xf32>
      %swap3A_62 = vector.shape_cast %broadcast_in_dim3A_1 : vector<16xf32> to vector<1x16xf32>
      tpu.vector_store %arg8[%swap3A_58, %swap3A_59], %swap3A_62 {strides = array<i32>} : memref<128x128xf32, #tpu.memory_space<vmem>>, vector<1x16xf32>,
      %swap3A_63 = arith.index_cast %scan3A_42 : i32 to index
      %swap3A_64 = arith.constant 64 : index
      %swap3A_65 = tpu.vector_load %arg8[%swap3A_63, %swap3A_64] {strides = array<i32>} : memref<128x128xf32, #tpu.memory_space<vmem>>, vector<1x16xf32>,
      %swap3A_66 = vector.shape_cast %swap3A_65 : vector<1x16xf32> to vector<16xf32>
      %swap3A_67 = vector.shape_cast %broadcast_in_dim3A_1 : vector<16xf32> to vector<1x16xf32>
      tpu.vector_store %arg8[%swap3A_63, %swap3A_64], %swap3A_67 {strides = array<i32>} : memref<128x128xf32, #tpu.memory_space<vmem>>, vector<1x16xf32>,
      %swap3A_68 = arith.index_cast %scan3A_42 : i32 to index
      %swap3A_69 = arith.constant 80 : index
      %swap3A_70 = tpu.vector_load %arg8[%swap3A_68, %swap3A_69] {strides = array<i32>} : memref<128x128xf32, #tpu.memory_space<vmem>>, vector<1x16xf32>,
      %swap3A_71 = vector.shape_cast %swap3A_70 : vector<1x16xf32> to vector<16xf32>
      %swap3A_72 = vector.shape_cast %broadcast_in_dim3A_1 : vector<16xf32> to vector<1x16xf32>
      tpu.vector_store %arg8[%swap3A_68, %swap3A_69], %swap3A_72 {strides = array<i32>} : memref<128x128xf32, #tpu.memory_space<vmem>>, vector<1x16xf32>,
      %swap3A_73 = arith.index_cast %scan3A_42 : i32 to index
      %swap3A_74 = arith.constant 96 : index
      %swap3A_75 = tpu.vector_load %arg8[%swap3A_73, %swap3A_74] {strides = array<i32>} : memref<128x128xf32, #tpu.memory_space<vmem>>, vector<1x16xf32>,
      %swap3A_76 = vector.shape_cast %swap3A_75 : vector<1x16xf32> to vector<16xf32>
      %swap3A_77 = vector.shape_cast %broadcast_in_dim3A_1 : vector<16xf32> to vector<1x16xf32>
      tpu.vector_store %arg8[%swap3A_73, %swap3A_74], %swap3A_77 {strides = array<i32>} : memref<128x128xf32, #tpu.memory_space<vmem>>, vector<1x16xf32>,
      %swap3A_78 = arith.index_cast %scan3A_42 : i32 to index
      %swap3A_79 = arith.constant 112 : index
      %swap3A_80 = tpu.vector_load %arg8[%swap3A_78, %swap3A_79] {strides = array<i32>} : memref<128x128xf32, #tpu.memory_space<vmem>>, vector<1x16xf32>,
      %swap3A_81 = vector.shape_cast %swap3A_80 : vector<1x16xf32> to vector<16xf32>
      %swap3A_82 = vector.shape_cast %broadcast_in_dim3A_1 : vector<16xf32> to vector<1x16xf32>
      tpu.vector_store %arg8[%swap3A_78, %swap3A_79], %swap3A_82 {strides = array<i32>} : memref<128x128xf32, #tpu.memory_space<vmem>>, vector<1x16xf32>,
      %scan3A_83 = arith.constant 0 : i32
      scf.yield %scan3A_83 : i32
    }
    %scan3A_7 = arith.constant 128 : i32
    %mul3A_8 = arith.constant 632 : i32
    %mul3A_9 = arith.muli %arg1, %mul3A_8 : i32
    %add3A_10 = arith.constant 0 : i32
    %add3A_11 = arith.addi %mul3A_9, %add3A_10 : i32
    "tpu.region"() ({
      %run_scoped3A = tpu.sem_alloc : memref<!tpu.dma_semaphore, #tpu.memory_space<semaphore_mem>>
      %dma_start3A = arith.constant 0 : i32
      %dma_start3A_42 = arith.constant 0 : i32
      %dma_start3A_43 = tpu.memref_slice %arg8[%dma_start3A, %dma_start3A_42] : memref<128x128xf32, #tpu.memory_space<vmem>> -> memref<128x128xf32, #tpu.memory_space<vmem>>
      %dma_start3A_44 = arith.constant 0 : i32
      %dma_start3A_45 = tpu.memref_slice %arg9[%add3A_11, %dma_start3A_44] : memref<10112x128xf32, #tpu.memory_space<vmem_shared>> -> memref<128x128xf32, #tpu.memory_space<vmem_shared>>
      %dma_start3A_46 = arith.constant 0 : i32
      %dma_start3A_47 = tpu.memref_slice %arg9[%add3A_11, %dma_start3A_46] : memref<10112x128xf32, #tpu.memory_space<vmem_shared>> -> memref<128x128xf32, #tpu.memory_space<vmem_shared>>
      %dma_start3A_48 = arith.constant 0 : i32
      %dma_start3A_49 = arith.constant 0 : i32
      %dma_start3A_50 = tpu.memref_slice %arg8[%dma_start3A_48, %dma_start3A_49] : memref<128x128xf32, #tpu.memory_space<vmem>> -> memref<128x128xf32, #tpu.memory_space<vmem>>
      tpu.enqueue_dma source(%dma_start3A_50 : memref<128x128xf32, #tpu.memory_space<vmem>>) target(%dma_start3A_47 : memref<128x128xf32, #tpu.memory_space<vmem_shared>>) target_semaphore(%run_scoped3A : memref<!tpu.dma_semaphore, #tpu.memory_space<semaphore_mem>>)
      %dma_wait3A = arith.constant 0 : i32
      %dma_wait3A_51 = arith.constant 0 : i32
      %dma_wait3A_52 = tpu.memref_slice %arg8[%dma_wait3A, %dma_wait3A_51] : memref<128x128xf32, #tpu.memory_space<vmem>> -> memref<128x128xf32, #tpu.memory_space<vmem>>
      %dma_wait3A_53 = arith.constant 0 : i32
      %dma_wait3A_54 = tpu.memref_slice %arg9[%add3A_11, %dma_wait3A_53] : memref<10112x128xf32, #tpu.memory_space<vmem_shared>> -> memref<128x128xf32, #tpu.memory_space<vmem_shared>>
      %dma_wait3A_55 = arith.constant 0 : i32
      %dma_wait3A_56 = tpu.memref_slice %arg9[%add3A_11, %dma_wait3A_55] : memref<10112x128xf32, #tpu.memory_space<vmem_shared>> -> memref<128x128xf32, #tpu.memory_space<vmem_shared>>
      %dma_wait3A_57 = arith.constant 0 : i32
      %dma_wait3A_58 = arith.constant 0 : i32
      %dma_wait3A_59 = tpu.memref_slice %arg8[%dma_wait3A_57, %dma_wait3A_58] : memref<128x128xf32, #tpu.memory_space<vmem>> -> memref<128x128xf32, #tpu.memory_space<vmem>>
      tpu.wait_dma2 semaphore(%run_scoped3A : memref<!tpu.dma_semaphore, #tpu.memory_space<semaphore_mem>>) src(%dma_wait3A_59 : memref<128x128xf32, #tpu.memory_space<vmem>>) dst(%dma_wait3A_56 : memref<128x128xf32, #tpu.memory_space<vmem_shared>>)
      tpu.yield
    }) : () -> ()
    %mul3A_12 = arith.constant 632 : i32
    %mul3A_13 = arith.muli %arg1, %mul3A_12 : i32
    %add3A_14 = arith.constant 128 : i32
    %add3A_15 = arith.addi %mul3A_13, %add3A_14 : i32
    "tpu.region"() ({
      %run_scoped3A = tpu.sem_alloc : memref<!tpu.dma_semaphore, #tpu.memory_space<semaphore_mem>>
      %dma_start3A = arith.constant 0 : i32
      %dma_start3A_42 = arith.constant 0 : i32
      %dma_start3A_43 = tpu.memref_slice %arg8[%dma_start3A, %dma_start3A_42] : memref<128x128xf32, #tpu.memory_space<vmem>> -> memref<128x128xf32, #tpu.memory_space<vmem>>
      %dma_start3A_44 = arith.constant 0 : i32
      %dma_start3A_45 = tpu.memref_slice %arg9[%add3A_15, %dma_start3A_44] : memref<10112x128xf32, #tpu.memory_space<vmem_shared>> -> memref<128x128xf32, #tpu.memory_space<vmem_shared>>
      %dma_start3A_46 = arith.constant 0 : i32
      %dma_start3A_47 = tpu.memref_slice %arg9[%add3A_15, %dma_start3A_46] : memref<10112x128xf32, #tpu.memory_space<vmem_shared>> -> memref<128x128xf32, #tpu.memory_space<vmem_shared>>
      %dma_start3A_48 = arith.constant 0 : i32
      %dma_start3A_49 = arith.constant 0 : i32
      %dma_start3A_50 = tpu.memref_slice %arg8[%dma_start3A_48, %dma_start3A_49] : memref<128x128xf32, #tpu.memory_space<vmem>> -> memref<128x128xf32, #tpu.memory_space<vmem>>
      tpu.enqueue_dma source(%dma_start3A_50 : memref<128x128xf32, #tpu.memory_space<vmem>>) target(%dma_start3A_47 : memref<128x128xf32, #tpu.memory_space<vmem_shared>>) target_semaphore(%run_scoped3A : memref<!tpu.dma_semaphore, #tpu.memory_space<semaphore_mem>>)
      %dma_wait3A = arith.constant 0 : i32
      %dma_wait3A_51 = arith.constant 0 : i32
      %dma_wait3A_52 = tpu.memref_slice %arg8[%dma_wait3A, %dma_wait3A_51] : memref<128x128xf32, #tpu.memory_space<vmem>> -> memref<128x128xf32, #tpu.memory_space<vmem>>
      %dma_wait3A_53 = arith.constant 0 : i32
      %dma_wait3A_54 = tpu.memref_slice %arg9[%add3A_15, %dma_wait3A_53] : memref<10112x128xf32, #tpu.memory_space<vmem_shared>> -> memref<128x128xf32, #tpu.memory_space<vmem_shared>>
      %dma_wait3A_55 = arith.constant 0 : i32
      %dma_wait3A_56 = tpu.memref_slice %arg9[%add3A_15, %dma_wait3A_55] : memref<10112x128xf32, #tpu.memory_space<vmem_shared>> -> memref<128x128xf32, #tpu.memory_space<vmem_shared>>
      %dma_wait3A_57 = arith.constant 0 : i32
      %dma_wait3A_58 = arith.constant 0 : i32
      %dma_wait3A_59 = tpu.memref_slice %arg8[%dma_wait3A_57, %dma_wait3A_58] : memref<128x128xf32, #tpu.memory_space<vmem>> -> memref<128x128xf32, #tpu.memory_space<vmem>>
      tpu.wait_dma2 semaphore(%run_scoped3A : memref<!tpu.dma_semaphore, #tpu.memory_space<semaphore_mem>>) src(%dma_wait3A_59 : memref<128x128xf32, #tpu.memory_space<vmem>>) dst(%dma_wait3A_56 : memref<128x128xf32, #tpu.memory_space<vmem_shared>>)
      tpu.yield
    }) : () -> ()
    %mul3A_16 = arith.constant 632 : i32
    %mul3A_17 = arith.muli %arg1, %mul3A_16 : i32
    %add3A_18 = arith.constant 256 : i32
    %add3A_19 = arith.addi %mul3A_17, %add3A_18 : i32
    "tpu.region"() ({
      %run_scoped3A = tpu.sem_alloc : memref<!tpu.dma_semaphore, #tpu.memory_space<semaphore_mem>>
      %dma_start3A = arith.constant 0 : i32
      %dma_start3A_42 = arith.constant 0 : i32
      %dma_start3A_43 = tpu.memref_slice %arg8[%dma_start3A, %dma_start3A_42] : memref<128x128xf32, #tpu.memory_space<vmem>> -> memref<128x128xf32, #tpu.memory_space<vmem>>
      %dma_start3A_44 = arith.constant 0 : i32
      %dma_start3A_45 = tpu.memref_slice %arg9[%add3A_19, %dma_start3A_44] : memref<10112x128xf32, #tpu.memory_space<vmem_shared>> -> memref<128x128xf32, #tpu.memory_space<vmem_shared>>
      %dma_start3A_46 = arith.constant 0 : i32
      %dma_start3A_47 = tpu.memref_slice %arg9[%add3A_19, %dma_start3A_46] : memref<10112x128xf32, #tpu.memory_space<vmem_shared>> -> memref<128x128xf32, #tpu.memory_space<vmem_shared>>
      %dma_start3A_48 = arith.constant 0 : i32
      %dma_start3A_49 = arith.constant 0 : i32
      %dma_start3A_50 = tpu.memref_slice %arg8[%dma_start3A_48, %dma_start3A_49] : memref<128x128xf32, #tpu.memory_space<vmem>> -> memref<128x128xf32, #tpu.memory_space<vmem>>
      tpu.enqueue_dma source(%dma_start3A_50 : memref<128x128xf32, #tpu.memory_space<vmem>>) target(%dma_start3A_47 : memref<128x128xf32, #tpu.memory_space<vmem_shared>>) target_semaphore(%run_scoped3A : memref<!tpu.dma_semaphore, #tpu.memory_space<semaphore_mem>>)
      %dma_wait3A = arith.constant 0 : i32
      %dma_wait3A_51 = arith.constant 0 : i32
      %dma_wait3A_52 = tpu.memref_slice %arg8[%dma_wait3A, %dma_wait3A_51] : memref<128x128xf32, #tpu.memory_space<vmem>> -> memref<128x128xf32, #tpu.memory_space<vmem>>
      %dma_wait3A_53 = arith.constant 0 : i32
      %dma_wait3A_54 = tpu.memref_slice %arg9[%add3A_19, %dma_wait3A_53] : memref<10112x128xf32, #tpu.memory_space<vmem_shared>> -> memref<128x128xf32, #tpu.memory_space<vmem_shared>>
      %dma_wait3A_55 = arith.constant 0 : i32
      %dma_wait3A_56 = tpu.memref_slice %arg9[%add3A_19, %dma_wait3A_55] : memref<10112x128xf32, #tpu.memory_space<vmem_shared>> -> memref<128x128xf32, #tpu.memory_space<vmem_shared>>
      %dma_wait3A_57 = arith.constant 0 : i32
      %dma_wait3A_58 = arith.constant 0 : i32
      %dma_wait3A_59 = tpu.memref_slice %arg8[%dma_wait3A_57, %dma_wait3A_58] : memref<128x128xf32, #tpu.memory_space<vmem>> -> memref<128x128xf32, #tpu.memory_space<vmem>>
      tpu.wait_dma2 semaphore(%run_scoped3A : memref<!tpu.dma_semaphore, #tpu.memory_space<semaphore_mem>>) src(%dma_wait3A_59 : memref<128x128xf32, #tpu.memory_space<vmem>>) dst(%dma_wait3A_56 : memref<128x128xf32, #tpu.memory_space<vmem_shared>>)
      tpu.yield
    }) : () -> ()
    %mul3A_20 = arith.constant 632 : i32
    %mul3A_21 = arith.muli %arg1, %mul3A_20 : i32
    %add3A_22 = arith.constant 384 : i32
    %add3A_23 = arith.addi %mul3A_21, %add3A_22 : i32
    "tpu.region"() ({
      %run_scoped3A = tpu.sem_alloc : memref<!tpu.dma_semaphore, #tpu.memory_space<semaphore_mem>>
      %dma_start3A = arith.constant 0 : i32
      %dma_start3A_42 = arith.constant 0 : i32
      %dma_start3A_43 = tpu.memref_slice %arg8[%dma_start3A, %dma_start3A_42] : memref<128x128xf32, #tpu.memory_space<vmem>> -> memref<128x128xf32, #tpu.memory_space<vmem>>
      %dma_start3A_44 = arith.constant 0 : i32
      %dma_start3A_45 = tpu.memref_slice %arg9[%add3A_23, %dma_start3A_44] : memref<10112x128xf32, #tpu.memory_space<vmem_shared>> -> memref<128x128xf32, #tpu.memory_space<vmem_shared>>
      %dma_start3A_46 = arith.constant 0 : i32
      %dma_start3A_47 = tpu.memref_slice %arg9[%add3A_23, %dma_start3A_46] : memref<10112x128xf32, #tpu.memory_space<vmem_shared>> -> memref<128x128xf32, #tpu.memory_space<vmem_shared>>
      %dma_start3A_48 = arith.constant 0 : i32
      %dma_start3A_49 = arith.constant 0 : i32
      %dma_start3A_50 = tpu.memref_slice %arg8[%dma_start3A_48, %dma_start3A_49] : memref<128x128xf32, #tpu.memory_space<vmem>> -> memref<128x128xf32, #tpu.memory_space<vmem>>
      tpu.enqueue_dma source(%dma_start3A_50 : memref<128x128xf32, #tpu.memory_space<vmem>>) target(%dma_start3A_47 : memref<128x128xf32, #tpu.memory_space<vmem_shared>>) target_semaphore(%run_scoped3A : memref<!tpu.dma_semaphore, #tpu.memory_space<semaphore_mem>>)
      %dma_wait3A = arith.constant 0 : i32
      %dma_wait3A_51 = arith.constant 0 : i32
      %dma_wait3A_52 = tpu.memref_slice %arg8[%dma_wait3A, %dma_wait3A_51] : memref<128x128xf32, #tpu.memory_space<vmem>> -> memref<128x128xf32, #tpu.memory_space<vmem>>
      %dma_wait3A_53 = arith.constant 0 : i32
      %dma_wait3A_54 = tpu.memref_slice %arg9[%add3A_23, %dma_wait3A_53] : memref<10112x128xf32, #tpu.memory_space<vmem_shared>> -> memref<128x128xf32, #tpu.memory_space<vmem_shared>>
      %dma_wait3A_55 = arith.constant 0 : i32
      %dma_wait3A_56 = tpu.memref_slice %arg9[%add3A_23, %dma_wait3A_55] : memref<10112x128xf32, #tpu.memory_space<vmem_shared>> -> memref<128x128xf32, #tpu.memory_space<vmem_shared>>
      %dma_wait3A_57 = arith.constant 0 : i32
      %dma_wait3A_58 = arith.constant 0 : i32
      %dma_wait3A_59 = tpu.memref_slice %arg8[%dma_wait3A_57, %dma_wait3A_58] : memref<128x128xf32, #tpu.memory_space<vmem>> -> memref<128x128xf32, #tpu.memory_space<vmem>>
      tpu.wait_dma2 semaphore(%run_scoped3A : memref<!tpu.dma_semaphore, #tpu.memory_space<semaphore_mem>>) src(%dma_wait3A_59 : memref<128x128xf32, #tpu.memory_space<vmem>>) dst(%dma_wait3A_56 : memref<128x128xf32, #tpu.memory_space<vmem_shared>>)
      tpu.yield
    }) : () -> ()
    %mul3A_24 = arith.constant 632 : i32
    %mul3A_25 = arith.muli %arg1, %mul3A_24 : i32
    %add3A_26 = arith.constant 512 : i32
    %add3A_27 = arith.addi %mul3A_25, %add3A_26 : i32
    "tpu.region"() ({
      %run_scoped3A = tpu.sem_alloc : memref<!tpu.dma_semaphore, #tpu.memory_space<semaphore_mem>>
      %dma_start3A = arith.constant 0 : i32
      %dma_start3A_42 = arith.constant 0 : i32
      %dma_start3A_43 = tpu.memref_slice %arg8[%dma_start3A, %dma_start3A_42] : memref<128x128xf32, #tpu.memory_space<vmem>> -> memref<120x128xf32, #tpu.memory_space<vmem>>
      %dma_start3A_44 = arith.constant 0 : i32
      %dma_start3A_45 = tpu.memref_slice %arg9[%add3A_27, %dma_start3A_44] : memref<10112x128xf32, #tpu.memory_space<vmem_shared>> -> memref<120x128xf32, #tpu.memory_space<vmem_shared>>
      %dma_start3A_46 = arith.constant 0 : i32
      %dma_start3A_47 = tpu.memref_slice %arg9[%add3A_27, %dma_start3A_46] : memref<10112x128xf32, #tpu.memory_space<vmem_shared>> -> memref<120x128xf32, #tpu.memory_space<vmem_shared>>
      %dma_start3A_48 = arith.constant 0 : i32
      %dma_start3A_49 = arith.constant 0 : i32
      %dma_start3A_50 = tpu.memref_slice %arg8[%dma_start3A_48, %dma_start3A_49] : memref<128x128xf32, #tpu.memory_space<vmem>> -> memref<120x128xf32, #tpu.memory_space<vmem>>
      tpu.enqueue_dma source(%dma_start3A_50 : memref<120x128xf32, #tpu.memory_space<vmem>>) target(%dma_start3A_47 : memref<120x128xf32, #tpu.memory_space<vmem_shared>>) target_semaphore(%run_scoped3A : memref<!tpu.dma_semaphore, #tpu.memory_space<semaphore_mem>>)
      %dma_wait3A = arith.constant 0 : i32
      %dma_wait3A_51 = arith.constant 0 : i32
      %dma_wait3A_52 = tpu.memref_slice %arg8[%dma_wait3A, %dma_wait3A_51] : memref<128x128xf32, #tpu.memory_space<vmem>> -> memref<120x128xf32, #tpu.memory_space<vmem>>
      %dma_wait3A_53 = arith.constant 0 : i32
      %dma_wait3A_54 = tpu.memref_slice %arg9[%add3A_27, %dma_wait3A_53] : memref<10112x128xf32, #tpu.memory_space<vmem_shared>> -> memref<120x128xf32, #tpu.memory_space<vmem_shared>>
      %dma_wait3A_55 = arith.constant 0 : i32
      %dma_wait3A_56 = tpu.memref_slice %arg9[%add3A_27, %dma_wait3A_55] : memref<10112x128xf32, #tpu.memory_space<vmem_shared>> -> memref<120x128xf32, #tpu.memory_space<vmem_shared>>
      %dma_wait3A_57 = arith.constant 0 : i32
      %dma_wait3A_58 = arith.constant 0 : i32
      %dma_wait3A_59 = tpu.memref_slice %arg8[%dma_wait3A_57, %dma_wait3A_58] : memref<128x128xf32, #tpu.memory_space<vmem>> -> memref<120x128xf32, #tpu.memory_space<vmem>>
      tpu.wait_dma2 semaphore(%run_scoped3A : memref<!tpu.dma_semaphore, #tpu.memory_space<semaphore_mem>>) src(%dma_wait3A_59 : memref<120x128xf32, #tpu.memory_space<vmem>>) dst(%dma_wait3A_56 : memref<120x128xf32, #tpu.memory_space<vmem_shared>>)
      tpu.yield
    }) : () -> ()
    %barrier3A = arith.constant 0 : index
    tpu.barrier barrier_id(%barrier3A)
    %mul3A_28 = arith.constant 10112 : i32
    %mul3A_29 = arith.muli %add3A, %mul3A_28 : i32
    %scan3A_30 = arith.constant 0 : i32
    %scan3A_31 = arith.constant 0 : i32
    %scan3A_32 = arith.constant 79 : i32
    %scan3A_33 = arith.addi %scan3A_31, %scan3A_32 : i32
    %scan3A_34 = arith.constant 1 : i32
    %scan3A_35 = scf.for %scan3A_42 = %scan3A_31 to %scan3A_33 step %scan3A_34 iter_args(%scan3A_43 = %scan3A_30) -> (i32)  : i32 {
      %mul3A_44 = arith.constant 128 : i32
      %mul3A_45 = arith.muli %scan3A_42, %mul3A_44 : i32
      %add3A_46 = arith.addi %mul3A_29, %mul3A_45 : i32
      "tpu.region"() ({
        %run_scoped3A = tpu.sem_alloc : memref<!tpu.dma_semaphore, #tpu.memory_space<semaphore_mem>>
        %dma_start3A_52 = tpu.memref_slice %arg3[%add3A_46] : memref<323584xi32, #tpu.memory_space<hbm>> -> memref<128xi32, #tpu.memory_space<hbm>>
        %dma_start3A_53 = tpu.memref_slice %arg3[%add3A_46] : memref<323584xi32, #tpu.memory_space<hbm>> -> memref<128xi32, #tpu.memory_space<hbm>>
        tpu.enqueue_dma source(%dma_start3A_53 : memref<128xi32, #tpu.memory_space<hbm>>) target(%arg6 : memref<128xi32, #tpu.memory_space<vmem>>) target_semaphore(%run_scoped3A : memref<!tpu.dma_semaphore, #tpu.memory_space<semaphore_mem>>)
        %dma_wait3A_54 = tpu.memref_slice %arg3[%add3A_46] : memref<323584xi32, #tpu.memory_space<hbm>> -> memref<128xi32, #tpu.memory_space<hbm>>
        %dma_wait3A_55 = tpu.memref_slice %arg3[%add3A_46] : memref<323584xi32, #tpu.memory_space<hbm>> -> memref<128xi32, #tpu.memory_space<hbm>>
        tpu.wait_dma2 semaphore(%run_scoped3A : memref<!tpu.dma_semaphore, #tpu.memory_space<semaphore_mem>>) src(%dma_wait3A_55 : memref<128xi32, #tpu.memory_space<hbm>>) dst(%arg6 : memref<128xi32, #tpu.memory_space<vmem>>)
        tpu.yield
      }) : () -> ()
      "tpu.region"() ({
        %run_scoped3A = tpu.sem_alloc : memref<!tpu.dma_semaphore, #tpu.memory_space<semaphore_mem>>
        %dma_start3A_52 = tpu.memref_slice %arg4[%add3A_46] : memref<323584xi32, #tpu.memory_space<hbm>> -> memref<128xi32, #tpu.memory_space<hbm>>
        %dma_start3A_53 = tpu.memref_slice %arg4[%add3A_46] : memref<323584xi32, #tpu.memory_space<hbm>> -> memref<128xi32, #tpu.memory_space<hbm>>
        tpu.enqueue_dma source(%dma_start3A_53 : memref<128xi32, #tpu.memory_space<hbm>>) target(%arg7 : memref<128xi32, #tpu.memory_space<vmem>>) target_semaphore(%run_scoped3A : memref<!tpu.dma_semaphore, #tpu.memory_space<semaphore_mem>>)
        %dma_wait3A_54 = tpu.memref_slice %arg4[%add3A_46] : memref<323584xi32, #tpu.memory_space<hbm>> -> memref<128xi32, #tpu.memory_space<hbm>>
        %dma_wait3A_55 = tpu.memref_slice %arg4[%add3A_46] : memref<323584xi32, #tpu.memory_space<hbm>> -> memref<128xi32, #tpu.memory_space<hbm>>
        tpu.wait_dma2 semaphore(%run_scoped3A : memref<!tpu.dma_semaphore, #tpu.memory_space<semaphore_mem>>) src(%dma_wait3A_55 : memref<128xi32, #tpu.memory_space<hbm>>) dst(%arg7 : memref<128xi32, #tpu.memory_space<vmem>>)
        tpu.yield
      }) : () -> ()
      %dma_start3A = arith.constant 0 : i32
      %dma_start3A_47 = arith.constant 0 : i32
      %dma_start3A_48 = tpu.memref_slice %arg2[%dma_start3A, %dma_start3A_47] : memref<10000x128xf32, #tpu.memory_space<hbm>> -> memref<10000x128xf32, #tpu.memory_space<hbm>>
      tpu.enqueue_indirect_dma source(%dma_start3A_48 : memref<10000x128xf32, #tpu.memory_space<hbm>>) target(%arg8 : memref<128x128xf32, #tpu.memory_space<vmem>>) offsets(%arg6 : memref<128xi32, #tpu.memory_space<vmem>>) semaphore(%arg10 : memref<!tpu.dma_semaphore, #tpu.memory_space<semaphore_mem>>)
      %dma_wait3A = arith.constant 0 : i32
      %dma_wait3A_49 = arith.constant 0 : i32
      %dma_wait3A_50 = tpu.memref_slice %arg2[%dma_wait3A, %dma_wait3A_49] : memref<10000x128xf32, #tpu.memory_space<hbm>> -> memref<10000x128xf32, #tpu.memory_space<hbm>>
      tpu.wait_indirect_dma semaphore(%arg10 : memref<!tpu.dma_semaphore, #tpu.memory_space<semaphore_mem>>) src(%dma_wait3A_50 : memref<10000x128xf32, #tpu.memory_space<hbm>>) dst(%arg8 : memref<128x128xf32, #tpu.memory_space<vmem>>)
      "tpu.region"() ({
        %run_scoped3A = tpu.sem_alloc : memref<!tpu.dma_semaphore, #tpu.memory_space<semaphore_mem>>
        %dma_start3A_52 = arith.constant 0 : i32
        %dma_start3A_53 = arith.constant 0 : i32
        %dma_start3A_54 = tpu.memref_slice %arg9[%dma_start3A_52, %dma_start3A_53] : memref<10112x128xf32, #tpu.memory_space<vmem_shared>> -> memref<10112x128xf32, #tpu.memory_space<vmem_shared>>
        tpu.enqueue_indirect_dma source(%arg8 : memref<128x128xf32, #tpu.memory_space<vmem>>) target(%dma_start3A_54 : memref<10112x128xf32, #tpu.memory_space<vmem_shared>>) offsets(%arg7 : memref<128xi32, #tpu.memory_space<vmem>>) semaphore(%run_scoped3A : memref<!tpu.dma_semaphore, #tpu.memory_space<semaphore_mem>>) {add = true}
        %dma_wait3A_55 = arith.constant 0 : i32
        %dma_wait3A_56 = arith.constant 0 : i32
        %dma_wait3A_57 = tpu.memref_slice %arg9[%dma_wait3A_55, %dma_wait3A_56] : memref<10112x128xf32, #tpu.memory_space<vmem_shared>> -> memref<10112x128xf32, #tpu.memory_space<vmem_shared>>
        tpu.wait_indirect_dma semaphore(%run_scoped3A : memref<!tpu.dma_semaphore, #tpu.memory_space<semaphore_mem>>) src(%arg8 : memref<128x128xf32, #tpu.memory_space<vmem>>) dst(%dma_wait3A_57 : memref<10112x128xf32, #tpu.memory_space<vmem_shared>>)
        tpu.yield
      }) : () -> ()
      %scan3A_51 = arith.constant 0 : i32
      scf.yield %scan3A_51 : i32
    }
    %scan3A_36 = arith.constant 79 : i32
    %barrier3A_37 = arith.constant 0 : index
    tpu.barrier barrier_id(%barrier3A_37)
    %mul3A_38 = arith.constant 632 : i32
    %mul3A_39 = arith.muli %arg1, %mul3A_38 : i32
    %mul3A_40 = arith.constant 632 : i32
    %mul3A_41 = arith.muli %arg1, %mul3A_40 : i32
    "tpu.region"() ({
      %run_scoped3A = tpu.sem_alloc : memref<!tpu.dma_semaphore, #tpu.memory_space<semaphore_mem>>
      %dma_start3A = arith.constant 0 : i32
      %dma_start3A_42 = tpu.memref_slice %arg5[%arg0, %mul3A_41, %dma_start3A] : memref<2x10112x128xf32, #tpu.memory_space<hbm>> -> memref<1x632x128xf32, #tpu.memory_space<hbm>>
      %dma_start3A_43 = tpu.memref_squeeze %dma_start3A_42 : memref<1x632x128xf32, #tpu.memory_space<hbm>> -> memref<632x128xf32, #tpu.memory_space<hbm>>
      %dma_start3A_44 = arith.constant 0 : i32
      %dma_start3A_45 = tpu.memref_slice %arg9[%mul3A_39, %dma_start3A_44] : memref<10112x128xf32, #tpu.memory_space<vmem_shared>> -> memref<632x128xf32, #tpu.memory_space<vmem_shared>>
      tpu.enqueue_dma source(%dma_start3A_45 : memref<632x128xf32, #tpu.memory_space<vmem_shared>>) target(%dma_start3A_43 : memref<632x128xf32, #tpu.memory_space<hbm>>) target_semaphore(%run_scoped3A : memref<!tpu.dma_semaphore, #tpu.memory_space<semaphore_mem>>)
      %dma_wait3A = arith.constant 0 : i32
      %dma_wait3A_46 = tpu.memref_slice %arg5[%arg0, %mul3A_41, %dma_wait3A] : memref<2x10112x128xf32, #tpu.memory_space<hbm>> -> memref<1x632x128xf32, #tpu.memory_space<hbm>>
      %dma_wait3A_47 = tpu.memref_squeeze %dma_wait3A_46 : memref<1x632x128xf32, #tpu.memory_space<hbm>> -> memref<632x128xf32, #tpu.memory_space<hbm>>
      %dma_wait3A_48 = arith.constant 0 : i32
      %dma_wait3A_49 = tpu.memref_slice %arg9[%mul3A_39, %dma_wait3A_48] : memref<10112x128xf32, #tpu.memory_space<vmem_shared>> -> memref<632x128xf32, #tpu.memory_space<vmem_shared>>
      tpu.wait_dma2 semaphore(%run_scoped3A : memref<!tpu.dma_semaphore, #tpu.memory_space<semaphore_mem>>) src(%dma_wait3A_49 : memref<632x128xf32, #tpu.memory_space<vmem_shared>>) dst(%dma_wait3A_47 : memref<632x128xf32, #tpu.memory_space<hbm>>)
      tpu.yield
    }) : () -> ()
    return
  }
}

#map = affine_map<(d0, d1) -> (0)>
#map1 = affine_map<(d0, d1) -> (0, 0, 0)>
module attributes {stable_mosaic.version = 14 : i64} {
  func.func @body(%arg0: i32, %arg1: i32, %arg2: memref<323584xi32, #tpu.memory_space<hbm>>, %arg3: memref<2x10112x128xf32, #tpu.memory_space<hbm>>, %arg4: memref<128xi32, #tpu.memory_space<vmem>>, %arg5: memref<128x128xf32, #tpu.memory_space<vmem>>, %arg6: memref<128x128xf32, #tpu.memory_space<vmem>>, %arg7: memref<10112x128xf32, #tpu.memory_space<vmem_shared>>) attributes {dimension_semantics = [#tpu.dimension_semantics<core_parallel>, #tpu.dimension_semantics<subcore_parallel>], iteration_bounds = array<i64: 2, 16>, scalar_prefetch = 0 : i64, scratch_operands = 4 : i64, tpu.core_type = #tpu.core_type<sc_vector_subcore>, window_params = [{transform_indices = #map}, {transform_indices = #map1}]} {
    %mul3A = arith.constant 2 : i32
    %mul3A_0 = arith.muli %arg1, %mul3A : i32
    %add3A = arith.addi %mul3A_0, %arg0 : i32
    %broadcast_in_dim3A = arith.constant 0.000000e+00 : f32
    %broadcast_in_dim3A_1 = vector.broadcast %broadcast_in_dim3A : f32 to vector<16xf32>
    %broadcast_in_dim3A_2 = arith.constant 1.000000e+00 : f32
    %broadcast_in_dim3A_3 = vector.broadcast %broadcast_in_dim3A_2 : f32 to vector<16xf32>
    %scan3A = arith.constant 0 : i32
    %scan3A_4 = arith.constant 0 : i32
    %scan3A_5 = arith.constant 128 : i32
    %scan3A_6 = arith.addi %scan3A_4, %scan3A_5 : i32
    %scan3A_7 = arith.constant 1 : i32
    %scan3A_8 = scf.for %scan3A_44 = %scan3A_4 to %scan3A_6 step %scan3A_7 iter_args(%scan3A_45 = %scan3A) -> (i32)  : i32 {
      %swap3A = arith.index_cast %scan3A_44 : i32 to index
      %swap3A_46 = arith.constant 0 : index
      %swap3A_47 = tpu.vector_load %arg5[%swap3A, %swap3A_46] {strides = array<i32>} : memref<128x128xf32, #tpu.memory_space<vmem>>, vector<1x16xf32>,
      %swap3A_48 = vector.shape_cast %swap3A_47 : vector<1x16xf32> to vector<16xf32>
      %swap3A_49 = vector.shape_cast %broadcast_in_dim3A_3 : vector<16xf32> to vector<1x16xf32>
      tpu.vector_store %arg5[%swap3A, %swap3A_46], %swap3A_49 {strides = array<i32>} : memref<128x128xf32, #tpu.memory_space<vmem>>, vector<1x16xf32>,
      %swap3A_50 = arith.index_cast %scan3A_44 : i32 to index
      %swap3A_51 = arith.constant 0 : index
      %swap3A_52 = tpu.vector_load %arg6[%swap3A_50, %swap3A_51] {strides = array<i32>} : memref<128x128xf32, #tpu.memory_space<vmem>>, vector<1x16xf32>,
      %swap3A_53 = vector.shape_cast %swap3A_52 : vector<1x16xf32> to vector<16xf32>
      %swap3A_54 = vector.shape_cast %broadcast_in_dim3A_1 : vector<16xf32> to vector<1x16xf32>
      tpu.vector_store %arg6[%swap3A_50, %swap3A_51], %swap3A_54 {strides = array<i32>} : memref<128x128xf32, #tpu.memory_space<vmem>>, vector<1x16xf32>,
      %swap3A_55 = arith.index_cast %scan3A_44 : i32 to index
      %swap3A_56 = arith.constant 16 : index
      %swap3A_57 = tpu.vector_load %arg5[%swap3A_55, %swap3A_56] {strides = array<i32>} : memref<128x128xf32, #tpu.memory_space<vmem>>, vector<1x16xf32>,
      %swap3A_58 = vector.shape_cast %swap3A_57 : vector<1x16xf32> to vector<16xf32>
      %swap3A_59 = vector.shape_cast %broadcast_in_dim3A_3 : vector<16xf32> to vector<1x16xf32>
      tpu.vector_store %arg5[%swap3A_55, %swap3A_56], %swap3A_59 {strides = array<i32>} : memref<128x128xf32, #tpu.memory_space<vmem>>, vector<1x16xf32>,
      %swap3A_60 = arith.index_cast %scan3A_44 : i32 to index
      %swap3A_61 = arith.constant 16 : index
      %swap3A_62 = tpu.vector_load %arg6[%swap3A_60, %swap3A_61] {strides = array<i32>} : memref<128x128xf32, #tpu.memory_space<vmem>>, vector<1x16xf32>,
      %swap3A_63 = vector.shape_cast %swap3A_62 : vector<1x16xf32> to vector<16xf32>
      %swap3A_64 = vector.shape_cast %broadcast_in_dim3A_1 : vector<16xf32> to vector<1x16xf32>
      tpu.vector_store %arg6[%swap3A_60, %swap3A_61], %swap3A_64 {strides = array<i32>} : memref<128x128xf32, #tpu.memory_space<vmem>>, vector<1x16xf32>,
      %swap3A_65 = arith.index_cast %scan3A_44 : i32 to index
      %swap3A_66 = arith.constant 32 : index
      %swap3A_67 = tpu.vector_load %arg5[%swap3A_65, %swap3A_66] {strides = array<i32>} : memref<128x128xf32, #tpu.memory_space<vmem>>, vector<1x16xf32>,
      %swap3A_68 = vector.shape_cast %swap3A_67 : vector<1x16xf32> to vector<16xf32>
      %swap3A_69 = vector.shape_cast %broadcast_in_dim3A_3 : vector<16xf32> to vector<1x16xf32>
      tpu.vector_store %arg5[%swap3A_65, %swap3A_66], %swap3A_69 {strides = array<i32>} : memref<128x128xf32, #tpu.memory_space<vmem>>, vector<1x16xf32>,
      %swap3A_70 = arith.index_cast %scan3A_44 : i32 to index
      %swap3A_71 = arith.constant 32 : index
      %swap3A_72 = tpu.vector_load %arg6[%swap3A_70, %swap3A_71] {strides = array<i32>} : memref<128x128xf32, #tpu.memory_space<vmem>>, vector<1x16xf32>,
      %swap3A_73 = vector.shape_cast %swap3A_72 : vector<1x16xf32> to vector<16xf32>
      %swap3A_74 = vector.shape_cast %broadcast_in_dim3A_1 : vector<16xf32> to vector<1x16xf32>
      tpu.vector_store %arg6[%swap3A_70, %swap3A_71], %swap3A_74 {strides = array<i32>} : memref<128x128xf32, #tpu.memory_space<vmem>>, vector<1x16xf32>,
      %swap3A_75 = arith.index_cast %scan3A_44 : i32 to index
      %swap3A_76 = arith.constant 48 : index
      %swap3A_77 = tpu.vector_load %arg5[%swap3A_75, %swap3A_76] {strides = array<i32>} : memref<128x128xf32, #tpu.memory_space<vmem>>, vector<1x16xf32>,
      %swap3A_78 = vector.shape_cast %swap3A_77 : vector<1x16xf32> to vector<16xf32>
      %swap3A_79 = vector.shape_cast %broadcast_in_dim3A_3 : vector<16xf32> to vector<1x16xf32>
      tpu.vector_store %arg5[%swap3A_75, %swap3A_76], %swap3A_79 {strides = array<i32>} : memref<128x128xf32, #tpu.memory_space<vmem>>, vector<1x16xf32>,
      %swap3A_80 = arith.index_cast %scan3A_44 : i32 to index
      %swap3A_81 = arith.constant 48 : index
      %swap3A_82 = tpu.vector_load %arg6[%swap3A_80, %swap3A_81] {strides = array<i32>} : memref<128x128xf32, #tpu.memory_space<vmem>>, vector<1x16xf32>,
      %swap3A_83 = vector.shape_cast %swap3A_82 : vector<1x16xf32> to vector<16xf32>
      %swap3A_84 = vector.shape_cast %broadcast_in_dim3A_1 : vector<16xf32> to vector<1x16xf32>
      tpu.vector_store %arg6[%swap3A_80, %swap3A_81], %swap3A_84 {strides = array<i32>} : memref<128x128xf32, #tpu.memory_space<vmem>>, vector<1x16xf32>,
      %swap3A_85 = arith.index_cast %scan3A_44 : i32 to index
      %swap3A_86 = arith.constant 64 : index
      %swap3A_87 = tpu.vector_load %arg5[%swap3A_85, %swap3A_86] {strides = array<i32>} : memref<128x128xf32, #tpu.memory_space<vmem>>, vector<1x16xf32>,
      %swap3A_88 = vector.shape_cast %swap3A_87 : vector<1x16xf32> to vector<16xf32>
      %swap3A_89 = vector.shape_cast %broadcast_in_dim3A_3 : vector<16xf32> to vector<1x16xf32>
      tpu.vector_store %arg5[%swap3A_85, %swap3A_86], %swap3A_89 {strides = array<i32>} : memref<128x128xf32, #tpu.memory_space<vmem>>, vector<1x16xf32>,
      %swap3A_90 = arith.index_cast %scan3A_44 : i32 to index
      %swap3A_91 = arith.constant 64 : index
      %swap3A_92 = tpu.vector_load %arg6[%swap3A_90, %swap3A_91] {strides = array<i32>} : memref<128x128xf32, #tpu.memory_space<vmem>>, vector<1x16xf32>,
      %swap3A_93 = vector.shape_cast %swap3A_92 : vector<1x16xf32> to vector<16xf32>
      %swap3A_94 = vector.shape_cast %broadcast_in_dim3A_1 : vector<16xf32> to vector<1x16xf32>
      tpu.vector_store %arg6[%swap3A_90, %swap3A_91], %swap3A_94 {strides = array<i32>} : memref<128x128xf32, #tpu.memory_space<vmem>>, vector<1x16xf32>,
      %swap3A_95 = arith.index_cast %scan3A_44 : i32 to index
      %swap3A_96 = arith.constant 80 : index
      %swap3A_97 = tpu.vector_load %arg5[%swap3A_95, %swap3A_96] {strides = array<i32>} : memref<128x128xf32, #tpu.memory_space<vmem>>, vector<1x16xf32>,
      %swap3A_98 = vector.shape_cast %swap3A_97 : vector<1x16xf32> to vector<16xf32>
      %swap3A_99 = vector.shape_cast %broadcast_in_dim3A_3 : vector<16xf32> to vector<1x16xf32>
      tpu.vector_store %arg5[%swap3A_95, %swap3A_96], %swap3A_99 {strides = array<i32>} : memref<128x128xf32, #tpu.memory_space<vmem>>, vector<1x16xf32>,
      %swap3A_100 = arith.index_cast %scan3A_44 : i32 to index
      %swap3A_101 = arith.constant 80 : index
      %swap3A_102 = tpu.vector_load %arg6[%swap3A_100, %swap3A_101] {strides = array<i32>} : memref<128x128xf32, #tpu.memory_space<vmem>>, vector<1x16xf32>,
      %swap3A_103 = vector.shape_cast %swap3A_102 : vector<1x16xf32> to vector<16xf32>
      %swap3A_104 = vector.shape_cast %broadcast_in_dim3A_1 : vector<16xf32> to vector<1x16xf32>
      tpu.vector_store %arg6[%swap3A_100, %swap3A_101], %swap3A_104 {strides = array<i32>} : memref<128x128xf32, #tpu.memory_space<vmem>>, vector<1x16xf32>,
      %swap3A_105 = arith.index_cast %scan3A_44 : i32 to index
      %swap3A_106 = arith.constant 96 : index
      %swap3A_107 = tpu.vector_load %arg5[%swap3A_105, %swap3A_106] {strides = array<i32>} : memref<128x128xf32, #tpu.memory_space<vmem>>, vector<1x16xf32>,
      %swap3A_108 = vector.shape_cast %swap3A_107 : vector<1x16xf32> to vector<16xf32>
      %swap3A_109 = vector.shape_cast %broadcast_in_dim3A_3 : vector<16xf32> to vector<1x16xf32>
      tpu.vector_store %arg5[%swap3A_105, %swap3A_106], %swap3A_109 {strides = array<i32>} : memref<128x128xf32, #tpu.memory_space<vmem>>, vector<1x16xf32>,
      %swap3A_110 = arith.index_cast %scan3A_44 : i32 to index
      %swap3A_111 = arith.constant 96 : index
      %swap3A_112 = tpu.vector_load %arg6[%swap3A_110, %swap3A_111] {strides = array<i32>} : memref<128x128xf32, #tpu.memory_space<vmem>>, vector<1x16xf32>,
      %swap3A_113 = vector.shape_cast %swap3A_112 : vector<1x16xf32> to vector<16xf32>
      %swap3A_114 = vector.shape_cast %broadcast_in_dim3A_1 : vector<16xf32> to vector<1x16xf32>
      tpu.vector_store %arg6[%swap3A_110, %swap3A_111], %swap3A_114 {strides = array<i32>} : memref<128x128xf32, #tpu.memory_space<vmem>>, vector<1x16xf32>,
      %swap3A_115 = arith.index_cast %scan3A_44 : i32 to index
      %swap3A_116 = arith.constant 112 : index
      %swap3A_117 = tpu.vector_load %arg5[%swap3A_115, %swap3A_116] {strides = array<i32>} : memref<128x128xf32, #tpu.memory_space<vmem>>, vector<1x16xf32>,
      %swap3A_118 = vector.shape_cast %swap3A_117 : vector<1x16xf32> to vector<16xf32>
      %swap3A_119 = vector.shape_cast %broadcast_in_dim3A_3 : vector<16xf32> to vector<1x16xf32>
      tpu.vector_store %arg5[%swap3A_115, %swap3A_116], %swap3A_119 {strides = array<i32>} : memref<128x128xf32, #tpu.memory_space<vmem>>, vector<1x16xf32>,
      %swap3A_120 = arith.index_cast %scan3A_44 : i32 to index
      %swap3A_121 = arith.constant 112 : index
      %swap3A_122 = tpu.vector_load %arg6[%swap3A_120, %swap3A_121] {strides = array<i32>} : memref<128x128xf32, #tpu.memory_space<vmem>>, vector<1x16xf32>,
      %swap3A_123 = vector.shape_cast %swap3A_122 : vector<1x16xf32> to vector<16xf32>
      %swap3A_124 = vector.shape_cast %broadcast_in_dim3A_1 : vector<16xf32> to vector<1x16xf32>
      tpu.vector_store %arg6[%swap3A_120, %swap3A_121], %swap3A_124 {strides = array<i32>} : memref<128x128xf32, #tpu.memory_space<vmem>>, vector<1x16xf32>,
      %scan3A_125 = arith.constant 0 : i32
      scf.yield %scan3A_125 : i32
    }
    %scan3A_9 = arith.constant 128 : i32
    %mul3A_10 = arith.constant 632 : i32
    %mul3A_11 = arith.muli %arg1, %mul3A_10 : i32
    %add3A_12 = arith.constant 0 : i32
    %add3A_13 = arith.addi %mul3A_11, %add3A_12 : i32
    "tpu.region"() ({
      %run_scoped3A = tpu.sem_alloc : memref<!tpu.dma_semaphore, #tpu.memory_space<semaphore_mem>>
      %dma_start3A = arith.constant 0 : i32
      %dma_start3A_44 = arith.constant 0 : i32
      %dma_start3A_45 = tpu.memref_slice %arg6[%dma_start3A, %dma_start3A_44] : memref<128x128xf32, #tpu.memory_space<vmem>> -> memref<128x128xf32, #tpu.memory_space<vmem>>
      %dma_start3A_46 = arith.constant 0 : i32
      %dma_start3A_47 = tpu.memref_slice %arg7[%add3A_13, %dma_start3A_46] : memref<10112x128xf32, #tpu.memory_space<vmem_shared>> -> memref<128x128xf32, #tpu.memory_space<vmem_shared>>
      %dma_start3A_48 = arith.constant 0 : i32
      %dma_start3A_49 = tpu.memref_slice %arg7[%add3A_13, %dma_start3A_48] : memref<10112x128xf32, #tpu.memory_space<vmem_shared>> -> memref<128x128xf32, #tpu.memory_space<vmem_shared>>
      %dma_start3A_50 = arith.constant 0 : i32
      %dma_start3A_51 = arith.constant 0 : i32
      %dma_start3A_52 = tpu.memref_slice %arg6[%dma_start3A_50, %dma_start3A_51] : memref<128x128xf32, #tpu.memory_space<vmem>> -> memref<128x128xf32, #tpu.memory_space<vmem>>
      tpu.enqueue_dma source(%dma_start3A_52 : memref<128x128xf32, #tpu.memory_space<vmem>>) target(%dma_start3A_49 : memref<128x128xf32, #tpu.memory_space<vmem_shared>>) target_semaphore(%run_scoped3A : memref<!tpu.dma_semaphore, #tpu.memory_space<semaphore_mem>>)
      %dma_wait3A = arith.constant 0 : i32
      %dma_wait3A_53 = arith.constant 0 : i32
      %dma_wait3A_54 = tpu.memref_slice %arg6[%dma_wait3A, %dma_wait3A_53] : memref<128x128xf32, #tpu.memory_space<vmem>> -> memref<128x128xf32, #tpu.memory_space<vmem>>
      %dma_wait3A_55 = arith.constant 0 : i32
      %dma_wait3A_56 = tpu.memref_slice %arg7[%add3A_13, %dma_wait3A_55] : memref<10112x128xf32, #tpu.memory_space<vmem_shared>> -> memref<128x128xf32, #tpu.memory_space<vmem_shared>>
      %dma_wait3A_57 = arith.constant 0 : i32
      %dma_wait3A_58 = tpu.memref_slice %arg7[%add3A_13, %dma_wait3A_57] : memref<10112x128xf32, #tpu.memory_space<vmem_shared>> -> memref<128x128xf32, #tpu.memory_space<vmem_shared>>
      %dma_wait3A_59 = arith.constant 0 : i32
      %dma_wait3A_60 = arith.constant 0 : i32
      %dma_wait3A_61 = tpu.memref_slice %arg6[%dma_wait3A_59, %dma_wait3A_60] : memref<128x128xf32, #tpu.memory_space<vmem>> -> memref<128x128xf32, #tpu.memory_space<vmem>>
      tpu.wait_dma2 semaphore(%run_scoped3A : memref<!tpu.dma_semaphore, #tpu.memory_space<semaphore_mem>>) src(%dma_wait3A_61 : memref<128x128xf32, #tpu.memory_space<vmem>>) dst(%dma_wait3A_58 : memref<128x128xf32, #tpu.memory_space<vmem_shared>>)
      tpu.yield
    }) : () -> ()
    %mul3A_14 = arith.constant 632 : i32
    %mul3A_15 = arith.muli %arg1, %mul3A_14 : i32
    %add3A_16 = arith.constant 128 : i32
    %add3A_17 = arith.addi %mul3A_15, %add3A_16 : i32
    "tpu.region"() ({
      %run_scoped3A = tpu.sem_alloc : memref<!tpu.dma_semaphore, #tpu.memory_space<semaphore_mem>>
      %dma_start3A = arith.constant 0 : i32
      %dma_start3A_44 = arith.constant 0 : i32
      %dma_start3A_45 = tpu.memref_slice %arg6[%dma_start3A, %dma_start3A_44] : memref<128x128xf32, #tpu.memory_space<vmem>> -> memref<128x128xf32, #tpu.memory_space<vmem>>
      %dma_start3A_46 = arith.constant 0 : i32
      %dma_start3A_47 = tpu.memref_slice %arg7[%add3A_17, %dma_start3A_46] : memref<10112x128xf32, #tpu.memory_space<vmem_shared>> -> memref<128x128xf32, #tpu.memory_space<vmem_shared>>
      %dma_start3A_48 = arith.constant 0 : i32
      %dma_start3A_49 = tpu.memref_slice %arg7[%add3A_17, %dma_start3A_48] : memref<10112x128xf32, #tpu.memory_space<vmem_shared>> -> memref<128x128xf32, #tpu.memory_space<vmem_shared>>
      %dma_start3A_50 = arith.constant 0 : i32
      %dma_start3A_51 = arith.constant 0 : i32
      %dma_start3A_52 = tpu.memref_slice %arg6[%dma_start3A_50, %dma_start3A_51] : memref<128x128xf32, #tpu.memory_space<vmem>> -> memref<128x128xf32, #tpu.memory_space<vmem>>
      tpu.enqueue_dma source(%dma_start3A_52 : memref<128x128xf32, #tpu.memory_space<vmem>>) target(%dma_start3A_49 : memref<128x128xf32, #tpu.memory_space<vmem_shared>>) target_semaphore(%run_scoped3A : memref<!tpu.dma_semaphore, #tpu.memory_space<semaphore_mem>>)
      %dma_wait3A = arith.constant 0 : i32
      %dma_wait3A_53 = arith.constant 0 : i32
      %dma_wait3A_54 = tpu.memref_slice %arg6[%dma_wait3A, %dma_wait3A_53] : memref<128x128xf32, #tpu.memory_space<vmem>> -> memref<128x128xf32, #tpu.memory_space<vmem>>
      %dma_wait3A_55 = arith.constant 0 : i32
      %dma_wait3A_56 = tpu.memref_slice %arg7[%add3A_17, %dma_wait3A_55] : memref<10112x128xf32, #tpu.memory_space<vmem_shared>> -> memref<128x128xf32, #tpu.memory_space<vmem_shared>>
      %dma_wait3A_57 = arith.constant 0 : i32
      %dma_wait3A_58 = tpu.memref_slice %arg7[%add3A_17, %dma_wait3A_57] : memref<10112x128xf32, #tpu.memory_space<vmem_shared>> -> memref<128x128xf32, #tpu.memory_space<vmem_shared>>
      %dma_wait3A_59 = arith.constant 0 : i32
      %dma_wait3A_60 = arith.constant 0 : i32
      %dma_wait3A_61 = tpu.memref_slice %arg6[%dma_wait3A_59, %dma_wait3A_60] : memref<128x128xf32, #tpu.memory_space<vmem>> -> memref<128x128xf32, #tpu.memory_space<vmem>>
      tpu.wait_dma2 semaphore(%run_scoped3A : memref<!tpu.dma_semaphore, #tpu.memory_space<semaphore_mem>>) src(%dma_wait3A_61 : memref<128x128xf32, #tpu.memory_space<vmem>>) dst(%dma_wait3A_58 : memref<128x128xf32, #tpu.memory_space<vmem_shared>>)
      tpu.yield
    }) : () -> ()
    %mul3A_18 = arith.constant 632 : i32
    %mul3A_19 = arith.muli %arg1, %mul3A_18 : i32
    %add3A_20 = arith.constant 256 : i32
    %add3A_21 = arith.addi %mul3A_19, %add3A_20 : i32
    "tpu.region"() ({
      %run_scoped3A = tpu.sem_alloc : memref<!tpu.dma_semaphore, #tpu.memory_space<semaphore_mem>>
      %dma_start3A = arith.constant 0 : i32
      %dma_start3A_44 = arith.constant 0 : i32
      %dma_start3A_45 = tpu.memref_slice %arg6[%dma_start3A, %dma_start3A_44] : memref<128x128xf32, #tpu.memory_space<vmem>> -> memref<128x128xf32, #tpu.memory_space<vmem>>
      %dma_start3A_46 = arith.constant 0 : i32
      %dma_start3A_47 = tpu.memref_slice %arg7[%add3A_21, %dma_start3A_46] : memref<10112x128xf32, #tpu.memory_space<vmem_shared>> -> memref<128x128xf32, #tpu.memory_space<vmem_shared>>
      %dma_start3A_48 = arith.constant 0 : i32
      %dma_start3A_49 = tpu.memref_slice %arg7[%add3A_21, %dma_start3A_48] : memref<10112x128xf32, #tpu.memory_space<vmem_shared>> -> memref<128x128xf32, #tpu.memory_space<vmem_shared>>
      %dma_start3A_50 = arith.constant 0 : i32
      %dma_start3A_51 = arith.constant 0 : i32
      %dma_start3A_52 = tpu.memref_slice %arg6[%dma_start3A_50, %dma_start3A_51] : memref<128x128xf32, #tpu.memory_space<vmem>> -> memref<128x128xf32, #tpu.memory_space<vmem>>
      tpu.enqueue_dma source(%dma_start3A_52 : memref<128x128xf32, #tpu.memory_space<vmem>>) target(%dma_start3A_49 : memref<128x128xf32, #tpu.memory_space<vmem_shared>>) target_semaphore(%run_scoped3A : memref<!tpu.dma_semaphore, #tpu.memory_space<semaphore_mem>>)
      %dma_wait3A = arith.constant 0 : i32
      %dma_wait3A_53 = arith.constant 0 : i32
      %dma_wait3A_54 = tpu.memref_slice %arg6[%dma_wait3A, %dma_wait3A_53] : memref<128x128xf32, #tpu.memory_space<vmem>> -> memref<128x128xf32, #tpu.memory_space<vmem>>
      %dma_wait3A_55 = arith.constant 0 : i32
      %dma_wait3A_56 = tpu.memref_slice %arg7[%add3A_21, %dma_wait3A_55] : memref<10112x128xf32, #tpu.memory_space<vmem_shared>> -> memref<128x128xf32, #tpu.memory_space<vmem_shared>>
      %dma_wait3A_57 = arith.constant 0 : i32
      %dma_wait3A_58 = tpu.memref_slice %arg7[%add3A_21, %dma_wait3A_57] : memref<10112x128xf32, #tpu.memory_space<vmem_shared>> -> memref<128x128xf32, #tpu.memory_space<vmem_shared>>
      %dma_wait3A_59 = arith.constant 0 : i32
      %dma_wait3A_60 = arith.constant 0 : i32
      %dma_wait3A_61 = tpu.memref_slice %arg6[%dma_wait3A_59, %dma_wait3A_60] : memref<128x128xf32, #tpu.memory_space<vmem>> -> memref<128x128xf32, #tpu.memory_space<vmem>>
      tpu.wait_dma2 semaphore(%run_scoped3A : memref<!tpu.dma_semaphore, #tpu.memory_space<semaphore_mem>>) src(%dma_wait3A_61 : memref<128x128xf32, #tpu.memory_space<vmem>>) dst(%dma_wait3A_58 : memref<128x128xf32, #tpu.memory_space<vmem_shared>>)
      tpu.yield
    }) : () -> ()
    %mul3A_22 = arith.constant 632 : i32
    %mul3A_23 = arith.muli %arg1, %mul3A_22 : i32
    %add3A_24 = arith.constant 384 : i32
    %add3A_25 = arith.addi %mul3A_23, %add3A_24 : i32
    "tpu.region"() ({
      %run_scoped3A = tpu.sem_alloc : memref<!tpu.dma_semaphore, #tpu.memory_space<semaphore_mem>>
      %dma_start3A = arith.constant 0 : i32
      %dma_start3A_44 = arith.constant 0 : i32
      %dma_start3A_45 = tpu.memref_slice %arg6[%dma_start3A, %dma_start3A_44] : memref<128x128xf32, #tpu.memory_space<vmem>> -> memref<128x128xf32, #tpu.memory_space<vmem>>
      %dma_start3A_46 = arith.constant 0 : i32
      %dma_start3A_47 = tpu.memref_slice %arg7[%add3A_25, %dma_start3A_46] : memref<10112x128xf32, #tpu.memory_space<vmem_shared>> -> memref<128x128xf32, #tpu.memory_space<vmem_shared>>
      %dma_start3A_48 = arith.constant 0 : i32
      %dma_start3A_49 = tpu.memref_slice %arg7[%add3A_25, %dma_start3A_48] : memref<10112x128xf32, #tpu.memory_space<vmem_shared>> -> memref<128x128xf32, #tpu.memory_space<vmem_shared>>
      %dma_start3A_50 = arith.constant 0 : i32
      %dma_start3A_51 = arith.constant 0 : i32
      %dma_start3A_52 = tpu.memref_slice %arg6[%dma_start3A_50, %dma_start3A_51] : memref<128x128xf32, #tpu.memory_space<vmem>> -> memref<128x128xf32, #tpu.memory_space<vmem>>
      tpu.enqueue_dma source(%dma_start3A_52 : memref<128x128xf32, #tpu.memory_space<vmem>>) target(%dma_start3A_49 : memref<128x128xf32, #tpu.memory_space<vmem_shared>>) target_semaphore(%run_scoped3A : memref<!tpu.dma_semaphore, #tpu.memory_space<semaphore_mem>>)
      %dma_wait3A = arith.constant 0 : i32
      %dma_wait3A_53 = arith.constant 0 : i32
      %dma_wait3A_54 = tpu.memref_slice %arg6[%dma_wait3A, %dma_wait3A_53] : memref<128x128xf32, #tpu.memory_space<vmem>> -> memref<128x128xf32, #tpu.memory_space<vmem>>
      %dma_wait3A_55 = arith.constant 0 : i32
      %dma_wait3A_56 = tpu.memref_slice %arg7[%add3A_25, %dma_wait3A_55] : memref<10112x128xf32, #tpu.memory_space<vmem_shared>> -> memref<128x128xf32, #tpu.memory_space<vmem_shared>>
      %dma_wait3A_57 = arith.constant 0 : i32
      %dma_wait3A_58 = tpu.memref_slice %arg7[%add3A_25, %dma_wait3A_57] : memref<10112x128xf32, #tpu.memory_space<vmem_shared>> -> memref<128x128xf32, #tpu.memory_space<vmem_shared>>
      %dma_wait3A_59 = arith.constant 0 : i32
      %dma_wait3A_60 = arith.constant 0 : i32
      %dma_wait3A_61 = tpu.memref_slice %arg6[%dma_wait3A_59, %dma_wait3A_60] : memref<128x128xf32, #tpu.memory_space<vmem>> -> memref<128x128xf32, #tpu.memory_space<vmem>>
      tpu.wait_dma2 semaphore(%run_scoped3A : memref<!tpu.dma_semaphore, #tpu.memory_space<semaphore_mem>>) src(%dma_wait3A_61 : memref<128x128xf32, #tpu.memory_space<vmem>>) dst(%dma_wait3A_58 : memref<128x128xf32, #tpu.memory_space<vmem_shared>>)
      tpu.yield
    }) : () -> ()
    %mul3A_26 = arith.constant 632 : i32
    %mul3A_27 = arith.muli %arg1, %mul3A_26 : i32
    %add3A_28 = arith.constant 512 : i32
    %add3A_29 = arith.addi %mul3A_27, %add3A_28 : i32
    "tpu.region"() ({
      %run_scoped3A = tpu.sem_alloc : memref<!tpu.dma_semaphore, #tpu.memory_space<semaphore_mem>>
      %dma_start3A = arith.constant 0 : i32
      %dma_start3A_44 = arith.constant 0 : i32
      %dma_start3A_45 = tpu.memref_slice %arg6[%dma_start3A, %dma_start3A_44] : memref<128x128xf32, #tpu.memory_space<vmem>> -> memref<120x128xf32, #tpu.memory_space<vmem>>
      %dma_start3A_46 = arith.constant 0 : i32
      %dma_start3A_47 = tpu.memref_slice %arg7[%add3A_29, %dma_start3A_46] : memref<10112x128xf32, #tpu.memory_space<vmem_shared>> -> memref<120x128xf32, #tpu.memory_space<vmem_shared>>
      %dma_start3A_48 = arith.constant 0 : i32
      %dma_start3A_49 = tpu.memref_slice %arg7[%add3A_29, %dma_start3A_48] : memref<10112x128xf32, #tpu.memory_space<vmem_shared>> -> memref<120x128xf32, #tpu.memory_space<vmem_shared>>
      %dma_start3A_50 = arith.constant 0 : i32
      %dma_start3A_51 = arith.constant 0 : i32
      %dma_start3A_52 = tpu.memref_slice %arg6[%dma_start3A_50, %dma_start3A_51] : memref<128x128xf32, #tpu.memory_space<vmem>> -> memref<120x128xf32, #tpu.memory_space<vmem>>
      tpu.enqueue_dma source(%dma_start3A_52 : memref<120x128xf32, #tpu.memory_space<vmem>>) target(%dma_start3A_49 : memref<120x128xf32, #tpu.memory_space<vmem_shared>>) target_semaphore(%run_scoped3A : memref<!tpu.dma_semaphore, #tpu.memory_space<semaphore_mem>>)
      %dma_wait3A = arith.constant 0 : i32
      %dma_wait3A_53 = arith.constant 0 : i32
      %dma_wait3A_54 = tpu.memref_slice %arg6[%dma_wait3A, %dma_wait3A_53] : memref<128x128xf32, #tpu.memory_space<vmem>> -> memref<120x128xf32, #tpu.memory_space<vmem>>
      %dma_wait3A_55 = arith.constant 0 : i32
      %dma_wait3A_56 = tpu.memref_slice %arg7[%add3A_29, %dma_wait3A_55] : memref<10112x128xf32, #tpu.memory_space<vmem_shared>> -> memref<120x128xf32, #tpu.memory_space<vmem_shared>>
      %dma_wait3A_57 = arith.constant 0 : i32
      %dma_wait3A_58 = tpu.memref_slice %arg7[%add3A_29, %dma_wait3A_57] : memref<10112x128xf32, #tpu.memory_space<vmem_shared>> -> memref<120x128xf32, #tpu.memory_space<vmem_shared>>
      %dma_wait3A_59 = arith.constant 0 : i32
      %dma_wait3A_60 = arith.constant 0 : i32
      %dma_wait3A_61 = tpu.memref_slice %arg6[%dma_wait3A_59, %dma_wait3A_60] : memref<128x128xf32, #tpu.memory_space<vmem>> -> memref<120x128xf32, #tpu.memory_space<vmem>>
      tpu.wait_dma2 semaphore(%run_scoped3A : memref<!tpu.dma_semaphore, #tpu.memory_space<semaphore_mem>>) src(%dma_wait3A_61 : memref<120x128xf32, #tpu.memory_space<vmem>>) dst(%dma_wait3A_58 : memref<120x128xf32, #tpu.memory_space<vmem_shared>>)
      tpu.yield
    }) : () -> ()
    %barrier3A = arith.constant 0 : index
    tpu.barrier barrier_id(%barrier3A)
    %mul3A_30 = arith.constant 10112 : i32
    %mul3A_31 = arith.muli %add3A, %mul3A_30 : i32
    %scan3A_32 = arith.constant 0 : i32
    %scan3A_33 = arith.constant 0 : i32
    %scan3A_34 = arith.constant 79 : i32
    %scan3A_35 = arith.addi %scan3A_33, %scan3A_34 : i32
    %scan3A_36 = arith.constant 1 : i32
    %scan3A_37 = scf.for %scan3A_44 = %scan3A_33 to %scan3A_35 step %scan3A_36 iter_args(%scan3A_45 = %scan3A_32) -> (i32)  : i32 {
      %mul3A_46 = arith.constant 128 : i32
      %mul3A_47 = arith.muli %scan3A_44, %mul3A_46 : i32
      %add3A_48 = arith.addi %mul3A_31, %mul3A_47 : i32
      "tpu.region"() ({
        %run_scoped3A = tpu.sem_alloc : memref<!tpu.dma_semaphore, #tpu.memory_space<semaphore_mem>>
        %dma_start3A = tpu.memref_slice %arg2[%add3A_48] : memref<323584xi32, #tpu.memory_space<hbm>> -> memref<128xi32, #tpu.memory_space<hbm>>
        %dma_start3A_50 = tpu.memref_slice %arg2[%add3A_48] : memref<323584xi32, #tpu.memory_space<hbm>> -> memref<128xi32, #tpu.memory_space<hbm>>
        tpu.enqueue_dma source(%dma_start3A_50 : memref<128xi32, #tpu.memory_space<hbm>>) target(%arg4 : memref<128xi32, #tpu.memory_space<vmem>>) target_semaphore(%run_scoped3A : memref<!tpu.dma_semaphore, #tpu.memory_space<semaphore_mem>>)
        %dma_wait3A = tpu.memref_slice %arg2[%add3A_48] : memref<323584xi32, #tpu.memory_space<hbm>> -> memref<128xi32, #tpu.memory_space<hbm>>
        %dma_wait3A_51 = tpu.memref_slice %arg2[%add3A_48] : memref<323584xi32, #tpu.memory_space<hbm>> -> memref<128xi32, #tpu.memory_space<hbm>>
        tpu.wait_dma2 semaphore(%run_scoped3A : memref<!tpu.dma_semaphore, #tpu.memory_space<semaphore_mem>>) src(%dma_wait3A_51 : memref<128xi32, #tpu.memory_space<hbm>>) dst(%arg4 : memref<128xi32, #tpu.memory_space<vmem>>)
        tpu.yield
      }) : () -> ()
      "tpu.region"() ({
        %run_scoped3A = tpu.sem_alloc : memref<!tpu.dma_semaphore, #tpu.memory_space<semaphore_mem>>
        %dma_start3A = arith.constant 0 : i32
        %dma_start3A_50 = arith.constant 0 : i32
        %dma_start3A_51 = tpu.memref_slice %arg7[%dma_start3A, %dma_start3A_50] : memref<10112x128xf32, #tpu.memory_space<vmem_shared>> -> memref<10112x128xf32, #tpu.memory_space<vmem_shared>>
        tpu.enqueue_indirect_dma source(%arg5 : memref<128x128xf32, #tpu.memory_space<vmem>>) target(%dma_start3A_51 : memref<10112x128xf32, #tpu.memory_space<vmem_shared>>) offsets(%arg4 : memref<128xi32, #tpu.memory_space<vmem>>) semaphore(%run_scoped3A : memref<!tpu.dma_semaphore, #tpu.memory_space<semaphore_mem>>) {add = true}
        %dma_wait3A = arith.constant 0 : i32
        %dma_wait3A_52 = arith.constant 0 : i32
        %dma_wait3A_53 = tpu.memref_slice %arg7[%dma_wait3A, %dma_wait3A_52] : memref<10112x128xf32, #tpu.memory_space<vmem_shared>> -> memref<10112x128xf32, #tpu.memory_space<vmem_shared>>
        tpu.wait_indirect_dma semaphore(%run_scoped3A : memref<!tpu.dma_semaphore, #tpu.memory_space<semaphore_mem>>) src(%arg5 : memref<128x128xf32, #tpu.memory_space<vmem>>) dst(%dma_wait3A_53 : memref<10112x128xf32, #tpu.memory_space<vmem_shared>>)
        tpu.yield
      }) : () -> ()
      %scan3A_49 = arith.constant 0 : i32
      scf.yield %scan3A_49 : i32
    }
    %scan3A_38 = arith.constant 79 : i32
    %barrier3A_39 = arith.constant 0 : index
    tpu.barrier barrier_id(%barrier3A_39)
    %mul3A_40 = arith.constant 632 : i32
    %mul3A_41 = arith.muli %arg1, %mul3A_40 : i32
    %mul3A_42 = arith.constant 632 : i32
    %mul3A_43 = arith.muli %arg1, %mul3A_42 : i32
    "tpu.region"() ({
      %run_scoped3A = tpu.sem_alloc : memref<!tpu.dma_semaphore, #tpu.memory_space<semaphore_mem>>
      %dma_start3A = arith.constant 0 : i32
      %dma_start3A_44 = tpu.memref_slice %arg3[%arg0, %mul3A_43, %dma_start3A] : memref<2x10112x128xf32, #tpu.memory_space<hbm>> -> memref<1x632x128xf32, #tpu.memory_space<hbm>>
      %dma_start3A_45 = tpu.memref_squeeze %dma_start3A_44 : memref<1x632x128xf32, #tpu.memory_space<hbm>> -> memref<632x128xf32, #tpu.memory_space<hbm>>
      %dma_start3A_46 = arith.constant 0 : i32
      %dma_start3A_47 = tpu.memref_slice %arg7[%mul3A_41, %dma_start3A_46] : memref<10112x128xf32, #tpu.memory_space<vmem_shared>> -> memref<632x128xf32, #tpu.memory_space<vmem_shared>>
      tpu.enqueue_dma source(%dma_start3A_47 : memref<632x128xf32, #tpu.memory_space<vmem_shared>>) target(%dma_start3A_45 : memref<632x128xf32, #tpu.memory_space<hbm>>) target_semaphore(%run_scoped3A : memref<!tpu.dma_semaphore, #tpu.memory_space<semaphore_mem>>)
      %dma_wait3A = arith.constant 0 : i32
      %dma_wait3A_48 = tpu.memref_slice %arg3[%arg0, %mul3A_43, %dma_wait3A] : memref<2x10112x128xf32, #tpu.memory_space<hbm>> -> memref<1x632x128xf32, #tpu.memory_space<hbm>>
      %dma_wait3A_49 = tpu.memref_squeeze %dma_wait3A_48 : memref<1x632x128xf32, #tpu.memory_space<hbm>> -> memref<632x128xf32, #tpu.memory_space<hbm>>
      %dma_wait3A_50 = arith.constant 0 : i32
      %dma_wait3A_51 = tpu.memref_slice %arg7[%mul3A_41, %dma_wait3A_50] : memref<10112x128xf32, #tpu.memory_space<vmem_shared>> -> memref<632x128xf32, #tpu.memory_space<vmem_shared>>
      tpu.wait_dma2 semaphore(%run_scoped3A : memref<!tpu.dma_semaphore, #tpu.memory_space<semaphore_mem>>) src(%dma_wait3A_51 : memref<632x128xf32, #tpu.memory_space<vmem_shared>>) dst(%dma_wait3A_49 : memref<632x128xf32, #tpu.memory_space<hbm>>)
      tpu.yield
    }) : () -> ()
    return
  }
}

#map = affine_map<(d0, d1) -> (0, 0)>
#map1 = affine_map<(d0, d1) -> (0)>
#map2 = affine_map<(d0, d1) -> (0, 0, 0)>
module attributes {stable_mosaic.version = 14 : i64} {
  func.func @body(%arg0: i32, %arg1: i32, %arg2: memref<10000x128xf32, #tpu.memory_space<hbm>>, %arg3: memref<323584xi32, #tpu.memory_space<hbm>>, %arg4: memref<323584xi32, #tpu.memory_space<hbm>>, %arg5: memref<2x10112x128xf32, #tpu.memory_space<hbm>>, %arg6: memref<128xi32, #tpu.memory_space<vmem>>, %arg7: memref<128xi32, #tpu.memory_space<vmem>>, %arg8: memref<128x128xf32, #tpu.memory_space<vmem>>, %arg9: memref<10112x128xf32, #tpu.memory_space<vmem_shared>>, %arg10: memref<!tpu.dma_semaphore, #tpu.memory_space<semaphore_mem>>) attributes {dimension_semantics = [#tpu.dimension_semantics<core_parallel>, #tpu.dimension_semantics<subcore_parallel>], iteration_bounds = array<i64: 2, 16>, scalar_prefetch = 0 : i64, scratch_operands = 5 : i64, tpu.core_type = #tpu.core_type<sc_vector_subcore>, window_params = [{transform_indices = #map}, {transform_indices = #map1}, {transform_indices = #map1}, {transform_indices = #map2}]} {
    %mul3A = arith.constant 2 : i32
    %mul3A_0 = arith.muli %arg1, %mul3A : i32
    %add3A = arith.addi %mul3A_0, %arg0 : i32
    %broadcast_in_dim3A = arith.constant 0.000000e+00 : f32
    %broadcast_in_dim3A_1 = vector.broadcast %broadcast_in_dim3A : f32 to vector<16xf32>
    %scan3A = arith.constant 0 : i32
    %scan3A_2 = arith.constant 0 : i32
    %scan3A_3 = arith.constant 128 : i32
    %scan3A_4 = arith.addi %scan3A_2, %scan3A_3 : i32
    %scan3A_5 = arith.constant 1 : i32
    %scan3A_6 = scf.for %scan3A_42 = %scan3A_2 to %scan3A_4 step %scan3A_5 iter_args(%scan3A_43 = %scan3A) -> (i32)  : i32 {
      %swap3A = arith.index_cast %scan3A_42 : i32 to index
      %swap3A_44 = arith.constant 0 : index
      %swap3A_45 = tpu.vector_load %arg8[%swap3A, %swap3A_44] {strides = array<i32>} : memref<128x128xf32, #tpu.memory_space<vmem>>, vector<1x16xf32>,
      %swap3A_46 = vector.shape_cast %swap3A_45 : vector<1x16xf32> to vector<16xf32>
      %swap3A_47 = vector.shape_cast %broadcast_in_dim3A_1 : vector<16xf32> to vector<1x16xf32>
      tpu.vector_store %arg8[%swap3A, %swap3A_44], %swap3A_47 {strides = array<i32>} : memref<128x128xf32, #tpu.memory_space<vmem>>, vector<1x16xf32>,
      %swap3A_48 = arith.index_cast %scan3A_42 : i32 to index
      %swap3A_49 = arith.constant 16 : index
      %swap3A_50 = tpu.vector_load %arg8[%swap3A_48, %swap3A_49] {strides = array<i32>} : memref<128x128xf32, #tpu.memory_space<vmem>>, vector<1x16xf32>,
      %swap3A_51 = vector.shape_cast %swap3A_50 : vector<1x16xf32> to vector<16xf32>
      %swap3A_52 = vector.shape_cast %broadcast_in_dim3A_1 : vector<16xf32> to vector<1x16xf32>
      tpu.vector_store %arg8[%swap3A_48, %swap3A_49], %swap3A_52 {strides = array<i32>} : memref<128x128xf32, #tpu.memory_space<vmem>>, vector<1x16xf32>,
      %swap3A_53 = arith.index_cast %scan3A_42 : i32 to index
      %swap3A_54 = arith.constant 32 : index
      %swap3A_55 = tpu.vector_load %arg8[%swap3A_53, %swap3A_54] {strides = array<i32>} : memref<128x128xf32, #tpu.memory_space<vmem>>, vector<1x16xf32>,
      %swap3A_56 = vector.shape_cast %swap3A_55 : vector<1x16xf32> to vector<16xf32>
      %swap3A_57 = vector.shape_cast %broadcast_in_dim3A_1 : vector<16xf32> to vector<1x16xf32>
      tpu.vector_store %arg8[%swap3A_53, %swap3A_54], %swap3A_57 {strides = array<i32>} : memref<128x128xf32, #tpu.memory_space<vmem>>, vector<1x16xf32>,
      %swap3A_58 = arith.index_cast %scan3A_42 : i32 to index
      %swap3A_59 = arith.constant 48 : index
      %swap3A_60 = tpu.vector_load %arg8[%swap3A_58, %swap3A_59] {strides = array<i32>} : memref<128x128xf32, #tpu.memory_space<vmem>>, vector<1x16xf32>,
      %swap3A_61 = vector.shape_cast %swap3A_60 : vector<1x16xf32> to vector<16xf32>
      %swap3A_62 = vector.shape_cast %broadcast_in_dim3A_1 : vector<16xf32> to vector<1x16xf32>
      tpu.vector_store %arg8[%swap3A_58, %swap3A_59], %swap3A_62 {strides = array<i32>} : memref<128x128xf32, #tpu.memory_space<vmem>>, vector<1x16xf32>,
      %swap3A_63 = arith.index_cast %scan3A_42 : i32 to index
      %swap3A_64 = arith.constant 64 : index
      %swap3A_65 = tpu.vector_load %arg8[%swap3A_63, %swap3A_64] {strides = array<i32>} : memref<128x128xf32, #tpu.memory_space<vmem>>, vector<1x16xf32>,
      %swap3A_66 = vector.shape_cast %swap3A_65 : vector<1x16xf32> to vector<16xf32>
      %swap3A_67 = vector.shape_cast %broadcast_in_dim3A_1 : vector<16xf32> to vector<1x16xf32>
      tpu.vector_store %arg8[%swap3A_63, %swap3A_64], %swap3A_67 {strides = array<i32>} : memref<128x128xf32, #tpu.memory_space<vmem>>, vector<1x16xf32>,
      %swap3A_68 = arith.index_cast %scan3A_42 : i32 to index
      %swap3A_69 = arith.constant 80 : index
      %swap3A_70 = tpu.vector_load %arg8[%swap3A_68, %swap3A_69] {strides = array<i32>} : memref<128x128xf32, #tpu.memory_space<vmem>>, vector<1x16xf32>,
      %swap3A_71 = vector.shape_cast %swap3A_70 : vector<1x16xf32> to vector<16xf32>
      %swap3A_72 = vector.shape_cast %broadcast_in_dim3A_1 : vector<16xf32> to vector<1x16xf32>
      tpu.vector_store %arg8[%swap3A_68, %swap3A_69], %swap3A_72 {strides = array<i32>} : memref<128x128xf32, #tpu.memory_space<vmem>>, vector<1x16xf32>,
      %swap3A_73 = arith.index_cast %scan3A_42 : i32 to index
      %swap3A_74 = arith.constant 96 : index
      %swap3A_75 = tpu.vector_load %arg8[%swap3A_73, %swap3A_74] {strides = array<i32>} : memref<128x128xf32, #tpu.memory_space<vmem>>, vector<1x16xf32>,
      %swap3A_76 = vector.shape_cast %swap3A_75 : vector<1x16xf32> to vector<16xf32>
      %swap3A_77 = vector.shape_cast %broadcast_in_dim3A_1 : vector<16xf32> to vector<1x16xf32>
      tpu.vector_store %arg8[%swap3A_73, %swap3A_74], %swap3A_77 {strides = array<i32>} : memref<128x128xf32, #tpu.memory_space<vmem>>, vector<1x16xf32>,
      %swap3A_78 = arith.index_cast %scan3A_42 : i32 to index
      %swap3A_79 = arith.constant 112 : index
      %swap3A_80 = tpu.vector_load %arg8[%swap3A_78, %swap3A_79] {strides = array<i32>} : memref<128x128xf32, #tpu.memory_space<vmem>>, vector<1x16xf32>,
      %swap3A_81 = vector.shape_cast %swap3A_80 : vector<1x16xf32> to vector<16xf32>
      %swap3A_82 = vector.shape_cast %broadcast_in_dim3A_1 : vector<16xf32> to vector<1x16xf32>
      tpu.vector_store %arg8[%swap3A_78, %swap3A_79], %swap3A_82 {strides = array<i32>} : memref<128x128xf32, #tpu.memory_space<vmem>>, vector<1x16xf32>,
      %scan3A_83 = arith.constant 0 : i32
      scf.yield %scan3A_83 : i32
    }
    %scan3A_7 = arith.constant 128 : i32
    %mul3A_8 = arith.constant 632 : i32
    %mul3A_9 = arith.muli %arg1, %mul3A_8 : i32
    %add3A_10 = arith.constant 0 : i32
    %add3A_11 = arith.addi %mul3A_9, %add3A_10 : i32
    "tpu.region"() ({
      %run_scoped3A = tpu.sem_alloc : memref<!tpu.dma_semaphore, #tpu.memory_space<semaphore_mem>>
      %dma_start3A = arith.constant 0 : i32
      %dma_start3A_42 = arith.constant 0 : i32
      %dma_start3A_43 = tpu.memref_slice %arg8[%dma_start3A, %dma_start3A_42] : memref<128x128xf32, #tpu.memory_space<vmem>> -> memref<128x128xf32, #tpu.memory_space<vmem>>
      %dma_start3A_44 = arith.constant 0 : i32
      %dma_start3A_45 = tpu.memref_slice %arg9[%add3A_11, %dma_start3A_44] : memref<10112x128xf32, #tpu.memory_space<vmem_shared>> -> memref<128x128xf32, #tpu.memory_space<vmem_shared>>
      %dma_start3A_46 = arith.constant 0 : i32
      %dma_start3A_47 = tpu.memref_slice %arg9[%add3A_11, %dma_start3A_46] : memref<10112x128xf32, #tpu.memory_space<vmem_shared>> -> memref<128x128xf32, #tpu.memory_space<vmem_shared>>
      %dma_start3A_48 = arith.constant 0 : i32
      %dma_start3A_49 = arith.constant 0 : i32
      %dma_start3A_50 = tpu.memref_slice %arg8[%dma_start3A_48, %dma_start3A_49] : memref<128x128xf32, #tpu.memory_space<vmem>> -> memref<128x128xf32, #tpu.memory_space<vmem>>
      tpu.enqueue_dma source(%dma_start3A_50 : memref<128x128xf32, #tpu.memory_space<vmem>>) target(%dma_start3A_47 : memref<128x128xf32, #tpu.memory_space<vmem_shared>>) target_semaphore(%run_scoped3A : memref<!tpu.dma_semaphore, #tpu.memory_space<semaphore_mem>>)
      %dma_wait3A = arith.constant 0 : i32
      %dma_wait3A_51 = arith.constant 0 : i32
      %dma_wait3A_52 = tpu.memref_slice %arg8[%dma_wait3A, %dma_wait3A_51] : memref<128x128xf32, #tpu.memory_space<vmem>> -> memref<128x128xf32, #tpu.memory_space<vmem>>
      %dma_wait3A_53 = arith.constant 0 : i32
      %dma_wait3A_54 = tpu.memref_slice %arg9[%add3A_11, %dma_wait3A_53] : memref<10112x128xf32, #tpu.memory_space<vmem_shared>> -> memref<128x128xf32, #tpu.memory_space<vmem_shared>>
      %dma_wait3A_55 = arith.constant 0 : i32
      %dma_wait3A_56 = tpu.memref_slice %arg9[%add3A_11, %dma_wait3A_55] : memref<10112x128xf32, #tpu.memory_space<vmem_shared>> -> memref<128x128xf32, #tpu.memory_space<vmem_shared>>
      %dma_wait3A_57 = arith.constant 0 : i32
      %dma_wait3A_58 = arith.constant 0 : i32
      %dma_wait3A_59 = tpu.memref_slice %arg8[%dma_wait3A_57, %dma_wait3A_58] : memref<128x128xf32, #tpu.memory_space<vmem>> -> memref<128x128xf32, #tpu.memory_space<vmem>>
      tpu.wait_dma2 semaphore(%run_scoped3A : memref<!tpu.dma_semaphore, #tpu.memory_space<semaphore_mem>>) src(%dma_wait3A_59 : memref<128x128xf32, #tpu.memory_space<vmem>>) dst(%dma_wait3A_56 : memref<128x128xf32, #tpu.memory_space<vmem_shared>>)
      tpu.yield
    }) : () -> ()
    %mul3A_12 = arith.constant 632 : i32
    %mul3A_13 = arith.muli %arg1, %mul3A_12 : i32
    %add3A_14 = arith.constant 128 : i32
    %add3A_15 = arith.addi %mul3A_13, %add3A_14 : i32
    "tpu.region"() ({
      %run_scoped3A = tpu.sem_alloc : memref<!tpu.dma_semaphore, #tpu.memory_space<semaphore_mem>>
      %dma_start3A = arith.constant 0 : i32
      %dma_start3A_42 = arith.constant 0 : i32
      %dma_start3A_43 = tpu.memref_slice %arg8[%dma_start3A, %dma_start3A_42] : memref<128x128xf32, #tpu.memory_space<vmem>> -> memref<128x128xf32, #tpu.memory_space<vmem>>
      %dma_start3A_44 = arith.constant 0 : i32
      %dma_start3A_45 = tpu.memref_slice %arg9[%add3A_15, %dma_start3A_44] : memref<10112x128xf32, #tpu.memory_space<vmem_shared>> -> memref<128x128xf32, #tpu.memory_space<vmem_shared>>
      %dma_start3A_46 = arith.constant 0 : i32
      %dma_start3A_47 = tpu.memref_slice %arg9[%add3A_15, %dma_start3A_46] : memref<10112x128xf32, #tpu.memory_space<vmem_shared>> -> memref<128x128xf32, #tpu.memory_space<vmem_shared>>
      %dma_start3A_48 = arith.constant 0 : i32
      %dma_start3A_49 = arith.constant 0 : i32
      %dma_start3A_50 = tpu.memref_slice %arg8[%dma_start3A_48, %dma_start3A_49] : memref<128x128xf32, #tpu.memory_space<vmem>> -> memref<128x128xf32, #tpu.memory_space<vmem>>
      tpu.enqueue_dma source(%dma_start3A_50 : memref<128x128xf32, #tpu.memory_space<vmem>>) target(%dma_start3A_47 : memref<128x128xf32, #tpu.memory_space<vmem_shared>>) target_semaphore(%run_scoped3A : memref<!tpu.dma_semaphore, #tpu.memory_space<semaphore_mem>>)
      %dma_wait3A = arith.constant 0 : i32
      %dma_wait3A_51 = arith.constant 0 : i32
      %dma_wait3A_52 = tpu.memref_slice %arg8[%dma_wait3A, %dma_wait3A_51] : memref<128x128xf32, #tpu.memory_space<vmem>> -> memref<128x128xf32, #tpu.memory_space<vmem>>
      %dma_wait3A_53 = arith.constant 0 : i32
      %dma_wait3A_54 = tpu.memref_slice %arg9[%add3A_15, %dma_wait3A_53] : memref<10112x128xf32, #tpu.memory_space<vmem_shared>> -> memref<128x128xf32, #tpu.memory_space<vmem_shared>>
      %dma_wait3A_55 = arith.constant 0 : i32
      %dma_wait3A_56 = tpu.memref_slice %arg9[%add3A_15, %dma_wait3A_55] : memref<10112x128xf32, #tpu.memory_space<vmem_shared>> -> memref<128x128xf32, #tpu.memory_space<vmem_shared>>
      %dma_wait3A_57 = arith.constant 0 : i32
      %dma_wait3A_58 = arith.constant 0 : i32
      %dma_wait3A_59 = tpu.memref_slice %arg8[%dma_wait3A_57, %dma_wait3A_58] : memref<128x128xf32, #tpu.memory_space<vmem>> -> memref<128x128xf32, #tpu.memory_space<vmem>>
      tpu.wait_dma2 semaphore(%run_scoped3A : memref<!tpu.dma_semaphore, #tpu.memory_space<semaphore_mem>>) src(%dma_wait3A_59 : memref<128x128xf32, #tpu.memory_space<vmem>>) dst(%dma_wait3A_56 : memref<128x128xf32, #tpu.memory_space<vmem_shared>>)
      tpu.yield
    }) : () -> ()
    %mul3A_16 = arith.constant 632 : i32
    %mul3A_17 = arith.muli %arg1, %mul3A_16 : i32
    %add3A_18 = arith.constant 256 : i32
    %add3A_19 = arith.addi %mul3A_17, %add3A_18 : i32
    "tpu.region"() ({
      %run_scoped3A = tpu.sem_alloc : memref<!tpu.dma_semaphore, #tpu.memory_space<semaphore_mem>>
      %dma_start3A = arith.constant 0 : i32
      %dma_start3A_42 = arith.constant 0 : i32
      %dma_start3A_43 = tpu.memref_slice %arg8[%dma_start3A, %dma_start3A_42] : memref<128x128xf32, #tpu.memory_space<vmem>> -> memref<128x128xf32, #tpu.memory_space<vmem>>
      %dma_start3A_44 = arith.constant 0 : i32
      %dma_start3A_45 = tpu.memref_slice %arg9[%add3A_19, %dma_start3A_44] : memref<10112x128xf32, #tpu.memory_space<vmem_shared>> -> memref<128x128xf32, #tpu.memory_space<vmem_shared>>
      %dma_start3A_46 = arith.constant 0 : i32
      %dma_start3A_47 = tpu.memref_slice %arg9[%add3A_19, %dma_start3A_46] : memref<10112x128xf32, #tpu.memory_space<vmem_shared>> -> memref<128x128xf32, #tpu.memory_space<vmem_shared>>
      %dma_start3A_48 = arith.constant 0 : i32
      %dma_start3A_49 = arith.constant 0 : i32
      %dma_start3A_50 = tpu.memref_slice %arg8[%dma_start3A_48, %dma_start3A_49] : memref<128x128xf32, #tpu.memory_space<vmem>> -> memref<128x128xf32, #tpu.memory_space<vmem>>
      tpu.enqueue_dma source(%dma_start3A_50 : memref<128x128xf32, #tpu.memory_space<vmem>>) target(%dma_start3A_47 : memref<128x128xf32, #tpu.memory_space<vmem_shared>>) target_semaphore(%run_scoped3A : memref<!tpu.dma_semaphore, #tpu.memory_space<semaphore_mem>>)
      %dma_wait3A = arith.constant 0 : i32
      %dma_wait3A_51 = arith.constant 0 : i32
      %dma_wait3A_52 = tpu.memref_slice %arg8[%dma_wait3A, %dma_wait3A_51] : memref<128x128xf32, #tpu.memory_space<vmem>> -> memref<128x128xf32, #tpu.memory_space<vmem>>
      %dma_wait3A_53 = arith.constant 0 : i32
      %dma_wait3A_54 = tpu.memref_slice %arg9[%add3A_19, %dma_wait3A_53] : memref<10112x128xf32, #tpu.memory_space<vmem_shared>> -> memref<128x128xf32, #tpu.memory_space<vmem_shared>>
      %dma_wait3A_55 = arith.constant 0 : i32
      %dma_wait3A_56 = tpu.memref_slice %arg9[%add3A_19, %dma_wait3A_55] : memref<10112x128xf32, #tpu.memory_space<vmem_shared>> -> memref<128x128xf32, #tpu.memory_space<vmem_shared>>
      %dma_wait3A_57 = arith.constant 0 : i32
      %dma_wait3A_58 = arith.constant 0 : i32
      %dma_wait3A_59 = tpu.memref_slice %arg8[%dma_wait3A_57, %dma_wait3A_58] : memref<128x128xf32, #tpu.memory_space<vmem>> -> memref<128x128xf32, #tpu.memory_space<vmem>>
      tpu.wait_dma2 semaphore(%run_scoped3A : memref<!tpu.dma_semaphore, #tpu.memory_space<semaphore_mem>>) src(%dma_wait3A_59 : memref<128x128xf32, #tpu.memory_space<vmem>>) dst(%dma_wait3A_56 : memref<128x128xf32, #tpu.memory_space<vmem_shared>>)
      tpu.yield
    }) : () -> ()
    %mul3A_20 = arith.constant 632 : i32
    %mul3A_21 = arith.muli %arg1, %mul3A_20 : i32
    %add3A_22 = arith.constant 384 : i32
    %add3A_23 = arith.addi %mul3A_21, %add3A_22 : i32
    "tpu.region"() ({
      %run_scoped3A = tpu.sem_alloc : memref<!tpu.dma_semaphore, #tpu.memory_space<semaphore_mem>>
      %dma_start3A = arith.constant 0 : i32
      %dma_start3A_42 = arith.constant 0 : i32
      %dma_start3A_43 = tpu.memref_slice %arg8[%dma_start3A, %dma_start3A_42] : memref<128x128xf32, #tpu.memory_space<vmem>> -> memref<128x128xf32, #tpu.memory_space<vmem>>
      %dma_start3A_44 = arith.constant 0 : i32
      %dma_start3A_45 = tpu.memref_slice %arg9[%add3A_23, %dma_start3A_44] : memref<10112x128xf32, #tpu.memory_space<vmem_shared>> -> memref<128x128xf32, #tpu.memory_space<vmem_shared>>
      %dma_start3A_46 = arith.constant 0 : i32
      %dma_start3A_47 = tpu.memref_slice %arg9[%add3A_23, %dma_start3A_46] : memref<10112x128xf32, #tpu.memory_space<vmem_shared>> -> memref<128x128xf32, #tpu.memory_space<vmem_shared>>
      %dma_start3A_48 = arith.constant 0 : i32
      %dma_start3A_49 = arith.constant 0 : i32
      %dma_start3A_50 = tpu.memref_slice %arg8[%dma_start3A_48, %dma_start3A_49] : memref<128x128xf32, #tpu.memory_space<vmem>> -> memref<128x128xf32, #tpu.memory_space<vmem>>
      tpu.enqueue_dma source(%dma_start3A_50 : memref<128x128xf32, #tpu.memory_space<vmem>>) target(%dma_start3A_47 : memref<128x128xf32, #tpu.memory_space<vmem_shared>>) target_semaphore(%run_scoped3A : memref<!tpu.dma_semaphore, #tpu.memory_space<semaphore_mem>>)
      %dma_wait3A = arith.constant 0 : i32
      %dma_wait3A_51 = arith.constant 0 : i32
      %dma_wait3A_52 = tpu.memref_slice %arg8[%dma_wait3A, %dma_wait3A_51] : memref<128x128xf32, #tpu.memory_space<vmem>> -> memref<128x128xf32, #tpu.memory_space<vmem>>
      %dma_wait3A_53 = arith.constant 0 : i32
      %dma_wait3A_54 = tpu.memref_slice %arg9[%add3A_23, %dma_wait3A_53] : memref<10112x128xf32, #tpu.memory_space<vmem_shared>> -> memref<128x128xf32, #tpu.memory_space<vmem_shared>>
      %dma_wait3A_55 = arith.constant 0 : i32
      %dma_wait3A_56 = tpu.memref_slice %arg9[%add3A_23, %dma_wait3A_55] : memref<10112x128xf32, #tpu.memory_space<vmem_shared>> -> memref<128x128xf32, #tpu.memory_space<vmem_shared>>
      %dma_wait3A_57 = arith.constant 0 : i32
      %dma_wait3A_58 = arith.constant 0 : i32
      %dma_wait3A_59 = tpu.memref_slice %arg8[%dma_wait3A_57, %dma_wait3A_58] : memref<128x128xf32, #tpu.memory_space<vmem>> -> memref<128x128xf32, #tpu.memory_space<vmem>>
      tpu.wait_dma2 semaphore(%run_scoped3A : memref<!tpu.dma_semaphore, #tpu.memory_space<semaphore_mem>>) src(%dma_wait3A_59 : memref<128x128xf32, #tpu.memory_space<vmem>>) dst(%dma_wait3A_56 : memref<128x128xf32, #tpu.memory_space<vmem_shared>>)
      tpu.yield
    }) : () -> ()
    %mul3A_24 = arith.constant 632 : i32
    %mul3A_25 = arith.muli %arg1, %mul3A_24 : i32
    %add3A_26 = arith.constant 512 : i32
    %add3A_27 = arith.addi %mul3A_25, %add3A_26 : i32
    "tpu.region"() ({
      %run_scoped3A = tpu.sem_alloc : memref<!tpu.dma_semaphore, #tpu.memory_space<semaphore_mem>>
      %dma_start3A = arith.constant 0 : i32
      %dma_start3A_42 = arith.constant 0 : i32
      %dma_start3A_43 = tpu.memref_slice %arg8[%dma_start3A, %dma_start3A_42] : memref<128x128xf32, #tpu.memory_space<vmem>> -> memref<120x128xf32, #tpu.memory_space<vmem>>
      %dma_start3A_44 = arith.constant 0 : i32
      %dma_start3A_45 = tpu.memref_slice %arg9[%add3A_27, %dma_start3A_44] : memref<10112x128xf32, #tpu.memory_space<vmem_shared>> -> memref<120x128xf32, #tpu.memory_space<vmem_shared>>
      %dma_start3A_46 = arith.constant 0 : i32
      %dma_start3A_47 = tpu.memref_slice %arg9[%add3A_27, %dma_start3A_46] : memref<10112x128xf32, #tpu.memory_space<vmem_shared>> -> memref<120x128xf32, #tpu.memory_space<vmem_shared>>
      %dma_start3A_48 = arith.constant 0 : i32
      %dma_start3A_49 = arith.constant 0 : i32
      %dma_start3A_50 = tpu.memref_slice %arg8[%dma_start3A_48, %dma_start3A_49] : memref<128x128xf32, #tpu.memory_space<vmem>> -> memref<120x128xf32, #tpu.memory_space<vmem>>
      tpu.enqueue_dma source(%dma_start3A_50 : memref<120x128xf32, #tpu.memory_space<vmem>>) target(%dma_start3A_47 : memref<120x128xf32, #tpu.memory_space<vmem_shared>>) target_semaphore(%run_scoped3A : memref<!tpu.dma_semaphore, #tpu.memory_space<semaphore_mem>>)
      %dma_wait3A = arith.constant 0 : i32
      %dma_wait3A_51 = arith.constant 0 : i32
      %dma_wait3A_52 = tpu.memref_slice %arg8[%dma_wait3A, %dma_wait3A_51] : memref<128x128xf32, #tpu.memory_space<vmem>> -> memref<120x128xf32, #tpu.memory_space<vmem>>
      %dma_wait3A_53 = arith.constant 0 : i32
      %dma_wait3A_54 = tpu.memref_slice %arg9[%add3A_27, %dma_wait3A_53] : memref<10112x128xf32, #tpu.memory_space<vmem_shared>> -> memref<120x128xf32, #tpu.memory_space<vmem_shared>>
      %dma_wait3A_55 = arith.constant 0 : i32
      %dma_wait3A_56 = tpu.memref_slice %arg9[%add3A_27, %dma_wait3A_55] : memref<10112x128xf32, #tpu.memory_space<vmem_shared>> -> memref<120x128xf32, #tpu.memory_space<vmem_shared>>
      %dma_wait3A_57 = arith.constant 0 : i32
      %dma_wait3A_58 = arith.constant 0 : i32
      %dma_wait3A_59 = tpu.memref_slice %arg8[%dma_wait3A_57, %dma_wait3A_58] : memref<128x128xf32, #tpu.memory_space<vmem>> -> memref<120x128xf32, #tpu.memory_space<vmem>>
      tpu.wait_dma2 semaphore(%run_scoped3A : memref<!tpu.dma_semaphore, #tpu.memory_space<semaphore_mem>>) src(%dma_wait3A_59 : memref<120x128xf32, #tpu.memory_space<vmem>>) dst(%dma_wait3A_56 : memref<120x128xf32, #tpu.memory_space<vmem_shared>>)
      tpu.yield
    }) : () -> ()
    %barrier3A = arith.constant 0 : index
    tpu.barrier barrier_id(%barrier3A)
    %mul3A_28 = arith.constant 10112 : i32
    %mul3A_29 = arith.muli %add3A, %mul3A_28 : i32
    %scan3A_30 = arith.constant 0 : i32
    %scan3A_31 = arith.constant 0 : i32
    %scan3A_32 = arith.constant 79 : i32
    %scan3A_33 = arith.addi %scan3A_31, %scan3A_32 : i32
    %scan3A_34 = arith.constant 1 : i32
    %scan3A_35 = scf.for %scan3A_42 = %scan3A_31 to %scan3A_33 step %scan3A_34 iter_args(%scan3A_43 = %scan3A_30) -> (i32)  : i32 {
      %mul3A_44 = arith.constant 128 : i32
      %mul3A_45 = arith.muli %scan3A_42, %mul3A_44 : i32
      %add3A_46 = arith.addi %mul3A_29, %mul3A_45 : i32
      "tpu.region"() ({
        %run_scoped3A = tpu.sem_alloc : memref<!tpu.dma_semaphore, #tpu.memory_space<semaphore_mem>>
        %dma_start3A_52 = tpu.memref_slice %arg3[%add3A_46] : memref<323584xi32, #tpu.memory_space<hbm>> -> memref<128xi32, #tpu.memory_space<hbm>>
        %dma_start3A_53 = tpu.memref_slice %arg3[%add3A_46] : memref<323584xi32, #tpu.memory_space<hbm>> -> memref<128xi32, #tpu.memory_space<hbm>>
        tpu.enqueue_dma source(%dma_start3A_53 : memref<128xi32, #tpu.memory_space<hbm>>) target(%arg6 : memref<128xi32, #tpu.memory_space<vmem>>) target_semaphore(%run_scoped3A : memref<!tpu.dma_semaphore, #tpu.memory_space<semaphore_mem>>)
        %dma_wait3A_54 = tpu.memref_slice %arg3[%add3A_46] : memref<323584xi32, #tpu.memory_space<hbm>> -> memref<128xi32, #tpu.memory_space<hbm>>
        %dma_wait3A_55 = tpu.memref_slice %arg3[%add3A_46] : memref<323584xi32, #tpu.memory_space<hbm>> -> memref<128xi32, #tpu.memory_space<hbm>>
        tpu.wait_dma2 semaphore(%run_scoped3A : memref<!tpu.dma_semaphore, #tpu.memory_space<semaphore_mem>>) src(%dma_wait3A_55 : memref<128xi32, #tpu.memory_space<hbm>>) dst(%arg6 : memref<128xi32, #tpu.memory_space<vmem>>)
        tpu.yield
      }) : () -> ()
      "tpu.region"() ({
        %run_scoped3A = tpu.sem_alloc : memref<!tpu.dma_semaphore, #tpu.memory_space<semaphore_mem>>
        %dma_start3A_52 = tpu.memref_slice %arg4[%add3A_46] : memref<323584xi32, #tpu.memory_space<hbm>> -> memref<128xi32, #tpu.memory_space<hbm>>
        %dma_start3A_53 = tpu.memref_slice %arg4[%add3A_46] : memref<323584xi32, #tpu.memory_space<hbm>> -> memref<128xi32, #tpu.memory_space<hbm>>
        tpu.enqueue_dma source(%dma_start3A_53 : memref<128xi32, #tpu.memory_space<hbm>>) target(%arg7 : memref<128xi32, #tpu.memory_space<vmem>>) target_semaphore(%run_scoped3A : memref<!tpu.dma_semaphore, #tpu.memory_space<semaphore_mem>>)
        %dma_wait3A_54 = tpu.memref_slice %arg4[%add3A_46] : memref<323584xi32, #tpu.memory_space<hbm>> -> memref<128xi32, #tpu.memory_space<hbm>>
        %dma_wait3A_55 = tpu.memref_slice %arg4[%add3A_46] : memref<323584xi32, #tpu.memory_space<hbm>> -> memref<128xi32, #tpu.memory_space<hbm>>
        tpu.wait_dma2 semaphore(%run_scoped3A : memref<!tpu.dma_semaphore, #tpu.memory_space<semaphore_mem>>) src(%dma_wait3A_55 : memref<128xi32, #tpu.memory_space<hbm>>) dst(%arg7 : memref<128xi32, #tpu.memory_space<vmem>>)
        tpu.yield
      }) : () -> ()
      %dma_start3A = arith.constant 0 : i32
      %dma_start3A_47 = arith.constant 0 : i32
      %dma_start3A_48 = tpu.memref_slice %arg2[%dma_start3A, %dma_start3A_47] : memref<10000x128xf32, #tpu.memory_space<hbm>> -> memref<10000x128xf32, #tpu.memory_space<hbm>>
      tpu.enqueue_indirect_dma source(%dma_start3A_48 : memref<10000x128xf32, #tpu.memory_space<hbm>>) target(%arg8 : memref<128x128xf32, #tpu.memory_space<vmem>>) offsets(%arg6 : memref<128xi32, #tpu.memory_space<vmem>>) semaphore(%arg10 : memref<!tpu.dma_semaphore, #tpu.memory_space<semaphore_mem>>)
      %dma_wait3A = arith.constant 0 : i32
      %dma_wait3A_49 = arith.constant 0 : i32
      %dma_wait3A_50 = tpu.memref_slice %arg2[%dma_wait3A, %dma_wait3A_49] : memref<10000x128xf32, #tpu.memory_space<hbm>> -> memref<10000x128xf32, #tpu.memory_space<hbm>>
      tpu.wait_indirect_dma semaphore(%arg10 : memref<!tpu.dma_semaphore, #tpu.memory_space<semaphore_mem>>) src(%dma_wait3A_50 : memref<10000x128xf32, #tpu.memory_space<hbm>>) dst(%arg8 : memref<128x128xf32, #tpu.memory_space<vmem>>)
      "tpu.region"() ({
        %run_scoped3A = tpu.sem_alloc : memref<!tpu.dma_semaphore, #tpu.memory_space<semaphore_mem>>
        %dma_start3A_52 = arith.constant 0 : i32
        %dma_start3A_53 = arith.constant 0 : i32
        %dma_start3A_54 = tpu.memref_slice %arg9[%dma_start3A_52, %dma_start3A_53] : memref<10112x128xf32, #tpu.memory_space<vmem_shared>> -> memref<10112x128xf32, #tpu.memory_space<vmem_shared>>
        tpu.enqueue_indirect_dma source(%arg8 : memref<128x128xf32, #tpu.memory_space<vmem>>) target(%dma_start3A_54 : memref<10112x128xf32, #tpu.memory_space<vmem_shared>>) offsets(%arg7 : memref<128xi32, #tpu.memory_space<vmem>>) semaphore(%run_scoped3A : memref<!tpu.dma_semaphore, #tpu.memory_space<semaphore_mem>>) {add = true}
        %dma_wait3A_55 = arith.constant 0 : i32
        %dma_wait3A_56 = arith.constant 0 : i32
        %dma_wait3A_57 = tpu.memref_slice %arg9[%dma_wait3A_55, %dma_wait3A_56] : memref<10112x128xf32, #tpu.memory_space<vmem_shared>> -> memref<10112x128xf32, #tpu.memory_space<vmem_shared>>
        tpu.wait_indirect_dma semaphore(%run_scoped3A : memref<!tpu.dma_semaphore, #tpu.memory_space<semaphore_mem>>) src(%arg8 : memref<128x128xf32, #tpu.memory_space<vmem>>) dst(%dma_wait3A_57 : memref<10112x128xf32, #tpu.memory_space<vmem_shared>>)
        tpu.yield
      }) : () -> ()
      %scan3A_51 = arith.constant 0 : i32
      scf.yield %scan3A_51 : i32
    }
    %scan3A_36 = arith.constant 79 : i32
    %barrier3A_37 = arith.constant 0 : index
    tpu.barrier barrier_id(%barrier3A_37)
    %mul3A_38 = arith.constant 632 : i32
    %mul3A_39 = arith.muli %arg1, %mul3A_38 : i32
    %mul3A_40 = arith.constant 632 : i32
    %mul3A_41 = arith.muli %arg1, %mul3A_40 : i32
    "tpu.region"() ({
      %run_scoped3A = tpu.sem_alloc : memref<!tpu.dma_semaphore, #tpu.memory_space<semaphore_mem>>
      %dma_start3A = arith.constant 0 : i32
      %dma_start3A_42 = tpu.memref_slice %arg5[%arg0, %mul3A_41, %dma_start3A] : memref<2x10112x128xf32, #tpu.memory_space<hbm>> -> memref<1x632x128xf32, #tpu.memory_space<hbm>>
      %dma_start3A_43 = tpu.memref_squeeze %dma_start3A_42 : memref<1x632x128xf32, #tpu.memory_space<hbm>> -> memref<632x128xf32, #tpu.memory_space<hbm>>
      %dma_start3A_44 = arith.constant 0 : i32
      %dma_start3A_45 = tpu.memref_slice %arg9[%mul3A_39, %dma_start3A_44] : memref<10112x128xf32, #tpu.memory_space<vmem_shared>> -> memref<632x128xf32, #tpu.memory_space<vmem_shared>>
      tpu.enqueue_dma source(%dma_start3A_45 : memref<632x128xf32, #tpu.memory_space<vmem_shared>>) target(%dma_start3A_43 : memref<632x128xf32, #tpu.memory_space<hbm>>) target_semaphore(%run_scoped3A : memref<!tpu.dma_semaphore, #tpu.memory_space<semaphore_mem>>)
      %dma_wait3A = arith.constant 0 : i32
      %dma_wait3A_46 = tpu.memref_slice %arg5[%arg0, %mul3A_41, %dma_wait3A] : memref<2x10112x128xf32, #tpu.memory_space<hbm>> -> memref<1x632x128xf32, #tpu.memory_space<hbm>>
      %dma_wait3A_47 = tpu.memref_squeeze %dma_wait3A_46 : memref<1x632x128xf32, #tpu.memory_space<hbm>> -> memref<632x128xf32, #tpu.memory_space<hbm>>
      %dma_wait3A_48 = arith.constant 0 : i32
      %dma_wait3A_49 = tpu.memref_slice %arg9[%mul3A_39, %dma_wait3A_48] : memref<10112x128xf32, #tpu.memory_space<vmem_shared>> -> memref<632x128xf32, #tpu.memory_space<vmem_shared>>
      tpu.wait_dma2 semaphore(%run_scoped3A : memref<!tpu.dma_semaphore, #tpu.memory_space<semaphore_mem>>) src(%dma_wait3A_49 : memref<632x128xf32, #tpu.memory_space<vmem_shared>>) dst(%dma_wait3A_47 : memref<632x128xf32, #tpu.memory_space<hbm>>)
      tpu.yield
    }) : () -> ()
    return
  }
}

#map = affine_map<(d0, d1) -> (0, 0)>
#map1 = affine_map<(d0, d1) -> (0)>
#map2 = affine_map<(d0, d1) -> (0, 0, 0)>
module attributes {stable_mosaic.version = 14 : i64} {
  func.func @body(%arg0: i32, %arg1: i32, %arg2: memref<10000x128xf32, #tpu.memory_space<hbm>>, %arg3: memref<323584xi32, #tpu.memory_space<hbm>>, %arg4: memref<323584xi32, #tpu.memory_space<hbm>>, %arg5: memref<2x10112x128xf32, #tpu.memory_space<hbm>>, %arg6: memref<128xi32, #tpu.memory_space<vmem>>, %arg7: memref<128xi32, #tpu.memory_space<vmem>>, %arg8: memref<128x128xf32, #tpu.memory_space<vmem>>, %arg9: memref<10112x128xf32, #tpu.memory_space<vmem_shared>>, %arg10: memref<!tpu.dma_semaphore, #tpu.memory_space<semaphore_mem>>) attributes {dimension_semantics = [#tpu.dimension_semantics<core_parallel>, #tpu.dimension_semantics<subcore_parallel>], iteration_bounds = array<i64: 2, 16>, scalar_prefetch = 0 : i64, scratch_operands = 5 : i64, tpu.core_type = #tpu.core_type<sc_vector_subcore>, window_params = [{transform_indices = #map}, {transform_indices = #map1}, {transform_indices = #map1}, {transform_indices = #map2}]} {
    %mul3A = arith.constant 2 : i32
    %mul3A_0 = arith.muli %arg1, %mul3A : i32
    %add3A = arith.addi %mul3A_0, %arg0 : i32
    %broadcast_in_dim3A = arith.constant 0.000000e+00 : f32
    %broadcast_in_dim3A_1 = vector.broadcast %broadcast_in_dim3A : f32 to vector<16xf32>
    %scan3A = arith.constant 0 : i32
    %scan3A_2 = arith.constant 0 : i32
    %scan3A_3 = arith.constant 128 : i32
    %scan3A_4 = arith.addi %scan3A_2, %scan3A_3 : i32
    %scan3A_5 = arith.constant 1 : i32
    %scan3A_6 = scf.for %scan3A_42 = %scan3A_2 to %scan3A_4 step %scan3A_5 iter_args(%scan3A_43 = %scan3A) -> (i32)  : i32 {
      %swap3A = arith.index_cast %scan3A_42 : i32 to index
      %swap3A_44 = arith.constant 0 : index
      %swap3A_45 = tpu.vector_load %arg8[%swap3A, %swap3A_44] {strides = array<i32>} : memref<128x128xf32, #tpu.memory_space<vmem>>, vector<1x16xf32>,
      %swap3A_46 = vector.shape_cast %swap3A_45 : vector<1x16xf32> to vector<16xf32>
      %swap3A_47 = vector.shape_cast %broadcast_in_dim3A_1 : vector<16xf32> to vector<1x16xf32>
      tpu.vector_store %arg8[%swap3A, %swap3A_44], %swap3A_47 {strides = array<i32>} : memref<128x128xf32, #tpu.memory_space<vmem>>, vector<1x16xf32>,
      %swap3A_48 = arith.index_cast %scan3A_42 : i32 to index
      %swap3A_49 = arith.constant 16 : index
      %swap3A_50 = tpu.vector_load %arg8[%swap3A_48, %swap3A_49] {strides = array<i32>} : memref<128x128xf32, #tpu.memory_space<vmem>>, vector<1x16xf32>,
      %swap3A_51 = vector.shape_cast %swap3A_50 : vector<1x16xf32> to vector<16xf32>
      %swap3A_52 = vector.shape_cast %broadcast_in_dim3A_1 : vector<16xf32> to vector<1x16xf32>
      tpu.vector_store %arg8[%swap3A_48, %swap3A_49], %swap3A_52 {strides = array<i32>} : memref<128x128xf32, #tpu.memory_space<vmem>>, vector<1x16xf32>,
      %swap3A_53 = arith.index_cast %scan3A_42 : i32 to index
      %swap3A_54 = arith.constant 32 : index
      %swap3A_55 = tpu.vector_load %arg8[%swap3A_53, %swap3A_54] {strides = array<i32>} : memref<128x128xf32, #tpu.memory_space<vmem>>, vector<1x16xf32>,
      %swap3A_56 = vector.shape_cast %swap3A_55 : vector<1x16xf32> to vector<16xf32>
      %swap3A_57 = vector.shape_cast %broadcast_in_dim3A_1 : vector<16xf32> to vector<1x16xf32>
      tpu.vector_store %arg8[%swap3A_53, %swap3A_54], %swap3A_57 {strides = array<i32>} : memref<128x128xf32, #tpu.memory_space<vmem>>, vector<1x16xf32>,
      %swap3A_58 = arith.index_cast %scan3A_42 : i32 to index
      %swap3A_59 = arith.constant 48 : index
      %swap3A_60 = tpu.vector_load %arg8[%swap3A_58, %swap3A_59] {strides = array<i32>} : memref<128x128xf32, #tpu.memory_space<vmem>>, vector<1x16xf32>,
      %swap3A_61 = vector.shape_cast %swap3A_60 : vector<1x16xf32> to vector<16xf32>
      %swap3A_62 = vector.shape_cast %broadcast_in_dim3A_1 : vector<16xf32> to vector<1x16xf32>
      tpu.vector_store %arg8[%swap3A_58, %swap3A_59], %swap3A_62 {strides = array<i32>} : memref<128x128xf32, #tpu.memory_space<vmem>>, vector<1x16xf32>,
      %swap3A_63 = arith.index_cast %scan3A_42 : i32 to index
      %swap3A_64 = arith.constant 64 : index
      %swap3A_65 = tpu.vector_load %arg8[%swap3A_63, %swap3A_64] {strides = array<i32>} : memref<128x128xf32, #tpu.memory_space<vmem>>, vector<1x16xf32>,
      %swap3A_66 = vector.shape_cast %swap3A_65 : vector<1x16xf32> to vector<16xf32>
      %swap3A_67 = vector.shape_cast %broadcast_in_dim3A_1 : vector<16xf32> to vector<1x16xf32>
      tpu.vector_store %arg8[%swap3A_63, %swap3A_64], %swap3A_67 {strides = array<i32>} : memref<128x128xf32, #tpu.memory_space<vmem>>, vector<1x16xf32>,
      %swap3A_68 = arith.index_cast %scan3A_42 : i32 to index
      %swap3A_69 = arith.constant 80 : index
      %swap3A_70 = tpu.vector_load %arg8[%swap3A_68, %swap3A_69] {strides = array<i32>} : memref<128x128xf32, #tpu.memory_space<vmem>>, vector<1x16xf32>,
      %swap3A_71 = vector.shape_cast %swap3A_70 : vector<1x16xf32> to vector<16xf32>
      %swap3A_72 = vector.shape_cast %broadcast_in_dim3A_1 : vector<16xf32> to vector<1x16xf32>
      tpu.vector_store %arg8[%swap3A_68, %swap3A_69], %swap3A_72 {strides = array<i32>} : memref<128x128xf32, #tpu.memory_space<vmem>>, vector<1x16xf32>,
      %swap3A_73 = arith.index_cast %scan3A_42 : i32 to index
      %swap3A_74 = arith.constant 96 : index
      %swap3A_75 = tpu.vector_load %arg8[%swap3A_73, %swap3A_74] {strides = array<i32>} : memref<128x128xf32, #tpu.memory_space<vmem>>, vector<1x16xf32>,
      %swap3A_76 = vector.shape_cast %swap3A_75 : vector<1x16xf32> to vector<16xf32>
      %swap3A_77 = vector.shape_cast %broadcast_in_dim3A_1 : vector<16xf32> to vector<1x16xf32>
      tpu.vector_store %arg8[%swap3A_73, %swap3A_74], %swap3A_77 {strides = array<i32>} : memref<128x128xf32, #tpu.memory_space<vmem>>, vector<1x16xf32>,
      %swap3A_78 = arith.index_cast %scan3A_42 : i32 to index
      %swap3A_79 = arith.constant 112 : index
      %swap3A_80 = tpu.vector_load %arg8[%swap3A_78, %swap3A_79] {strides = array<i32>} : memref<128x128xf32, #tpu.memory_space<vmem>>, vector<1x16xf32>,
      %swap3A_81 = vector.shape_cast %swap3A_80 : vector<1x16xf32> to vector<16xf32>
      %swap3A_82 = vector.shape_cast %broadcast_in_dim3A_1 : vector<16xf32> to vector<1x16xf32>
      tpu.vector_store %arg8[%swap3A_78, %swap3A_79], %swap3A_82 {strides = array<i32>} : memref<128x128xf32, #tpu.memory_space<vmem>>, vector<1x16xf32>,
      %scan3A_83 = arith.constant 0 : i32
      scf.yield %scan3A_83 : i32
    }
    %scan3A_7 = arith.constant 128 : i32
    %mul3A_8 = arith.constant 632 : i32
    %mul3A_9 = arith.muli %arg1, %mul3A_8 : i32
    %add3A_10 = arith.constant 0 : i32
    %add3A_11 = arith.addi %mul3A_9, %add3A_10 : i32
    "tpu.region"() ({
      %run_scoped3A = tpu.sem_alloc : memref<!tpu.dma_semaphore, #tpu.memory_space<semaphore_mem>>
      %dma_start3A = arith.constant 0 : i32
      %dma_start3A_42 = arith.constant 0 : i32
      %dma_start3A_43 = tpu.memref_slice %arg8[%dma_start3A, %dma_start3A_42] : memref<128x128xf32, #tpu.memory_space<vmem>> -> memref<128x128xf32, #tpu.memory_space<vmem>>
      %dma_start3A_44 = arith.constant 0 : i32
      %dma_start3A_45 = tpu.memref_slice %arg9[%add3A_11, %dma_start3A_44] : memref<10112x128xf32, #tpu.memory_space<vmem_shared>> -> memref<128x128xf32, #tpu.memory_space<vmem_shared>>
      %dma_start3A_46 = arith.constant 0 : i32
      %dma_start3A_47 = tpu.memref_slice %arg9[%add3A_11, %dma_start3A_46] : memref<10112x128xf32, #tpu.memory_space<vmem_shared>> -> memref<128x128xf32, #tpu.memory_space<vmem_shared>>
      %dma_start3A_48 = arith.constant 0 : i32
      %dma_start3A_49 = arith.constant 0 : i32
      %dma_start3A_50 = tpu.memref_slice %arg8[%dma_start3A_48, %dma_start3A_49] : memref<128x128xf32, #tpu.memory_space<vmem>> -> memref<128x128xf32, #tpu.memory_space<vmem>>
      tpu.enqueue_dma source(%dma_start3A_50 : memref<128x128xf32, #tpu.memory_space<vmem>>) target(%dma_start3A_47 : memref<128x128xf32, #tpu.memory_space<vmem_shared>>) target_semaphore(%run_scoped3A : memref<!tpu.dma_semaphore, #tpu.memory_space<semaphore_mem>>)
      %dma_wait3A = arith.constant 0 : i32
      %dma_wait3A_51 = arith.constant 0 : i32
      %dma_wait3A_52 = tpu.memref_slice %arg8[%dma_wait3A, %dma_wait3A_51] : memref<128x128xf32, #tpu.memory_space<vmem>> -> memref<128x128xf32, #tpu.memory_space<vmem>>
      %dma_wait3A_53 = arith.constant 0 : i32
      %dma_wait3A_54 = tpu.memref_slice %arg9[%add3A_11, %dma_wait3A_53] : memref<10112x128xf32, #tpu.memory_space<vmem_shared>> -> memref<128x128xf32, #tpu.memory_space<vmem_shared>>
      %dma_wait3A_55 = arith.constant 0 : i32
      %dma_wait3A_56 = tpu.memref_slice %arg9[%add3A_11, %dma_wait3A_55] : memref<10112x128xf32, #tpu.memory_space<vmem_shared>> -> memref<128x128xf32, #tpu.memory_space<vmem_shared>>
      %dma_wait3A_57 = arith.constant 0 : i32
      %dma_wait3A_58 = arith.constant 0 : i32
      %dma_wait3A_59 = tpu.memref_slice %arg8[%dma_wait3A_57, %dma_wait3A_58] : memref<128x128xf32, #tpu.memory_space<vmem>> -> memref<128x128xf32, #tpu.memory_space<vmem>>
      tpu.wait_dma2 semaphore(%run_scoped3A : memref<!tpu.dma_semaphore, #tpu.memory_space<semaphore_mem>>) src(%dma_wait3A_59 : memref<128x128xf32, #tpu.memory_space<vmem>>) dst(%dma_wait3A_56 : memref<128x128xf32, #tpu.memory_space<vmem_shared>>)
      tpu.yield
    }) : () -> ()
    %mul3A_12 = arith.constant 632 : i32
    %mul3A_13 = arith.muli %arg1, %mul3A_12 : i32
    %add3A_14 = arith.constant 128 : i32
    %add3A_15 = arith.addi %mul3A_13, %add3A_14 : i32
    "tpu.region"() ({
      %run_scoped3A = tpu.sem_alloc : memref<!tpu.dma_semaphore, #tpu.memory_space<semaphore_mem>>
      %dma_start3A = arith.constant 0 : i32
      %dma_start3A_42 = arith.constant 0 : i32
      %dma_start3A_43 = tpu.memref_slice %arg8[%dma_start3A, %dma_start3A_42] : memref<128x128xf32, #tpu.memory_space<vmem>> -> memref<128x128xf32, #tpu.memory_space<vmem>>
      %dma_start3A_44 = arith.constant 0 : i32
      %dma_start3A_45 = tpu.memref_slice %arg9[%add3A_15, %dma_start3A_44] : memref<10112x128xf32, #tpu.memory_space<vmem_shared>> -> memref<128x128xf32, #tpu.memory_space<vmem_shared>>
      %dma_start3A_46 = arith.constant 0 : i32
      %dma_start3A_47 = tpu.memref_slice %arg9[%add3A_15, %dma_start3A_46] : memref<10112x128xf32, #tpu.memory_space<vmem_shared>> -> memref<128x128xf32, #tpu.memory_space<vmem_shared>>
      %dma_start3A_48 = arith.constant 0 : i32
      %dma_start3A_49 = arith.constant 0 : i32
      %dma_start3A_50 = tpu.memref_slice %arg8[%dma_start3A_48, %dma_start3A_49] : memref<128x128xf32, #tpu.memory_space<vmem>> -> memref<128x128xf32, #tpu.memory_space<vmem>>
      tpu.enqueue_dma source(%dma_start3A_50 : memref<128x128xf32, #tpu.memory_space<vmem>>) target(%dma_start3A_47 : memref<128x128xf32, #tpu.memory_space<vmem_shared>>) target_semaphore(%run_scoped3A : memref<!tpu.dma_semaphore, #tpu.memory_space<semaphore_mem>>)
      %dma_wait3A = arith.constant 0 : i32
      %dma_wait3A_51 = arith.constant 0 : i32
      %dma_wait3A_52 = tpu.memref_slice %arg8[%dma_wait3A, %dma_wait3A_51] : memref<128x128xf32, #tpu.memory_space<vmem>> -> memref<128x128xf32, #tpu.memory_space<vmem>>
      %dma_wait3A_53 = arith.constant 0 : i32
      %dma_wait3A_54 = tpu.memref_slice %arg9[%add3A_15, %dma_wait3A_53] : memref<10112x128xf32, #tpu.memory_space<vmem_shared>> -> memref<128x128xf32, #tpu.memory_space<vmem_shared>>
      %dma_wait3A_55 = arith.constant 0 : i32
      %dma_wait3A_56 = tpu.memref_slice %arg9[%add3A_15, %dma_wait3A_55] : memref<10112x128xf32, #tpu.memory_space<vmem_shared>> -> memref<128x128xf32, #tpu.memory_space<vmem_shared>>
      %dma_wait3A_57 = arith.constant 0 : i32
      %dma_wait3A_58 = arith.constant 0 : i32
      %dma_wait3A_59 = tpu.memref_slice %arg8[%dma_wait3A_57, %dma_wait3A_58] : memref<128x128xf32, #tpu.memory_space<vmem>> -> memref<128x128xf32, #tpu.memory_space<vmem>>
      tpu.wait_dma2 semaphore(%run_scoped3A : memref<!tpu.dma_semaphore, #tpu.memory_space<semaphore_mem>>) src(%dma_wait3A_59 : memref<128x128xf32, #tpu.memory_space<vmem>>) dst(%dma_wait3A_56 : memref<128x128xf32, #tpu.memory_space<vmem_shared>>)
      tpu.yield
    }) : () -> ()
    %mul3A_16 = arith.constant 632 : i32
    %mul3A_17 = arith.muli %arg1, %mul3A_16 : i32
    %add3A_18 = arith.constant 256 : i32
    %add3A_19 = arith.addi %mul3A_17, %add3A_18 : i32
    "tpu.region"() ({
      %run_scoped3A = tpu.sem_alloc : memref<!tpu.dma_semaphore, #tpu.memory_space<semaphore_mem>>
      %dma_start3A = arith.constant 0 : i32
      %dma_start3A_42 = arith.constant 0 : i32
      %dma_start3A_43 = tpu.memref_slice %arg8[%dma_start3A, %dma_start3A_42] : memref<128x128xf32, #tpu.memory_space<vmem>> -> memref<128x128xf32, #tpu.memory_space<vmem>>
      %dma_start3A_44 = arith.constant 0 : i32
      %dma_start3A_45 = tpu.memref_slice %arg9[%add3A_19, %dma_start3A_44] : memref<10112x128xf32, #tpu.memory_space<vmem_shared>> -> memref<128x128xf32, #tpu.memory_space<vmem_shared>>
      %dma_start3A_46 = arith.constant 0 : i32
      %dma_start3A_47 = tpu.memref_slice %arg9[%add3A_19, %dma_start3A_46] : memref<10112x128xf32, #tpu.memory_space<vmem_shared>> -> memref<128x128xf32, #tpu.memory_space<vmem_shared>>
      %dma_start3A_48 = arith.constant 0 : i32
      %dma_start3A_49 = arith.constant 0 : i32
      %dma_start3A_50 = tpu.memref_slice %arg8[%dma_start3A_48, %dma_start3A_49] : memref<128x128xf32, #tpu.memory_space<vmem>> -> memref<128x128xf32, #tpu.memory_space<vmem>>
      tpu.enqueue_dma source(%dma_start3A_50 : memref<128x128xf32, #tpu.memory_space<vmem>>) target(%dma_start3A_47 : memref<128x128xf32, #tpu.memory_space<vmem_shared>>) target_semaphore(%run_scoped3A : memref<!tpu.dma_semaphore, #tpu.memory_space<semaphore_mem>>)
      %dma_wait3A = arith.constant 0 : i32
      %dma_wait3A_51 = arith.constant 0 : i32
      %dma_wait3A_52 = tpu.memref_slice %arg8[%dma_wait3A, %dma_wait3A_51] : memref<128x128xf32, #tpu.memory_space<vmem>> -> memref<128x128xf32, #tpu.memory_space<vmem>>
      %dma_wait3A_53 = arith.constant 0 : i32
      %dma_wait3A_54 = tpu.memref_slice %arg9[%add3A_19, %dma_wait3A_53] : memref<10112x128xf32, #tpu.memory_space<vmem_shared>> -> memref<128x128xf32, #tpu.memory_space<vmem_shared>>
      %dma_wait3A_55 = arith.constant 0 : i32
      %dma_wait3A_56 = tpu.memref_slice %arg9[%add3A_19, %dma_wait3A_55] : memref<10112x128xf32, #tpu.memory_space<vmem_shared>> -> memref<128x128xf32, #tpu.memory_space<vmem_shared>>
      %dma_wait3A_57 = arith.constant 0 : i32
      %dma_wait3A_58 = arith.constant 0 : i32
      %dma_wait3A_59 = tpu.memref_slice %arg8[%dma_wait3A_57, %dma_wait3A_58] : memref<128x128xf32, #tpu.memory_space<vmem>> -> memref<128x128xf32, #tpu.memory_space<vmem>>
      tpu.wait_dma2 semaphore(%run_scoped3A : memref<!tpu.dma_semaphore, #tpu.memory_space<semaphore_mem>>) src(%dma_wait3A_59 : memref<128x128xf32, #tpu.memory_space<vmem>>) dst(%dma_wait3A_56 : memref<128x128xf32, #tpu.memory_space<vmem_shared>>)
      tpu.yield
    }) : () -> ()
    %mul3A_20 = arith.constant 632 : i32
    %mul3A_21 = arith.muli %arg1, %mul3A_20 : i32
    %add3A_22 = arith.constant 384 : i32
    %add3A_23 = arith.addi %mul3A_21, %add3A_22 : i32
    "tpu.region"() ({
      %run_scoped3A = tpu.sem_alloc : memref<!tpu.dma_semaphore, #tpu.memory_space<semaphore_mem>>
      %dma_start3A = arith.constant 0 : i32
      %dma_start3A_42 = arith.constant 0 : i32
      %dma_start3A_43 = tpu.memref_slice %arg8[%dma_start3A, %dma_start3A_42] : memref<128x128xf32, #tpu.memory_space<vmem>> -> memref<128x128xf32, #tpu.memory_space<vmem>>
      %dma_start3A_44 = arith.constant 0 : i32
      %dma_start3A_45 = tpu.memref_slice %arg9[%add3A_23, %dma_start3A_44] : memref<10112x128xf32, #tpu.memory_space<vmem_shared>> -> memref<128x128xf32, #tpu.memory_space<vmem_shared>>
      %dma_start3A_46 = arith.constant 0 : i32
      %dma_start3A_47 = tpu.memref_slice %arg9[%add3A_23, %dma_start3A_46] : memref<10112x128xf32, #tpu.memory_space<vmem_shared>> -> memref<128x128xf32, #tpu.memory_space<vmem_shared>>
      %dma_start3A_48 = arith.constant 0 : i32
      %dma_start3A_49 = arith.constant 0 : i32
      %dma_start3A_50 = tpu.memref_slice %arg8[%dma_start3A_48, %dma_start3A_49] : memref<128x128xf32, #tpu.memory_space<vmem>> -> memref<128x128xf32, #tpu.memory_space<vmem>>
      tpu.enqueue_dma source(%dma_start3A_50 : memref<128x128xf32, #tpu.memory_space<vmem>>) target(%dma_start3A_47 : memref<128x128xf32, #tpu.memory_space<vmem_shared>>) target_semaphore(%run_scoped3A : memref<!tpu.dma_semaphore, #tpu.memory_space<semaphore_mem>>)
      %dma_wait3A = arith.constant 0 : i32
      %dma_wait3A_51 = arith.constant 0 : i32
      %dma_wait3A_52 = tpu.memref_slice %arg8[%dma_wait3A, %dma_wait3A_51] : memref<128x128xf32, #tpu.memory_space<vmem>> -> memref<128x128xf32, #tpu.memory_space<vmem>>
      %dma_wait3A_53 = arith.constant 0 : i32
      %dma_wait3A_54 = tpu.memref_slice %arg9[%add3A_23, %dma_wait3A_53] : memref<10112x128xf32, #tpu.memory_space<vmem_shared>> -> memref<128x128xf32, #tpu.memory_space<vmem_shared>>
      %dma_wait3A_55 = arith.constant 0 : i32
      %dma_wait3A_56 = tpu.memref_slice %arg9[%add3A_23, %dma_wait3A_55] : memref<10112x128xf32, #tpu.memory_space<vmem_shared>> -> memref<128x128xf32, #tpu.memory_space<vmem_shared>>
      %dma_wait3A_57 = arith.constant 0 : i32
      %dma_wait3A_58 = arith.constant 0 : i32
      %dma_wait3A_59 = tpu.memref_slice %arg8[%dma_wait3A_57, %dma_wait3A_58] : memref<128x128xf32, #tpu.memory_space<vmem>> -> memref<128x128xf32, #tpu.memory_space<vmem>>
      tpu.wait_dma2 semaphore(%run_scoped3A : memref<!tpu.dma_semaphore, #tpu.memory_space<semaphore_mem>>) src(%dma_wait3A_59 : memref<128x128xf32, #tpu.memory_space<vmem>>) dst(%dma_wait3A_56 : memref<128x128xf32, #tpu.memory_space<vmem_shared>>)
      tpu.yield
    }) : () -> ()
    %mul3A_24 = arith.constant 632 : i32
    %mul3A_25 = arith.muli %arg1, %mul3A_24 : i32
    %add3A_26 = arith.constant 512 : i32
    %add3A_27 = arith.addi %mul3A_25, %add3A_26 : i32
    "tpu.region"() ({
      %run_scoped3A = tpu.sem_alloc : memref<!tpu.dma_semaphore, #tpu.memory_space<semaphore_mem>>
      %dma_start3A = arith.constant 0 : i32
      %dma_start3A_42 = arith.constant 0 : i32
      %dma_start3A_43 = tpu.memref_slice %arg8[%dma_start3A, %dma_start3A_42] : memref<128x128xf32, #tpu.memory_space<vmem>> -> memref<120x128xf32, #tpu.memory_space<vmem>>
      %dma_start3A_44 = arith.constant 0 : i32
      %dma_start3A_45 = tpu.memref_slice %arg9[%add3A_27, %dma_start3A_44] : memref<10112x128xf32, #tpu.memory_space<vmem_shared>> -> memref<120x128xf32, #tpu.memory_space<vmem_shared>>
      %dma_start3A_46 = arith.constant 0 : i32
      %dma_start3A_47 = tpu.memref_slice %arg9[%add3A_27, %dma_start3A_46] : memref<10112x128xf32, #tpu.memory_space<vmem_shared>> -> memref<120x128xf32, #tpu.memory_space<vmem_shared>>
      %dma_start3A_48 = arith.constant 0 : i32
      %dma_start3A_49 = arith.constant 0 : i32
      %dma_start3A_50 = tpu.memref_slice %arg8[%dma_start3A_48, %dma_start3A_49] : memref<128x128xf32, #tpu.memory_space<vmem>> -> memref<120x128xf32, #tpu.memory_space<vmem>>
      tpu.enqueue_dma source(%dma_start3A_50 : memref<120x128xf32, #tpu.memory_space<vmem>>) target(%dma_start3A_47 : memref<120x128xf32, #tpu.memory_space<vmem_shared>>) target_semaphore(%run_scoped3A : memref<!tpu.dma_semaphore, #tpu.memory_space<semaphore_mem>>)
      %dma_wait3A = arith.constant 0 : i32
      %dma_wait3A_51 = arith.constant 0 : i32
      %dma_wait3A_52 = tpu.memref_slice %arg8[%dma_wait3A, %dma_wait3A_51] : memref<128x128xf32, #tpu.memory_space<vmem>> -> memref<120x128xf32, #tpu.memory_space<vmem>>
      %dma_wait3A_53 = arith.constant 0 : i32
      %dma_wait3A_54 = tpu.memref_slice %arg9[%add3A_27, %dma_wait3A_53] : memref<10112x128xf32, #tpu.memory_space<vmem_shared>> -> memref<120x128xf32, #tpu.memory_space<vmem_shared>>
      %dma_wait3A_55 = arith.constant 0 : i32
      %dma_wait3A_56 = tpu.memref_slice %arg9[%add3A_27, %dma_wait3A_55] : memref<10112x128xf32, #tpu.memory_space<vmem_shared>> -> memref<120x128xf32, #tpu.memory_space<vmem_shared>>
      %dma_wait3A_57 = arith.constant 0 : i32
      %dma_wait3A_58 = arith.constant 0 : i32
      %dma_wait3A_59 = tpu.memref_slice %arg8[%dma_wait3A_57, %dma_wait3A_58] : memref<128x128xf32, #tpu.memory_space<vmem>> -> memref<120x128xf32, #tpu.memory_space<vmem>>
      tpu.wait_dma2 semaphore(%run_scoped3A : memref<!tpu.dma_semaphore, #tpu.memory_space<semaphore_mem>>) src(%dma_wait3A_59 : memref<120x128xf32, #tpu.memory_space<vmem>>) dst(%dma_wait3A_56 : memref<120x128xf32, #tpu.memory_space<vmem_shared>>)
      tpu.yield
    }) : () -> ()
    %barrier3A = arith.constant 0 : index
    tpu.barrier barrier_id(%barrier3A)
    %mul3A_28 = arith.constant 10112 : i32
    %mul3A_29 = arith.muli %add3A, %mul3A_28 : i32
    %scan3A_30 = arith.constant 0 : i32
    %scan3A_31 = arith.constant 0 : i32
    %scan3A_32 = arith.constant 79 : i32
    %scan3A_33 = arith.addi %scan3A_31, %scan3A_32 : i32
    %scan3A_34 = arith.constant 1 : i32
    %scan3A_35 = scf.for %scan3A_42 = %scan3A_31 to %scan3A_33 step %scan3A_34 iter_args(%scan3A_43 = %scan3A_30) -> (i32)  : i32 {
      %mul3A_44 = arith.constant 128 : i32
      %mul3A_45 = arith.muli %scan3A_42, %mul3A_44 : i32
      %add3A_46 = arith.addi %mul3A_29, %mul3A_45 : i32
      "tpu.region"() ({
        %run_scoped3A = tpu.sem_alloc : memref<!tpu.dma_semaphore, #tpu.memory_space<semaphore_mem>>
        %dma_start3A_52 = tpu.memref_slice %arg3[%add3A_46] : memref<323584xi32, #tpu.memory_space<hbm>> -> memref<128xi32, #tpu.memory_space<hbm>>
        %dma_start3A_53 = tpu.memref_slice %arg3[%add3A_46] : memref<323584xi32, #tpu.memory_space<hbm>> -> memref<128xi32, #tpu.memory_space<hbm>>
        tpu.enqueue_dma source(%dma_start3A_53 : memref<128xi32, #tpu.memory_space<hbm>>) target(%arg6 : memref<128xi32, #tpu.memory_space<vmem>>) target_semaphore(%run_scoped3A : memref<!tpu.dma_semaphore, #tpu.memory_space<semaphore_mem>>)
        %dma_wait3A_54 = tpu.memref_slice %arg3[%add3A_46] : memref<323584xi32, #tpu.memory_space<hbm>> -> memref<128xi32, #tpu.memory_space<hbm>>
        %dma_wait3A_55 = tpu.memref_slice %arg3[%add3A_46] : memref<323584xi32, #tpu.memory_space<hbm>> -> memref<128xi32, #tpu.memory_space<hbm>>
        tpu.wait_dma2 semaphore(%run_scoped3A : memref<!tpu.dma_semaphore, #tpu.memory_space<semaphore_mem>>) src(%dma_wait3A_55 : memref<128xi32, #tpu.memory_space<hbm>>) dst(%arg6 : memref<128xi32, #tpu.memory_space<vmem>>)
        tpu.yield
      }) : () -> ()
      "tpu.region"() ({
        %run_scoped3A = tpu.sem_alloc : memref<!tpu.dma_semaphore, #tpu.memory_space<semaphore_mem>>
        %dma_start3A_52 = tpu.memref_slice %arg4[%add3A_46] : memref<323584xi32, #tpu.memory_space<hbm>> -> memref<128xi32, #tpu.memory_space<hbm>>
        %dma_start3A_53 = tpu.memref_slice %arg4[%add3A_46] : memref<323584xi32, #tpu.memory_space<hbm>> -> memref<128xi32, #tpu.memory_space<hbm>>
        tpu.enqueue_dma source(%dma_start3A_53 : memref<128xi32, #tpu.memory_space<hbm>>) target(%arg7 : memref<128xi32, #tpu.memory_space<vmem>>) target_semaphore(%run_scoped3A : memref<!tpu.dma_semaphore, #tpu.memory_space<semaphore_mem>>)
        %dma_wait3A_54 = tpu.memref_slice %arg4[%add3A_46] : memref<323584xi32, #tpu.memory_space<hbm>> -> memref<128xi32, #tpu.memory_space<hbm>>
        %dma_wait3A_55 = tpu.memref_slice %arg4[%add3A_46] : memref<323584xi32, #tpu.memory_space<hbm>> -> memref<128xi32, #tpu.memory_space<hbm>>
        tpu.wait_dma2 semaphore(%run_scoped3A : memref<!tpu.dma_semaphore, #tpu.memory_space<semaphore_mem>>) src(%dma_wait3A_55 : memref<128xi32, #tpu.memory_space<hbm>>) dst(%arg7 : memref<128xi32, #tpu.memory_space<vmem>>)
        tpu.yield
      }) : () -> ()
      %dma_start3A = arith.constant 0 : i32
      %dma_start3A_47 = arith.constant 0 : i32
      %dma_start3A_48 = tpu.memref_slice %arg2[%dma_start3A, %dma_start3A_47] : memref<10000x128xf32, #tpu.memory_space<hbm>> -> memref<10000x128xf32, #tpu.memory_space<hbm>>
      tpu.enqueue_indirect_dma source(%dma_start3A_48 : memref<10000x128xf32, #tpu.memory_space<hbm>>) target(%arg8 : memref<128x128xf32, #tpu.memory_space<vmem>>) offsets(%arg6 : memref<128xi32, #tpu.memory_space<vmem>>) semaphore(%arg10 : memref<!tpu.dma_semaphore, #tpu.memory_space<semaphore_mem>>)
      %dma_wait3A = arith.constant 0 : i32
      %dma_wait3A_49 = arith.constant 0 : i32
      %dma_wait3A_50 = tpu.memref_slice %arg2[%dma_wait3A, %dma_wait3A_49] : memref<10000x128xf32, #tpu.memory_space<hbm>> -> memref<10000x128xf32, #tpu.memory_space<hbm>>
      tpu.wait_indirect_dma semaphore(%arg10 : memref<!tpu.dma_semaphore, #tpu.memory_space<semaphore_mem>>) src(%dma_wait3A_50 : memref<10000x128xf32, #tpu.memory_space<hbm>>) dst(%arg8 : memref<128x128xf32, #tpu.memory_space<vmem>>)
      "tpu.region"() ({
        %run_scoped3A = tpu.sem_alloc : memref<!tpu.dma_semaphore, #tpu.memory_space<semaphore_mem>>
        %dma_start3A_52 = arith.constant 0 : i32
        %dma_start3A_53 = arith.constant 0 : i32
        %dma_start3A_54 = tpu.memref_slice %arg9[%dma_start3A_52, %dma_start3A_53] : memref<10112x128xf32, #tpu.memory_space<vmem_shared>> -> memref<10112x128xf32, #tpu.memory_space<vmem_shared>>
        tpu.enqueue_indirect_dma source(%arg8 : memref<128x128xf32, #tpu.memory_space<vmem>>) target(%dma_start3A_54 : memref<10112x128xf32, #tpu.memory_space<vmem_shared>>) offsets(%arg7 : memref<128xi32, #tpu.memory_space<vmem>>) semaphore(%run_scoped3A : memref<!tpu.dma_semaphore, #tpu.memory_space<semaphore_mem>>) {add = true}
        %dma_wait3A_55 = arith.constant 0 : i32
        %dma_wait3A_56 = arith.constant 0 : i32
        %dma_wait3A_57 = tpu.memref_slice %arg9[%dma_wait3A_55, %dma_wait3A_56] : memref<10112x128xf32, #tpu.memory_space<vmem_shared>> -> memref<10112x128xf32, #tpu.memory_space<vmem_shared>>
        tpu.wait_indirect_dma semaphore(%run_scoped3A : memref<!tpu.dma_semaphore, #tpu.memory_space<semaphore_mem>>) src(%arg8 : memref<128x128xf32, #tpu.memory_space<vmem>>) dst(%dma_wait3A_57 : memref<10112x128xf32, #tpu.memory_space<vmem_shared>>)
        tpu.yield
      }) : () -> ()
      %scan3A_51 = arith.constant 0 : i32
      scf.yield %scan3A_51 : i32
    }
    %scan3A_36 = arith.constant 79 : i32
    %barrier3A_37 = arith.constant 0 : index
    tpu.barrier barrier_id(%barrier3A_37)
    %mul3A_38 = arith.constant 632 : i32
    %mul3A_39 = arith.muli %arg1, %mul3A_38 : i32
    %mul3A_40 = arith.constant 632 : i32
    %mul3A_41 = arith.muli %arg1, %mul3A_40 : i32
    "tpu.region"() ({
      %run_scoped3A = tpu.sem_alloc : memref<!tpu.dma_semaphore, #tpu.memory_space<semaphore_mem>>
      %dma_start3A = arith.constant 0 : i32
      %dma_start3A_42 = tpu.memref_slice %arg5[%arg0, %mul3A_41, %dma_start3A] : memref<2x10112x128xf32, #tpu.memory_space<hbm>> -> memref<1x632x128xf32, #tpu.memory_space<hbm>>
      %dma_start3A_43 = tpu.memref_squeeze %dma_start3A_42 : memref<1x632x128xf32, #tpu.memory_space<hbm>> -> memref<632x128xf32, #tpu.memory_space<hbm>>
      %dma_start3A_44 = arith.constant 0 : i32
      %dma_start3A_45 = tpu.memref_slice %arg9[%mul3A_39, %dma_start3A_44] : memref<10112x128xf32, #tpu.memory_space<vmem_shared>> -> memref<632x128xf32, #tpu.memory_space<vmem_shared>>
      tpu.enqueue_dma source(%dma_start3A_45 : memref<632x128xf32, #tpu.memory_space<vmem_shared>>) target(%dma_start3A_43 : memref<632x128xf32, #tpu.memory_space<hbm>>) target_semaphore(%run_scoped3A : memref<!tpu.dma_semaphore, #tpu.memory_space<semaphore_mem>>)
      %dma_wait3A = arith.constant 0 : i32
      %dma_wait3A_46 = tpu.memref_slice %arg5[%arg0, %mul3A_41, %dma_wait3A] : memref<2x10112x128xf32, #tpu.memory_space<hbm>> -> memref<1x632x128xf32, #tpu.memory_space<hbm>>
      %dma_wait3A_47 = tpu.memref_squeeze %dma_wait3A_46 : memref<1x632x128xf32, #tpu.memory_space<hbm>> -> memref<632x128xf32, #tpu.memory_space<hbm>>
      %dma_wait3A_48 = arith.constant 0 : i32
      %dma_wait3A_49 = tpu.memref_slice %arg9[%mul3A_39, %dma_wait3A_48] : memref<10112x128xf32, #tpu.memory_space<vmem_shared>> -> memref<632x128xf32, #tpu.memory_space<vmem_shared>>
      tpu.wait_dma2 semaphore(%run_scoped3A : memref<!tpu.dma_semaphore, #tpu.memory_space<semaphore_mem>>) src(%dma_wait3A_49 : memref<632x128xf32, #tpu.memory_space<vmem_shared>>) dst(%dma_wait3A_47 : memref<632x128xf32, #tpu.memory_space<hbm>>)
      tpu.yield
    }) : () -> ()
    return
  }
}

module attributes {stable_mosaic.version = 14 : i64} {
  func.func @body(%arg0: i32, %arg1: memref<1000x128xf32, #tpu.memory_space<vmem>>, %arg2: memref<1000x128xf32, #tpu.memory_space<vmem>>, %arg3: memref<1000x128xf32, #tpu.memory_space<vmem>>, %arg4: memref<1000x128xf32, #tpu.memory_space<vmem>>, %arg5: memref<1000x128xf32, #tpu.memory_space<vmem>>, %arg6: memref<128x128xf32, #tpu.memory_space<vmem>>, %arg7: memref<128x128xf32, #tpu.memory_space<vmem>>, %arg8: memref<1x128xf32, #tpu.memory_space<vmem>>, %arg9: memref<1000x128xf32, #tpu.memory_space<vmem>>) attributes {dimension_semantics = [#tpu.dimension_semantics<arbitrary>], iteration_bounds = array<i64: 10>, scalar_prefetch = 0 : i64, scratch_operands = 0 : i64, tpu.core_type = #tpu.core_type<tc>, window_params = [{transform_indices = @transform_0, window_bounds = array<i64: 1000, 128>}, {transform_indices = @transform_1, window_bounds = array<i64: 1000, 128>}, {transform_indices = @transform_2, window_bounds = array<i64: 1000, 128>}, {transform_indices = @transform_3, window_bounds = array<i64: 1000, 128>}, {transform_indices = @transform_4, window_bounds = array<i64: 1000, 128>}, {pipeline_mode = #tpu.pipeline_mode<synchronous>, transform_indices = @transform_5, window_bounds = array<i64: 128, 128>}, {pipeline_mode = #tpu.pipeline_mode<synchronous>, transform_indices = @transform_6, window_bounds = array<i64: 128, 128>}, {pipeline_mode = #tpu.pipeline_mode<synchronous>, transform_indices = @transform_7, window_bounds = array<i64: 1, 128>}, {transform_indices = @transform_8, window_bounds = array<i64: 1000, 128>}]} {
    %get3A = arith.constant 0 : index
    %get3A_0 = arith.constant 0 : index
    %get3A_1 = vector.load %arg1[%get3A, %get3A_0] : memref<1000x128xf32, #tpu.memory_space<vmem>>, vector<1000x128xf32>
    %get3A_2 = arith.constant 0 : index
    %get3A_3 = arith.constant 0 : index
    %get3A_4 = vector.load %arg2[%get3A_2, %get3A_3] : memref<1000x128xf32, #tpu.memory_space<vmem>>, vector<1000x128xf32>
    %add3A = arith.addf %get3A_1, %get3A_4 : vector<1000x128xf32>
    %get3A_5 = arith.constant 0 : index
    %get3A_6 = arith.constant 0 : index
    %get3A_7 = vector.load %arg3[%get3A_5, %get3A_6] : memref<1000x128xf32, #tpu.memory_space<vmem>>, vector<1000x128xf32>
    %get3A_8 = arith.constant 0 : index
    %get3A_9 = arith.constant 0 : index
    %get3A_10 = vector.load %arg4[%get3A_8, %get3A_9] : memref<1000x128xf32, #tpu.memory_space<vmem>>, vector<1000x128xf32>
    %add3A_11 = arith.addf %get3A_7, %get3A_10 : vector<1000x128xf32>
    %slice3A = vector.extract_strided_slice %add3A_11 {offsets = [0, 0], sizes = [1000, 1], strides = [1, 1]} : vector<1000x128xf32> to vector<1000x1xf32>
    %max3A = arith.constant 1.000000e+00 : f32
    %max3A_12 = vector.broadcast %max3A : f32 to vector<1000x1xf32>
    %max3A_13 = arith.maximumf %slice3A, %max3A_12 : vector<1000x1xf32>
    %div3A = arith.constant 1.000000e+00 : f32
    %div3A_14 = vector.broadcast %div3A : f32 to vector<1000x1xf32>
    %div3A_15 = arith.divf %div3A_14, %max3A_13 : vector<1000x1xf32>
    %mul3A = vector.broadcast %div3A_15 : vector<1000x1xf32> to vector<1000x128xf32>
    %mul3A_16 = arith.mulf %add3A, %mul3A : vector<1000x128xf32>
    %get3A_17 = arith.constant 0 : index
    %get3A_18 = arith.constant 0 : index
    %get3A_19 = vector.load %arg6[%get3A_17, %get3A_18] : memref<128x128xf32, #tpu.memory_space<vmem>>, vector<128x128xf32>
    %dot_general3A = arith.constant dense<0.000000e+00> : vector<1000x128xf32>
    %dot_general3A_20 = tpu.matmul %mul3A_16, %get3A_19, %dot_general3A {dimension_numbers = #tpu.dot_dimension_numbers<[1], [0], [0], [1], [0, 0, 1, 1], [], []>, transpose_lhs_hint = false} : vector<1000x128xf32>, vector<128x128xf32>, vector<1000x128xf32> -> vector<1000x128xf32>
    %get3A_21 = arith.constant 0 : index
    %get3A_22 = arith.constant 0 : index
    %get3A_23 = vector.load %arg5[%get3A_21, %get3A_22] : memref<1000x128xf32, #tpu.memory_space<vmem>>, vector<1000x128xf32>
    %get3A_24 = arith.constant 0 : index
    %get3A_25 = arith.constant 0 : index
    %get3A_26 = vector.load %arg7[%get3A_24, %get3A_25] : memref<128x128xf32, #tpu.memory_space<vmem>>, vector<128x128xf32>
    %dot_general3A_27 = arith.constant dense<0.000000e+00> : vector<1000x128xf32>
    %dot_general3A_28 = tpu.matmul %get3A_23, %get3A_26, %dot_general3A_27 {dimension_numbers = #tpu.dot_dimension_numbers<[1], [0], [0], [1], [0, 0, 1, 1], [], []>, transpose_lhs_hint = false} : vector<1000x128xf32>, vector<128x128xf32>, vector<1000x128xf32> -> vector<1000x128xf32>
    %add3A_29 = arith.addf %dot_general3A_20, %dot_general3A_28 : vector<1000x128xf32>
    %get3A_30 = arith.constant 0 : index
    %get3A_31 = arith.constant 0 : index
    %get3A_32 = vector.load %arg8[%get3A_30, %get3A_31] : memref<1x128xf32, #tpu.memory_space<vmem>>, vector<1x128xf32>
    %add3A_33 = vector.broadcast %get3A_32 : vector<1x128xf32> to vector<1000x128xf32>
    %add3A_34 = arith.addf %add3A_29, %add3A_33 : vector<1000x128xf32>
    %max3A_35 = arith.constant 0.000000e+00 : f32
    %max3A_36 = vector.broadcast %max3A_35 : f32 to vector<1000x128xf32>
    %max3A_37 = arith.maximumf %add3A_34, %max3A_36 : vector<1000x128xf32>
    %swap3A = arith.constant 0 : index
    %swap3A_38 = arith.constant 0 : index
    %swap3A_39 = vector.load %arg9[%swap3A, %swap3A_38] : memref<1000x128xf32, #tpu.memory_space<vmem>>, vector<1000x128xf32>
    tpu.vector_store %arg9[%swap3A, %swap3A_38], %max3A_37 {strides = array<i32>} : memref<1000x128xf32, #tpu.memory_space<vmem>>, vector<1000x128xf32>,
    return
  }
  func.func @transform_0(%arg0: i32) -> (i32, i32) {
    %c0_i32 = arith.constant 0 : i32
    %c0_i32_0 = arith.constant 0 : i32
    return %arg0, %c0_i32 : i32, i32
  }
  func.func @transform_1(%arg0: i32) -> (i32, i32) {
    %c0_i32 = arith.constant 0 : i32
    %c0_i32_0 = arith.constant 0 : i32
    return %arg0, %c0_i32 : i32, i32
  }
  func.func @transform_2(%arg0: i32) -> (i32, i32) {
    %c0_i32 = arith.constant 0 : i32
    %c0_i32_0 = arith.constant 0 : i32
    return %arg0, %c0_i32 : i32, i32
  }
  func.func @transform_3(%arg0: i32) -> (i32, i32) {
    %c0_i32 = arith.constant 0 : i32
    %c0_i32_0 = arith.constant 0 : i32
    return %arg0, %c0_i32 : i32, i32
  }
  func.func @transform_4(%arg0: i32) -> (i32, i32) {
    %c0_i32 = arith.constant 0 : i32
    %c0_i32_0 = arith.constant 0 : i32
    return %arg0, %c0_i32 : i32, i32
  }
  func.func @transform_5(%arg0: i32) -> (i32, i32) {
    %c0_i32 = arith.constant 0 : i32
    %c0_i32_0 = arith.constant 0 : i32
    %c0_i32_1 = arith.constant 0 : i32
    return %c0_i32, %c0_i32_0 : i32, i32
  }
  func.func @transform_6(%arg0: i32) -> (i32, i32) {
    %c0_i32 = arith.constant 0 : i32
    %c0_i32_0 = arith.constant 0 : i32
    %c0_i32_1 = arith.constant 0 : i32
    return %c0_i32, %c0_i32_0 : i32, i32
  }
  func.func @transform_7(%arg0: i32) -> (i32, i32) {
    %c0_i32 = arith.constant 0 : i32
    %c0_i32_0 = arith.constant 0 : i32
    %c0_i32_1 = arith.constant 0 : i32
    return %c0_i32, %c0_i32_0 : i32, i32
  }
  func.func @transform_8(%arg0: i32) -> (i32, i32) {
    %c0_i32 = arith.constant 0 : i32
    %c0_i32_0 = arith.constant 0 : i32
    return %arg0, %c0_i32 : i32, i32
  }
}

module attributes {stable_mosaic.version = 14 : i64} {
  func.func @body(%arg0: i32, %arg1: memref<1000x128xf32, #tpu.memory_space<vmem>>, %arg2: memref<1000x128xf32, #tpu.memory_space<vmem>>, %arg3: memref<1000x128xf32, #tpu.memory_space<vmem>>, %arg4: memref<1000x128xf32, #tpu.memory_space<vmem>>, %arg5: memref<1000x128xf32, #tpu.memory_space<vmem>>, %arg6: memref<128x128xf32, #tpu.memory_space<vmem>>, %arg7: memref<128x128xf32, #tpu.memory_space<vmem>>, %arg8: memref<1x128xf32, #tpu.memory_space<vmem>>, %arg9: memref<1000x128xf32, #tpu.memory_space<vmem>>) attributes {dimension_semantics = [#tpu.dimension_semantics<arbitrary>], iteration_bounds = array<i64: 10>, scalar_prefetch = 0 : i64, scratch_operands = 0 : i64, tpu.core_type = #tpu.core_type<tc>, window_params = [{transform_indices = @transform_0, window_bounds = array<i64: 1000, 128>}, {transform_indices = @transform_1, window_bounds = array<i64: 1000, 128>}, {transform_indices = @transform_2, window_bounds = array<i64: 1000, 128>}, {transform_indices = @transform_3, window_bounds = array<i64: 1000, 128>}, {transform_indices = @transform_4, window_bounds = array<i64: 1000, 128>}, {pipeline_mode = #tpu.pipeline_mode<synchronous>, transform_indices = @transform_5, window_bounds = array<i64: 128, 128>}, {pipeline_mode = #tpu.pipeline_mode<synchronous>, transform_indices = @transform_6, window_bounds = array<i64: 128, 128>}, {pipeline_mode = #tpu.pipeline_mode<synchronous>, transform_indices = @transform_7, window_bounds = array<i64: 1, 128>}, {transform_indices = @transform_8, window_bounds = array<i64: 1000, 128>}]} {
    %get3A = arith.constant 0 : index
    %get3A_0 = arith.constant 0 : index
    %get3A_1 = vector.load %arg1[%get3A, %get3A_0] : memref<1000x128xf32, #tpu.memory_space<vmem>>, vector<1000x128xf32>
    %get3A_2 = arith.constant 0 : index
    %get3A_3 = arith.constant 0 : index
    %get3A_4 = vector.load %arg2[%get3A_2, %get3A_3] : memref<1000x128xf32, #tpu.memory_space<vmem>>, vector<1000x128xf32>
    %add3A = arith.addf %get3A_1, %get3A_4 : vector<1000x128xf32>
    %get3A_5 = arith.constant 0 : index
    %get3A_6 = arith.constant 0 : index
    %get3A_7 = vector.load %arg3[%get3A_5, %get3A_6] : memref<1000x128xf32, #tpu.memory_space<vmem>>, vector<1000x128xf32>
    %get3A_8 = arith.constant 0 : index
    %get3A_9 = arith.constant 0 : index
    %get3A_10 = vector.load %arg4[%get3A_8, %get3A_9] : memref<1000x128xf32, #tpu.memory_space<vmem>>, vector<1000x128xf32>
    %add3A_11 = arith.addf %get3A_7, %get3A_10 : vector<1000x128xf32>
    %slice3A = vector.extract_strided_slice %add3A_11 {offsets = [0, 0], sizes = [1000, 1], strides = [1, 1]} : vector<1000x128xf32> to vector<1000x1xf32>
    %max3A = arith.constant 1.000000e+00 : f32
    %max3A_12 = vector.broadcast %max3A : f32 to vector<1000x1xf32>
    %max3A_13 = arith.maximumf %slice3A, %max3A_12 : vector<1000x1xf32>
    %div3A = arith.constant 1.000000e+00 : f32
    %div3A_14 = vector.broadcast %div3A : f32 to vector<1000x1xf32>
    %div3A_15 = arith.divf %div3A_14, %max3A_13 : vector<1000x1xf32>
    %mul3A = vector.broadcast %div3A_15 : vector<1000x1xf32> to vector<1000x128xf32>
    %mul3A_16 = arith.mulf %add3A, %mul3A : vector<1000x128xf32>
    %get3A_17 = arith.constant 0 : index
    %get3A_18 = arith.constant 0 : index
    %get3A_19 = vector.load %arg6[%get3A_17, %get3A_18] : memref<128x128xf32, #tpu.memory_space<vmem>>, vector<128x128xf32>
    %dot_general3A = arith.constant dense<0.000000e+00> : vector<1000x128xf32>
    %dot_general3A_20 = tpu.matmul %mul3A_16, %get3A_19, %dot_general3A {dimension_numbers = #tpu.dot_dimension_numbers<[1], [0], [0], [1], [0, 0, 1, 1], [], []>, transpose_lhs_hint = false} : vector<1000x128xf32>, vector<128x128xf32>, vector<1000x128xf32> -> vector<1000x128xf32>
    %get3A_21 = arith.constant 0 : index
    %get3A_22 = arith.constant 0 : index
    %get3A_23 = vector.load %arg5[%get3A_21, %get3A_22] : memref<1000x128xf32, #tpu.memory_space<vmem>>, vector<1000x128xf32>
    %get3A_24 = arith.constant 0 : index
    %get3A_25 = arith.constant 0 : index
    %get3A_26 = vector.load %arg7[%get3A_24, %get3A_25] : memref<128x128xf32, #tpu.memory_space<vmem>>, vector<128x128xf32>
    %dot_general3A_27 = arith.constant dense<0.000000e+00> : vector<1000x128xf32>
    %dot_general3A_28 = tpu.matmul %get3A_23, %get3A_26, %dot_general3A_27 {dimension_numbers = #tpu.dot_dimension_numbers<[1], [0], [0], [1], [0, 0, 1, 1], [], []>, transpose_lhs_hint = false} : vector<1000x128xf32>, vector<128x128xf32>, vector<1000x128xf32> -> vector<1000x128xf32>
    %add3A_29 = arith.addf %dot_general3A_20, %dot_general3A_28 : vector<1000x128xf32>
    %get3A_30 = arith.constant 0 : index
    %get3A_31 = arith.constant 0 : index
    %get3A_32 = vector.load %arg8[%get3A_30, %get3A_31] : memref<1x128xf32, #tpu.memory_space<vmem>>, vector<1x128xf32>
    %add3A_33 = vector.broadcast %get3A_32 : vector<1x128xf32> to vector<1000x128xf32>
    %add3A_34 = arith.addf %add3A_29, %add3A_33 : vector<1000x128xf32>
    %swap3A = arith.constant 0 : index
    %swap3A_35 = arith.constant 0 : index
    %swap3A_36 = vector.load %arg9[%swap3A, %swap3A_35] : memref<1000x128xf32, #tpu.memory_space<vmem>>, vector<1000x128xf32>
    tpu.vector_store %arg9[%swap3A, %swap3A_35], %add3A_34 {strides = array<i32>} : memref<1000x128xf32, #tpu.memory_space<vmem>>, vector<1000x128xf32>,
    return
  }
  func.func @transform_0(%arg0: i32) -> (i32, i32) {
    %c0_i32 = arith.constant 0 : i32
    %c0_i32_0 = arith.constant 0 : i32
    return %arg0, %c0_i32 : i32, i32
  }
  func.func @transform_1(%arg0: i32) -> (i32, i32) {
    %c0_i32 = arith.constant 0 : i32
    %c0_i32_0 = arith.constant 0 : i32
    return %arg0, %c0_i32 : i32, i32
  }
  func.func @transform_2(%arg0: i32) -> (i32, i32) {
    %c0_i32 = arith.constant 0 : i32
    %c0_i32_0 = arith.constant 0 : i32
    return %arg0, %c0_i32 : i32, i32
  }
  func.func @transform_3(%arg0: i32) -> (i32, i32) {
    %c0_i32 = arith.constant 0 : i32
    %c0_i32_0 = arith.constant 0 : i32
    return %arg0, %c0_i32 : i32, i32
  }
  func.func @transform_4(%arg0: i32) -> (i32, i32) {
    %c0_i32 = arith.constant 0 : i32
    %c0_i32_0 = arith.constant 0 : i32
    return %arg0, %c0_i32 : i32, i32
  }
  func.func @transform_5(%arg0: i32) -> (i32, i32) {
    %c0_i32 = arith.constant 0 : i32
    %c0_i32_0 = arith.constant 0 : i32
    %c0_i32_1 = arith.constant 0 : i32
    return %c0_i32, %c0_i32_0 : i32, i32
  }
  func.func @transform_6(%arg0: i32) -> (i32, i32) {
    %c0_i32 = arith.constant 0 : i32
    %c0_i32_0 = arith.constant 0 : i32
    %c0_i32_1 = arith.constant 0 : i32
    return %c0_i32, %c0_i32_0 : i32, i32
  }
  func.func @transform_7(%arg0: i32) -> (i32, i32) {
    %c0_i32 = arith.constant 0 : i32
    %c0_i32_0 = arith.constant 0 : i32
    %c0_i32_1 = arith.constant 0 : i32
    return %c0_i32, %c0_i32_0 : i32, i32
  }
  func.func @transform_8(%arg0: i32) -> (i32, i32) {
    %c0_i32 = arith.constant 0 : i32
    %c0_i32_0 = arith.constant 0 : i32
    return %arg0, %c0_i32 : i32, i32
  }
}

</mosaic_0001>

<sc_bundles>
// kernel: kernel.12.cloned.1.call-start
scs
__scs_entry_jumppad:
0x0: {  	(pc) =	sbr.rel $0x88, $3  }
0x1: {  	(tag) =	ssettag $0x0;
	lr =	simm.s32 $0x1  }
0x2: {  	[smem:$0x3F8E] =	sst lr;
	_ =	strace $0xD0000000  }
0x3: {  	_ = 	snop  }
0x4: {  	_ = 	snop  }
0x5: {  	_ = 	snop  }
0x6: {  	_ = 	snop  }
0x7: {  	_ = 	snop  }
__scs_overlays_trampoline_lowered:
0x8: {  	[smem:$0x3F9D] =	sst s0  }
0x9: {  	[smem:$0x3F9E] =	sst s1  }
0xa: {  	[smem:$0x3F9F] =	sst s2  }
0xb: {  	[smem:$0x3FA0] =	sst s3  }
0xc: {  	[smem:$0x3FA1] =	sst s4  }
0xd: {  	[smem:$0x3FA2] =	sst s5  }
0xe: {  	[smem:$0x3FA3] =	sst s6  }
0xf: {  	[smem:$0x3FA4] =	sst s7  }
0x10: {  	[smem:$0x3FA5] =	sst s8  }
0x11: {  	[smem:$0x3FA6] =	sst s9;
	s0 =	simm.s32 @!p0 $0x0  }
0x12: {  	s1 =	sld [smem:$0x3F8C];
	s0 =	simm.s32 @p0 $0x1  }
0x13: {  	[smem:$0x3FA7] =	sst s0;
	s0 =	simm.s32 @!p1 $0x0  }
0x14: {  	s2 =	sld [smem:$0x3F8B];
	s0 =	simm.s32 @p1 $0x1  }
0x15: {  	[smem:$0x3FA8] =	sst s0;
	s0 =	simm.s32 @!p2 $0x0  }
0x16: {  	s3 =	sld [smem:$0x3FDB];
	s0 =	simm.s32 @p2 $0x1  }
0x17: {  	s4 =	simm.s32 $0x1BF5;
	[smem:$0x3FAA] =	sst s0  }
0x18: {  	s0 =	sld [smem:$0x3F8D];
	_ =	swait.ge [sflag:s4], $0x0  }
0x19: {  	s7 =	sld [smem:$0x3F8E]  }
0x1a: {  	s8 =	sadd.s32 $0xFFFFE003, lr  }
0x1b: {  	s9 =	sadd.s32 $0xFFFFFEF7, lr;
	s5 =	simm.s32 $0xFFFFFFFF;
	p2 =	slt.u32 s8, $0xFFFFF086  }
0x1c: {  	p1 =	slt.u32 s9, $0xF7A;
	s5 =	simm.s32 @!p2 $0x0  }
0x1d: {  	s5 =	simm.s32 @p1 $0x1;
	p0 =	seq.s32 s7, s2  }
0x1e: {  	s7 =	smul.u32 @!p0 $0xF7A, s2;
	p2 =	seq.s32 @!p0 s5, $0x0  }
0x1f: {  	s9 =	smul.u32 $0xF7A, s1;
	s8 =	simm.s32 @!p0 $0x1BF5;
	p2 =	por !p2, p0  }
0x20: {  	[sflag:s8] =	ssyncset.s32 @!p0 $0xFFFFF086;
	s6 =	sadd.s32 @!p0 s3, s7;
	s7 =	simm.s32 @!p0 $0x108  }
0x21: {  	s3 =	sadd.s32 s3, s9;
	s6 =	sadd.s32 @!p0 $0x88, s6;
	s7 =	simm.s32 @p2 $0x1082  }
0x22: {  	[simem:s7], [sflag:s8] =	dma.local @!p0 [hbm:s6], $0xF7A  }
0x23: {  	s9 =	sor.u32 $0xD0000000, s2;
	s6 =	simm.s32 $0x108;
	_ =	swait.ge @!p0 [sflag:s8], $0x0  }
0x24: {  	s3 =	sadd.s32 $0x88, s3;
	s6 =	simm.s32 @!p1 $0x1082;
	[sflag:s4] =	ssyncset.s32 $0xFFFFF086  }
0x25: {  	[simem:s6], [sflag:s4] =	dma.local [hbm:s3], $0xF7A  }
0x26: {  	[smem:$0x3F8E] =	sst s1;
	(tag) =	ssettag s2;
	_ =	strace s9  }
0x27: {  	s1 =	sld [smem:$0x3F9E]  }
0x28: {  	s2 =	sld [smem:$0x3F9F]  }
0x29: {  	s4 =	sld [smem:$0x3FA1]  }
0x2a: {  	p0 =	seq.s32 s5, $0x0;
	s5 =	sld [smem:$0x3FA2]  }
0x2b: {  	s6 =	sld [smem:$0x3FA3]  }
0x2c: {  	s7 =	sld [smem:$0x3FA4]  }
0x2d: {  	s3 =	simm.s32 $0x108;
	s8 =	sld [smem:$0x3FA5]  }
0x2e: {  	s3 =	simm.s32 @!p0 $0x1082;
	s9 =	sld [smem:$0x3FA6]  }
0x2f: {  	lr =	sadd.s32 s0, s3;
	s0 =	sld [smem:$0x3F9D]  }
0x30: {  	s3 =	sld [smem:$0x3FA0]  }
0x31: {  	[smem:$0x3FA9] =	sst s10  }
0x32: {  	s10 =	sld [smem:$0x3FA7];
	_ =	sdelay $0x3  }
0x33: {  	p0 =	seq.s32 s10, $0x1;
	s10 =	sld [smem:$0x3FA9];
	_ =	sdelay $0x3  }
0x34: {  	[smem:$0x3FA9] =	sst s10  }
0x35: {  	s10 =	sld [smem:$0x3FA8];
	_ =	sdelay $0x3  }
0x36: {  	p1 =	seq.s32 s10, $0x1;
	s10 =	sld [smem:$0x3FA9];
	_ =	sdelay $0x3  }
0x37: {  	[smem:$0x3FA9] =	sst s10  }
0x38: {  	s10 =	sld [smem:$0x3FAA]  }
0x39: {  	_ = 	snop;
	(pc) =	sbr.ind lr, $3  }
0x3a: {  	_ = 	snop  }
0x3b: {  	_ = 	snop  }
0x3c: {  	p2 =	seq.s32 s10, $0x1;
	s10 =	sld [smem:$0x3FA9]  }
0x3d: {  	_ =	shalt  }
0x3e: {  	_ =	shalt  }
0x3f: {  	_ =	shalt  }
0x40: {  	_ =	shalt  }
0x41: {  	_ =	shalt  }
0x42: {  	_ =	shalt  }
0x43: {  	_ =	shalt  }
0x44: {  	_ =	shalt  }
0x45: {  	_ =	shalt  }
0x46: {  	_ =	shalt  }
0x47: {  	_ =	shalt  }
0x48: {  	_ =	shalt  }
0x49: {  	_ =	shalt  }
0x4a: {  	_ =	shalt  }
0x4b: {  	_ =	shalt  }
0x4c: {  	_ =	shalt  }
0x4d: {  	_ =	shalt  }
0x4e: {  	_ =	shalt  }
0x4f: {  	_ =	shalt  }
0x50: {  	_ =	shalt  }
0x51: {  	_ =	shalt  }
0x52: {  	_ =	shalt  }
0x53: {  	_ =	shalt  }
0x54: {  	_ =	shalt  }
0x55: {  	_ =	shalt  }
0x56: {  	_ =	shalt  }
0x57: {  	_ =	shalt  }
0x58: {  	_ =	shalt  }
0x59: {  	_ =	shalt  }
0x5a: {  	_ =	shalt  }
0x5b: {  	_ =	shalt  }
0x5c: {  	_ =	shalt  }
0x5d: {  	_ =	shalt  }
0x5e: {  	_ =	shalt  }
0x5f: {  	_ =	shalt  }
0x60: {  	_ =	shalt  }
0x61: {  	_ =	shalt  }
0x62: {  	_ =	shalt  }
0x63: {  	_ =	shalt  }
0x64: {  	_ =	shalt  }
0x65: {  	_ =	shalt  }
0x66: {  	_ =	shalt  }
0x67: {  	_ =	shalt  }
0x68: {  	_ =	shalt  }
0x69: {  	_ =	shalt  }
0x6a: {  	_ =	shalt  }
0x6b: {  	_ =	shalt  }
0x6c: {  	_ =	shalt  }
0x6d: {  	_ =	shalt  }
0x6e: {  	_ =	shalt  }
0x6f: {  	_ =	shalt  }
0x70: {  	_ =	shalt  }
0x71: {  	_ =	shalt  }
0x72: {  	_ =	shalt  }
0x73: {  	_ =	shalt  }
0x74: {  	_ =	shalt  }
0x75: {  	_ =	shalt  }
0x76: {  	_ =	shalt  }
0x77: {  	_ =	shalt  }
0x78: {  	_ =	shalt  }
0x79: {  	_ =	shalt  }
0x7a: {  	_ =	shalt  }
0x7b: {  	_ =	shalt  }
0x7c: {  	_ =	shalt  }
0x7d: {  	_ =	shalt  }
0x7e: {  	_ =	shalt  }
0x7f: {  	_ =	shalt  }
0x80: {  	_ =	shalt  }
0x81: {  	_ =	shalt  }
0x82: {  	_ =	shalt  }
0x83: {  	_ =	shalt  }
0x84: {  	_ =	shalt  }
0x85: {  	_ =	shalt  }
0x86: {  	_ =	shalt  }
0x87: {  	_ =	shalt  }
.Lfunc_end0:
.L_simem_size_0:
called_computation.1_lowered:
.L_overlay_start_0:
0x88: {  	s2 =	sld [smem:$0x3FD9]  }
0x89: {  	s3 =	sld [smem:$0x3FFE];
	_ =	sdelay $0x1  }
0x8a: {  	s1 =	srdreg.scid  }
0x8b: {  	s0 =	sand.u32 $0x1, s1  }
0x8c: {  	s17 =	sshll.u32 s0, $0xA;
	s2 =	sadd.s32 s3, s2  }
0x8d: {  	s2 =	sadd.s32 s2, s17  }
0x8e: {  	[smem:$0x3FB5] =	sst s2  }
0x8f: {  	_ = 	snop  }
0x90: {  	s2 =	sld [smem:$0x3FC9];
	(tm) =	ssettm $0x1  }
0x91: {  	s18 =	sld [smem:$0x3FFB];
	_ =	sdelay $0x3  }
0x92: {  	_ =	strace s18  }
0x93: {  	s3 =	sld [smem:$0x3FFC];
	_ =	sdelay $0x3  }
0x94: {  	_ =	strace s3  }
0x95: {  	s3 =	sld [smem:$0x3FFD];
	_ =	sdelay $0x3  }
0x96: {  	_ =	strace s3  }
0x97: {  	_ =	strace $0x8FFFFFFF  }
0x98: {  	s19 =	sld [smem:$0x3FDB];
	_ =	sdelay $0x1  }
0x99: {  	s4 =	simm.s32 $_scs_section_size  }
0x9a: {  	s5 =	simm.s32 $_size__tile_overlayer_lowered;
	s6 =	simm.s32 $_tile_overlayer_lowered  }
0x9b: {  	s22 =	simm.s32 $0x1BFF;
	s21 =	sshll.u32 s6, $0x1;
	s3 =	sadd.s32 s4, s19  }
0x9c: {  	s7 =	simm.s32 $0x0;
	s20 =	sshll.u32 s5, $0x1;
	s5 =	sadd.s32 s21, s3  }
0x9d: {  	[timem:s7], [sflag:s22] =	dma.local [hbm:s5], s20  }
0x9e: {  	_ =	swait.ge [sflag:s22], s20  }
0x9f: {  	s4 =	ssub.s32 $0x0, s20;
	[sflag:s22] =	ssyncset.done $0x0  }
0xa0: {  	[sflag:s22] =	ssyncadd.s32 s4;
	_ =	sdelay $0x1  }
0xa1: {  	s23 =	simm.s32 $0x1B8B  }
0xa2: {  	_ =	swait.ge [sflag:s23], $0x1  }
0xa3: {  	[sflag:s23] =	ssyncset.done $0x0  }
0xa4: {  	s25 =	simm.s32 $0x1B8E;
	s24 =	sld [smem:$0x3FFE];
	[sflag:s23] =	ssyncadd.s32 $0xFFFFFFFF  }
0xa5: {  	s26 =	simm.s32 $execute0_lowered;
	[smem:$0x3FD2] =	sst s25  }
0xa6: {  	s5 =	sshll.u32 s26, $0x1;
	_ =	strace $0x80000046;
	[dreg:$0x1] =	wrdreg $0xFFFFFFFF  }
0xa7: {  	s28 =	simm.s32 $_size_execute0_lowered;
	s3 =	sadd.s32 s3, s5;
	[dreg:$0x0] =	wrdreg $0x0  }
0xa8: {  	s5 =	sshll.u32 s28, $0x1;
	[dreg:$0x2] =	wrdreg s3  }
0xa9: {  	[dreg:$0x3] =	wrdreg s5  }
0xaa: {  	[dreg:$0x4] =	wrdreg $0xC0  }
0xab: {  	_ =	task [dreg:s7], $0x5FFFF  }
0xac: {  	[dreg:$0x1] =	wrdreg $0xFFFFFFFF  }
0xad: {  	[dreg:$0x0] =	wrdreg $0x60  }
0xae: {  	[dreg:$0x2] =	wrdreg s2  }
0xaf: {  	[dreg:$0x3] =	wrdreg s24  }
0xb0: {  	[dreg:$0x4] =	wrdreg $0x41000  }
0xb1: {  	[dreg:$0x5] =	wrdreg $0xA  }
0xb2: {  	_ =	task.clear_ibuf [dreg:s7], $0x6FFFF;
	_ =	strace $0x90000046  }
0xb3: {  	s29 =	simm.s32 $0xA;
	_ =	strace $0x80000048  }
0xb4: {  	_ =	swait.ge [sflag:s29], $0x1  }
0xb5: {  	[sflag:s29] =	ssyncadd.s32 $0xFFFFFFFF  }
0xb6: {  	_ =	strace $0x90000048  }
0xb7: {  	_ =	sfence  }
0xb8: {  	s30 =	sld [smem:$0x0];
	_ =	sdelay $0x2  }
0xb9: {  	s31 =	sshll.u32 s1, $0xD;
	s1 =	sshrl.u32 s1, $0x2  }
0xba: {  	s3 =	sand.u32 $0x4000, s31;
	s1 =	sadd.s32 s1, s30  }
0xbb: {  	s0 =	sor.u32 s3, s0;
	s1 =	sshll.u32 s1, $0x11  }
0xbc: {  	s0 =	sor.u32 s1, s0  }
0xbd: {  	s0 =	sadd.s32 $0x8F2B, s0  }
0xbe: {  	[sflag:s0] =	ssyncadd.remote.s32 $0x1  }
0xbf: {  	_ =	sfence.sel $0xFFFF  }
0xc0: {  	[dreg:$0x0] =	wrdreg $0xFFFFFFFF;
	(pc) =	sbr.abs _section_cstart, $3  }
0xc1: {  	[dreg:$0x1] =	wrdreg $0xFFFFFFFF  }
0xc2: {  	_ =	task.clear_ibuf [dreg:s7], $0x2FFFF;
	_ =	strace $0x9FFFFFFF  }
0xc3: {  	(tm) =	ssettm $0x7FFFFFFF  }
tec
execute0_lowered:
.L_overlay_start_1:
0x0: {  	(tag) =	ssettag $0x1  }
0x1: {  	s1 =	rddreg [dreg:$0x0]  }
0x2: {  	s5 =	rddreg [dreg:$0x1]  }
0x3: {  	s0 =	srdreg.scid;
	s3 =	rddreg [dreg:$0x2]  }
0x4: {  	s2 =	rddreg [dreg:$0x3];
	s6 =	sand.u32 $0x1, s0  }
0x5: {  	s0 =	stileid.u32;
	s7 =	smul.u32 $0x13C000, s6  }
0x6: {  	s4 =	simm.s32 $0x0;
	s15 =	simm.s32 $0x2;
	s8 =	smul.u32 $0x13C00, s0  }
0x7: {  	s16 =	simm.s32 $0x80;
	s17 =	simm.s32 $0x1;
	s9 =	smul.u32 $0x9E0, s0  }
0x8: {  	s20 =	simm.s32 $0x0;
	[smem:$0x7FF] =	sst s4;
	s28 =	smul.u32 $0x4F000, s0  }
0x9: {  	_ =	strace $0x80000047;
	s29 =	ssub.s32 $0x2, s6;
	s18 =	sshll.u32 s0, $0x6  }
0xa: {  	s12 =	smul.u32 $0x4F0, s6;
	s31 =	sshrl.u32 s29, $0x1;
	s18 =	sor.u32 $0x1C02, s18  }
0xb: {  	s7 =	sadd.s32 s8, s7;
	s10 =	sadd.s32 s9, s5;
	s30 =	sshrl.u32 s28, $0x2  }
0xc: {  	s13 =	ssub.s32 s29, s31;
	s7 =	sshrl.u32 s7, $0x3;
	s14 =	sadd.s32 s12, s10  }
0xd: {  	s11 =	sadd.s32 s7, s5;
	s5 =	sadd.s32 s30, s3;
	s12 =	sadd.s32 $0x5C00, s14  }
0xe: {  	s6 =	sadd.s32 $0x4000, s5;
	s7 =	sadd.s32 $0x8000, s5;
	s8 =	sadd.s32 $0xC000, s5  }
0xf: {  	s9 =	sadd.s32 $0x10000, s5;
	s10 =	sadd.s32 $0x19800, s11;
	s11 =	smax.u32 s13, $0x1  }
0x10: {  	v0 =	vimm.f32 $0.0e+00;
	s13 =	sadd.s32 $0xFA00, s14;
	s14 =	simm.s32 $0x100;
	s19 =	sshrl.u32 s5, $0x3  }
.LBB2_1:
0x11: {  	s21 =	simm.s32 $0x0;
	s22 =	simm.s32 $0x200  }
.LBB2_2:
0x12: {  	p0 =	sne.s32 s22, $0xFE00;
	[tilespmem:s21+$0x170] =	vst v0  }
0x13: {  	[tilespmem:s21+$0x100] =	vst v0  }
0x14: {  	[tilespmem:s21+$0x110] =	vst v0  }
.Ltmp0:
0x15: {  	[tilespmem:s21+$0x120] =	vst v0;
	(pc) =	sbr.rel @p0 .LBB2_2-.Ltmp0, $4  }
0x16: {  	[tilespmem:s21+$0x130] =	vst v0  }
0x17: {  	[tilespmem:s21+$0x140] =	vst v0  }
0x18: {  	[tilespmem:s21+$0x150] =	vst v0  }
0x19: {  	[tilespmem:s21+$0x160] =	vst v0;
	s21 =	sshra.s32 s22, $0x2;
	s22 =	sadd.s32 $0x200, s22  }
0x1a: {  	[tilespmem:s21+$0x170] =	vst v0  }
0x1b: {  	[tilespmem:s21+$0x100] =	vst v0  }
0x1c: {  	[tilespmem:s21+$0x110] =	vst v0  }
0x1d: {  	[tilespmem:s21+$0x120] =	vst v0  }
0x1e: {  	[tilespmem:s21+$0x130] =	vst v0  }
0x1f: {  	[tilespmem:s21+$0x140] =	vst v0  }
0x20: {  	[tilespmem:s21+$0x150] =	vst v0  }
0x21: {  	[tilespmem:s21+$0x160] =	vst v0  }
0x22: {  	[spmem:s5] =	stream.linear.scatter [tilespmem:s14], [sflag:$0x2], $0x4000, $0x38;
	[tilespmem:$0x17D00] =	vst v63  }
0x23: {  	_ =	swait.ge [sflag:s15], $0x4000  }
0x24: {  	[sflag:s15] =	ssyncset.done $0x0  }
0x25: {  	[sflag:s15] =	ssyncadd.s32 $0xFFFFC000  }
0x26: {  	[spmem:s6] =	stream.linear.scatter [tilespmem:s14], [sflag:$0x2], $0x4000, $0x38;
	[tilespmem:$0x17D00] =	vst v63  }
0x27: {  	_ =	swait.ge [sflag:s15], $0x4000  }
0x28: {  	[sflag:s15] =	ssyncset.done $0x0  }
0x29: {  	[sflag:s15] =	ssyncadd.s32 $0xFFFFC000  }
0x2a: {  	[spmem:s7] =	stream.linear.scatter [tilespmem:s14], [sflag:$0x2], $0x4000, $0x38;
	[tilespmem:$0x17D00] =	vst v63  }
0x2b: {  	_ =	swait.ge [sflag:s15], $0x4000  }
0x2c: {  	[sflag:s15] =	ssyncset.done $0x0  }
0x2d: {  	[sflag:s15] =	ssyncadd.s32 $0xFFFFC000  }
0x2e: {  	[spmem:s8] =	stream.linear.scatter [tilespmem:s14], [sflag:$0x2], $0x4000, $0x38;
	[tilespmem:$0x17D00] =	vst v63  }
0x2f: {  	_ =	swait.ge [sflag:s15], $0x4000  }
0x30: {  	[sflag:s15] =	ssyncset.done $0x0  }
0x31: {  	[sflag:s15] =	ssyncadd.s32 $0xFFFFC000  }
0x32: {  	[spmem:s9] =	stream.linear.scatter [tilespmem:s14], [sflag:$0x2], $0x3C00, $0x38;
	[tilespmem:$0x17D00] =	vst v63  }
0x33: {  	_ =	swait.ge [sflag:s15], $0x3C00  }
0x34: {  	[sflag:s15] =	ssyncset.done $0x0  }
0x35: {  	[sflag:s15] =	ssyncadd.s32 $0xFFFFC400  }
0x36: {  	s30 =	sadd.s32 $0x0, s13;
	[bflag:$0x0] =	sbarrier.arrive $0xFFFF  }
0x37: {  	[tilespmem:s4], [sflag:$0x2] =	stream.linear.gather [hbm4b:s30+s4], $0x80, $0x38;
	[tilespmem:$0x17D00] =	vst v63  }
0x38: {  	_ =	swait.ge [sflag:s15], $0x80  }
0x39: {  	[sflag:s15] =	ssyncset.done $0x0  }
0x3a: {  	s31 =	sadd.s32 $0x0, s12;
	[sflag:s15] =	ssyncadd.s32 $0xFFFFFF80  }
0x3b: {  	[tilespmem:s16], [sflag:$0x2] =	stream.linear.gather [hbm4b:s31+s4], $0x80, $0x38;
	[tilespmem:$0x17D00] =	vst v63  }
0x3c: {  	_ =	swait.ge [sflag:s15], $0x80  }
0x3d: {  	[sflag:s15] =	ssyncset.done $0x0  }
0x3e: {  	[sflag:s15] =	ssyncadd.s32 $0xFFFFFF80  }
0x3f: {  	[tilespmem:s14], [sflag:$0x1] =	stream.indirect.gather [hbm4b:s1+s16], $0x80, s4, s16, $0xb8;
	[tilespmem:$0x17D00] =	vst v63  }
0x40: {  	_ =	swait.ge [sflag:s17], $0x4000  }
0x41: {  	[sflag:s17] =	ssyncset.done $0x0  }
0x42: {  	[sflag:s17] =	ssyncadd.s32 $0xFFFFC000  }
0x43: {  	[spmem:s3] =	stream.indirect.scatter.add.f32 [tilespmem:s14], [sflag:$0x2], $0x80, s16, s16, $0xb8;
	[tilespmem:$0x17D00] =	vst v63  }
0x44: {  	_ =	swait.ge [sflag:s15], $0x4000  }
0x45: {  	s21 =	simm.s32 $0x10;
	s22 =	simm.s32 $0x20;
	[sflag:s15] =	ssyncset.done $0x0  }
.LBB2_4:
0x46: {  	s23 =	sadd.s32 s21, s13  }
0x47: {  	[sflag:s15] =	ssyncadd.s32 $0xFFFFC000;
	s24 =	smov.u32 s22;
	s25 =	sadd.s32 $0x10, s22  }
0x48: {  	[tilespmem:s4], [sflag:$0x2] =	stream.linear.gather [hbm4b:s23+s4], $0x80, $0x38;
	[tilespmem:$0x17D00] =	vst v63  }
0x49: {  	p0 =	sne.s32 s22, $0x4E0;
	_ =	swait.ge [sflag:s15], $0x80  }
0x4a: {  	[sflag:s15] =	ssyncset.done $0x0  }
0x4b: {  	s22 =	sadd.s32 s21, s12;
	s21 =	smov.u32 s24;
	[sflag:s15] =	ssyncadd.s32 $0xFFFFFF80  }
0x4c: {  	[tilespmem:s16], [sflag:$0x2] =	stream.linear.gather [hbm4b:s22+s4], $0x80, $0x38;
	[tilespmem:$0x17D00] =	vst v63  }
0x4d: {  	_ =	swait.ge [sflag:s15], $0x80  }
0x4e: {  	[sflag:s15] =	ssyncset.done $0x0  }
0x4f: {  	[sflag:s15] =	ssyncadd.s32 $0xFFFFFF80  }
0x50: {  	[tilespmem:s14], [sflag:$0x1] =	stream.indirect.gather [hbm4b:s1+s16], $0x80, s4, s16, $0xb8;
	[tilespmem:$0x17D00] =	vst v63  }
0x51: {  	_ =	swait.ge [sflag:s17], $0x4000  }
.Ltmp1:
0x52: {  	[sflag:s17] =	ssyncset.done $0x0;
	(pc) =	sbr.rel @p0 .LBB2_4-.Ltmp1, $4  }
0x53: {  	[sflag:s17] =	ssyncadd.s32 $0xFFFFC000  }
0x54: {  	[spmem:s3] =	stream.indirect.scatter.add.f32 [tilespmem:s14], [sflag:$0x2], $0x80, s16, s16, $0xb8;
	[tilespmem:$0x17D00] =	vst v63  }
0x55: {  	_ =	swait.ge [sflag:s15], $0x4000  }
0x56: {  	s22 =	smov.u32 s25;
	[sflag:s15] =	ssyncset.done $0x0  }
0x57: {  	s22 =	sadd.s32 s21, s13;
	[sflag:s15] =	ssyncadd.s32 $0xFFFFC000  }
0x58: {  	[tilespmem:s4], [sflag:$0x2] =	stream.linear.gather [hbm4b:s22+s4], $0x80, $0x38;
	[tilespmem:$0x17D00] =	vst v63  }
0x59: {  	_ =	swait.ge [sflag:s15], $0x80  }
0x5a: {  	[sflag:s15] =	ssyncset.done $0x0  }
0x5b: {  	s31 =	sadd.s32 s21, s12;
	[sflag:s15] =	ssyncadd.s32 $0xFFFFFF80  }
0x5c: {  	[tilespmem:s16], [sflag:$0x2] =	stream.linear.gather [hbm4b:s31+s4], $0x80, $0x38;
	[tilespmem:$0x17D00] =	vst v63  }
0x5d: {  	_ =	swait.ge [sflag:s15], $0x80  }
0x5e: {  	[sflag:s15] =	ssyncset.done $0x0  }
0x5f: {  	[sflag:s15] =	ssyncadd.s32 $0xFFFFFF80  }
0x60: {  	[tilespmem:s14], [sflag:$0x1] =	stream.indirect.gather [hbm4b:s1+s16], $0x80, s4, s16, $0xb8;
	[tilespmem:$0x17D00] =	vst v63  }
0x61: {  	_ =	swait.ge [sflag:s17], $0x4000  }
0x62: {  	[sflag:s17] =	ssyncset.done $0x0  }
0x63: {  	[sflag:s17] =	ssyncadd.s32 $0xFFFFC000  }
0x64: {  	[spmem:s3] =	stream.indirect.scatter.add.f32 [tilespmem:s14], [sflag:$0x2], $0x80, s16, s16, $0xb8;
	[tilespmem:$0x17D00] =	vst v63  }
0x65: {  	_ =	swait.ge [sflag:s15], $0x4000  }
0x66: {  	s20 =	sadd.s32 $0x1, s20;
	[sflag:s15] =	ssyncset.done $0x0  }
0x67: {  	p0 =	sne.s32 s20, s11;
	[sflag:s15] =	ssyncadd.s32 $0xFFFFC000  }
.Ltmp2:
0x68: {  	[bflag:$0x0] =	sbarrier.arrive $0xFFFF;
	(pc) =	sbr.rel @p0 .LBB2_1-.Ltmp2, $4  }
0x69: {  	[hbm:s10], [sflag:s18] =	dma.local [spmem:s19], $0x2780  }
0x6a: {  	_ =	swait.ge [sflag:s15], $0x2780  }
0x6b: {  	[sflag:s15] =	ssyncset.done $0x0  }
0x6c: {  	[sflag:s15] =	ssyncadd.s32 $0xFFFFD880  }
0x6d: {  	_ =	sfence.sel $0x180000  }
0x6e: {  	[bflag:$0x0] =	sbarrier.arrive $0xFFFF  }
0x6f: {  	p0 =	sne.s32 s0, $0x0;
	_ =	strace $0x90000047  }
0x70: {  	s0 =	sadd.s32 @!p0 $0x100000, s2;
	[bflag:$0x2] =	sbarrier.arrive $0xFFFF  }
0x71: {  	[sflag:s0] =	ssyncadd.tile.s32 @!p0 $0x1;
	_ =	shalt  }
.Lfunc_end2:
_tile_overlayer_lowered:
.L_overlay_start_2:
0x72: {  	(tag) =	ssettag $0x2  }
0x73: {  	s0 =	rddreg [dreg:$0x0];
	s2 =	stileid.u32  }
0x74: {  	s1 =	rddreg [dreg:$0x1];
	p0 =	sne.s32 s2, $0x0  }
0x75: {  	s3 =	rddreg [dreg:$0x2];
	[bflag:$0x3] =	sbarrier.arrive $0xFFFF;
	s2 =	simm.s32 @!p0 $0x1C02  }
0x76: {  	[timem:s3], [sflag:s2] =	dma.local @!p0 [hbm:s0], s1  }
0x77: {  	s0 =	simm.s32 @!p0 $0x2  }
0x78: {  	_ =	swait.ge @!p0 [sflag:s0], s1  }
0x79: {  	s1 =	ssub.s32 @!p0 $0x0, s1;
	[sflag:s0] =	ssyncset.done @!p0 $0x0  }
0x7a: {  	[sflag:s0] =	ssyncadd.s32 @!p0 s1  }
0x7b: {  	[bflag:$0x3] =	sbarrier.arrive $0xFFFF  }
0x7c: {  	_ =	shalt  }

// kernel: kernel.15.cloned.1.call-start
scs
__scs_entry_jumppad:
0x0: {  	(pc) =	sbr.rel $0x88, $3  }
0x1: {  	(tag) =	ssettag $0x0;
	lr =	simm.s32 $0x1  }
0x2: {  	[smem:$0x3F8E] =	sst lr;
	_ =	strace $0xD0000000  }
0x3: {  	_ = 	snop  }
0x4: {  	_ = 	snop  }
0x5: {  	_ = 	snop  }
0x6: {  	_ = 	snop  }
0x7: {  	_ = 	snop  }
__scs_overlays_trampoline_lowered:
0x8: {  	[smem:$0x3F9D] =	sst s0  }
0x9: {  	[smem:$0x3F9E] =	sst s1  }
0xa: {  	[smem:$0x3F9F] =	sst s2  }
0xb: {  	[smem:$0x3FA0] =	sst s3  }
0xc: {  	[smem:$0x3FA1] =	sst s4  }
0xd: {  	[smem:$0x3FA2] =	sst s5  }
0xe: {  	[smem:$0x3FA3] =	sst s6  }
0xf: {  	[smem:$0x3FA4] =	sst s7  }
0x10: {  	[smem:$0x3FA5] =	sst s8  }
0x11: {  	[smem:$0x3FA6] =	sst s9;
	s0 =	simm.s32 @!p0 $0x0  }
0x12: {  	s1 =	sld [smem:$0x3F8C];
	s0 =	simm.s32 @p0 $0x1  }
0x13: {  	[smem:$0x3FA7] =	sst s0;
	s0 =	simm.s32 @!p1 $0x0  }
0x14: {  	s2 =	sld [smem:$0x3F8B];
	s0 =	simm.s32 @p1 $0x1  }
0x15: {  	[smem:$0x3FA8] =	sst s0;
	s0 =	simm.s32 @!p2 $0x0  }
0x16: {  	s3 =	sld [smem:$0x3FDB];
	s0 =	simm.s32 @p2 $0x1  }
0x17: {  	s4 =	simm.s32 $0x1BF5;
	[smem:$0x3FAA] =	sst s0  }
0x18: {  	s0 =	sld [smem:$0x3F8D];
	_ =	swait.ge [sflag:s4], $0x0  }
0x19: {  	s7 =	sld [smem:$0x3F8E]  }
0x1a: {  	s8 =	sadd.s32 $0xFFFFE003, lr  }
0x1b: {  	s9 =	sadd.s32 $0xFFFFFEF7, lr;
	s5 =	simm.s32 $0xFFFFFFFF;
	p2 =	slt.u32 s8, $0xFFFFF086  }
0x1c: {  	p1 =	slt.u32 s9, $0xF7A;
	s5 =	simm.s32 @!p2 $0x0  }
0x1d: {  	s5 =	simm.s32 @p1 $0x1;
	p0 =	seq.s32 s7, s2  }
0x1e: {  	s7 =	smul.u32 @!p0 $0xF7A, s2;
	p2 =	seq.s32 @!p0 s5, $0x0  }
0x1f: {  	s9 =	smul.u32 $0xF7A, s1;
	s8 =	simm.s32 @!p0 $0x1BF5;
	p2 =	por !p2, p0  }
0x20: {  	[sflag:s8] =	ssyncset.s32 @!p0 $0xFFFFF086;
	s6 =	sadd.s32 @!p0 s3, s7;
	s7 =	simm.s32 @!p0 $0x108  }
0x21: {  	s3 =	sadd.s32 s3, s9;
	s6 =	sadd.s32 @!p0 $0x88, s6;
	s7 =	simm.s32 @p2 $0x1082  }
0x22: {  	[simem:s7], [sflag:s8] =	dma.local @!p0 [hbm:s6], $0xF7A  }
0x23: {  	s9 =	sor.u32 $0xD0000000, s2;
	s6 =	simm.s32 $0x108;
	_ =	swait.ge @!p0 [sflag:s8], $0x0  }
0x24: {  	s3 =	sadd.s32 $0x88, s3;
	s6 =	simm.s32 @!p1 $0x1082;
	[sflag:s4] =	ssyncset.s32 $0xFFFFF086  }
0x25: {  	[simem:s6], [sflag:s4] =	dma.local [hbm:s3], $0xF7A  }
0x26: {  	[smem:$0x3F8E] =	sst s1;
	(tag) =	ssettag s2;
	_ =	strace s9  }
0x27: {  	s1 =	sld [smem:$0x3F9E]  }
0x28: {  	s2 =	sld [smem:$0x3F9F]  }
0x29: {  	s4 =	sld [smem:$0x3FA1]  }
0x2a: {  	p0 =	seq.s32 s5, $0x0;
	s5 =	sld [smem:$0x3FA2]  }
0x2b: {  	s6 =	sld [smem:$0x3FA3]  }
0x2c: {  	s7 =	sld [smem:$0x3FA4]  }
0x2d: {  	s3 =	simm.s32 $0x108;
	s8 =	sld [smem:$0x3FA5]  }
0x2e: {  	s3 =	simm.s32 @!p0 $0x1082;
	s9 =	sld [smem:$0x3FA6]  }
0x2f: {  	lr =	sadd.s32 s0, s3;
	s0 =	sld [smem:$0x3F9D]  }
0x30: {  	s3 =	sld [smem:$0x3FA0]  }
0x31: {  	[smem:$0x3FA9] =	sst s10  }
0x32: {  	s10 =	sld [smem:$0x3FA7];
	_ =	sdelay $0x3  }
0x33: {  	p0 =	seq.s32 s10, $0x1;
	s10 =	sld [smem:$0x3FA9];
	_ =	sdelay $0x3  }
0x34: {  	[smem:$0x3FA9] =	sst s10  }
0x35: {  	s10 =	sld [smem:$0x3FA8];
	_ =	sdelay $0x3  }
0x36: {  	p1 =	seq.s32 s10, $0x1;
	s10 =	sld [smem:$0x3FA9];
	_ =	sdelay $0x3  }
0x37: {  	[smem:$0x3FA9] =	sst s10  }
0x38: {  	s10 =	sld [smem:$0x3FAA]  }
0x39: {  	_ = 	snop;
	(pc) =	sbr.ind lr, $3  }
0x3a: {  	_ = 	snop  }
0x3b: {  	_ = 	snop  }
0x3c: {  	p2 =	seq.s32 s10, $0x1;
	s10 =	sld [smem:$0x3FA9]  }
0x3d: {  	_ =	shalt  }
0x3e: {  	_ =	shalt  }
0x3f: {  	_ =	shalt  }
0x40: {  	_ =	shalt  }
0x41: {  	_ =	shalt  }
0x42: {  	_ =	shalt  }
0x43: {  	_ =	shalt  }
0x44: {  	_ =	shalt  }
0x45: {  	_ =	shalt  }
0x46: {  	_ =	shalt  }
0x47: {  	_ =	shalt  }
0x48: {  	_ =	shalt  }
0x49: {  	_ =	shalt  }
0x4a: {  	_ =	shalt  }
0x4b: {  	_ =	shalt  }
0x4c: {  	_ =	shalt  }
0x4d: {  	_ =	shalt  }
0x4e: {  	_ =	shalt  }
0x4f: {  	_ =	shalt  }
0x50: {  	_ =	shalt  }
0x51: {  	_ =	shalt  }
0x52: {  	_ =	shalt  }
0x53: {  	_ =	shalt  }
0x54: {  	_ =	shalt  }
0x55: {  	_ =	shalt  }
0x56: {  	_ =	shalt  }
0x57: {  	_ =	shalt  }
0x58: {  	_ =	shalt  }
0x59: {  	_ =	shalt  }
0x5a: {  	_ =	shalt  }
0x5b: {  	_ =	shalt  }
0x5c: {  	_ =	shalt  }
0x5d: {  	_ =	shalt  }
0x5e: {  	_ =	shalt  }
0x5f: {  	_ =	shalt  }
0x60: {  	_ =	shalt  }
0x61: {  	_ =	shalt  }
0x62: {  	_ =	shalt  }
0x63: {  	_ =	shalt  }
0x64: {  	_ =	shalt  }
0x65: {  	_ =	shalt  }
0x66: {  	_ =	shalt  }
0x67: {  	_ =	shalt  }
0x68: {  	_ =	shalt  }
0x69: {  	_ =	shalt  }
0x6a: {  	_ =	shalt  }
0x6b: {  	_ =	shalt  }
0x6c: {  	_ =	shalt  }
0x6d: {  	_ =	shalt  }
0x6e: {  	_ =	shalt  }
0x6f: {  	_ =	shalt  }
0x70: {  	_ =	shalt  }
0x71: {  	_ =	shalt  }
0x72: {  	_ =	shalt  }
0x73: {  	_ =	shalt  }
0x74: {  	_ =	shalt  }
0x75: {  	_ =	shalt  }
0x76: {  	_ =	shalt  }
0x77: {  	_ =	shalt  }
0x78: {  	_ =	shalt  }
0x79: {  	_ =	shalt  }
0x7a: {  	_ =	shalt  }
0x7b: {  	_ =	shalt  }
0x7c: {  	_ =	shalt  }
0x7d: {  	_ =	shalt  }
0x7e: {  	_ =	shalt  }
0x7f: {  	_ =	shalt  }
0x80: {  	_ =	shalt  }
0x81: {  	_ =	shalt  }
0x82: {  	_ =	shalt  }
0x83: {  	_ =	shalt  }
0x84: {  	_ =	shalt  }
0x85: {  	_ =	shalt  }
0x86: {  	_ =	shalt  }
0x87: {  	_ =	shalt  }
.Lfunc_end0:
.L_simem_size_0:
called_computation.2_lowered:
.L_overlay_start_0:
0x88: {  	s2 =	sld [smem:$0x3FD9]  }
0x89: {  	s3 =	sld [smem:$0x3FFE];
	_ =	sdelay $0x1  }
0x8a: {  	s1 =	srdreg.scid  }
0x8b: {  	s0 =	sand.u32 $0x1, s1  }
0x8c: {  	s17 =	sshll.u32 s0, $0xA;
	s2 =	sadd.s32 s3, s2  }
0x8d: {  	s2 =	sadd.s32 s2, s17  }
0x8e: {  	[smem:$0x3FB5] =	sst s2  }
0x8f: {  	_ = 	snop  }
0x90: {  	s2 =	sld [smem:$0x3FD0];
	(tm) =	ssettm $0x1  }
0x91: {  	s18 =	sld [smem:$0x3FFB];
	_ =	sdelay $0x3  }
0x92: {  	_ =	strace s18  }
0x93: {  	s3 =	sld [smem:$0x3FFC];
	_ =	sdelay $0x3  }
0x94: {  	_ =	strace s3  }
0x95: {  	s3 =	sld [smem:$0x3FFD];
	_ =	sdelay $0x3  }
0x96: {  	_ =	strace s3  }
0x97: {  	_ =	strace $0x8FFFFFFF  }
0x98: {  	s19 =	sld [smem:$0x3FDB];
	_ =	sdelay $0x1  }
0x99: {  	s4 =	simm.s32 $_scs_section_size  }
0x9a: {  	s5 =	simm.s32 $_size__tile_overlayer_lowered;
	s6 =	simm.s32 $_tile_overlayer_lowered  }
0x9b: {  	s22 =	simm.s32 $0x1BFF;
	s21 =	sshll.u32 s6, $0x1;
	s3 =	sadd.s32 s4, s19  }
0x9c: {  	s7 =	simm.s32 $0x0;
	s20 =	sshll.u32 s5, $0x1;
	s5 =	sadd.s32 s21, s3  }
0x9d: {  	[timem:s7], [sflag:s22] =	dma.local [hbm:s5], s20  }
0x9e: {  	_ =	swait.ge [sflag:s22], s20  }
0x9f: {  	s4 =	ssub.s32 $0x0, s20;
	[sflag:s22] =	ssyncset.done $0x0  }
0xa0: {  	[sflag:s22] =	ssyncadd.s32 s4;
	_ =	sdelay $0x1  }
0xa1: {  	s23 =	simm.s32 $0x1B8B  }
0xa2: {  	_ =	swait.ge [sflag:s23], $0x1  }
0xa3: {  	[sflag:s23] =	ssyncset.done $0x0  }
0xa4: {  	s25 =	simm.s32 $0x1B8E;
	s24 =	sld [smem:$0x3FFE];
	[sflag:s23] =	ssyncadd.s32 $0xFFFFFFFF  }
0xa5: {  	s26 =	simm.s32 $execute0_lowered;
	[smem:$0x3FD2] =	sst s25  }
0xa6: {  	s5 =	sshll.u32 s26, $0x1;
	_ =	strace $0x8000004C;
	[dreg:$0x1] =	wrdreg $0xFFFFFFFF  }
0xa7: {  	s28 =	simm.s32 $_size_execute0_lowered;
	s3 =	sadd.s32 s3, s5;
	[dreg:$0x0] =	wrdreg $0x0  }
0xa8: {  	s5 =	sshll.u32 s28, $0x1;
	[dreg:$0x2] =	wrdreg s3  }
0xa9: {  	[dreg:$0x3] =	wrdreg s5  }
0xaa: {  	[dreg:$0x4] =	wrdreg $0xC0  }
0xab: {  	_ =	task [dreg:s7], $0x5FFFF  }
0xac: {  	[dreg:$0x1] =	wrdreg $0xFFFFFFFF  }
0xad: {  	[dreg:$0x0] =	wrdreg $0x60  }
0xae: {  	[dreg:$0x2] =	wrdreg s2  }
0xaf: {  	[dreg:$0x3] =	wrdreg s24  }
0xb0: {  	[dreg:$0x4] =	wrdreg $0x41000  }
0xb1: {  	[dreg:$0x5] =	wrdreg $0x9  }
0xb2: {  	_ =	task.clear_ibuf [dreg:s7], $0x6FFFF;
	_ =	strace $0x9000004C  }
0xb3: {  	s29 =	simm.s32 $0x9;
	_ =	strace $0x8000004E  }
0xb4: {  	_ =	swait.ge [sflag:s29], $0x1  }
0xb5: {  	[sflag:s29] =	ssyncadd.s32 $0xFFFFFFFF  }
0xb6: {  	_ =	strace $0x9000004E  }
0xb7: {  	_ =	sfence  }
0xb8: {  	s30 =	sld [smem:$0x0];
	_ =	sdelay $0x2  }
0xb9: {  	s31 =	sshll.u32 s1, $0xD;
	s1 =	sshrl.u32 s1, $0x2  }
0xba: {  	s3 =	sand.u32 $0x4000, s31;
	s1 =	sadd.s32 s1, s30  }
0xbb: {  	s0 =	sor.u32 s3, s0;
	s1 =	sshll.u32 s1, $0x11  }
0xbc: {  	s0 =	sor.u32 s1, s0  }
0xbd: {  	s0 =	sadd.s32 $0x8F2B, s0  }
0xbe: {  	[sflag:s0] =	ssyncadd.remote.s32 $0x1  }
0xbf: {  	_ =	sfence.sel $0xFFFF  }
0xc0: {  	[dreg:$0x0] =	wrdreg $0xFFFFFFFF;
	(pc) =	sbr.abs _section_cstart, $3  }
0xc1: {  	[dreg:$0x1] =	wrdreg $0xFFFFFFFF  }
0xc2: {  	_ =	task.clear_ibuf [dreg:s7], $0x2FFFF;
	_ =	strace $0x9FFFFFFF  }
0xc3: {  	(tm) =	ssettm $0x7FFFFFFF  }
tec
execute0_lowered:
.L_overlay_start_1:
0x0: {  	(tag) =	ssettag $0x1  }
0x1: {  	s1 =	rddreg [dreg:$0x0]  }
0x2: {  	s5 =	rddreg [dreg:$0x1]  }
0x3: {  	s0 =	srdreg.scid;
	s3 =	rddreg [dreg:$0x2]  }
0x4: {  	s2 =	rddreg [dreg:$0x3];
	s6 =	sand.u32 $0x1, s0  }
0x5: {  	s0 =	stileid.u32;
	s7 =	smul.u32 $0x13C000, s6  }
0x6: {  	s4 =	simm.s32 $0x0;
	s15 =	simm.s32 $0x2;
	s8 =	smul.u32 $0x13C00, s0  }
0x7: {  	s16 =	simm.s32 $0x80;
	s17 =	simm.s32 $0x1;
	s9 =	smul.u32 $0x9E0, s0  }
0x8: {  	s20 =	simm.s32 $0x0;
	[smem:$0x7FF] =	sst s4;
	s28 =	smul.u32 $0x4F000, s0  }
0x9: {  	_ =	strace $0x8000004D;
	s29 =	ssub.s32 $0x2, s6;
	s18 =	sshll.u32 s0, $0x6  }
0xa: {  	s12 =	smul.u32 $0x4F0, s6;
	s31 =	sshrl.u32 s29, $0x1;
	s18 =	sor.u32 $0x1C02, s18  }
0xb: {  	s7 =	sadd.s32 s8, s7;
	s10 =	sadd.s32 s9, s5;
	s30 =	sshrl.u32 s28, $0x2  }
0xc: {  	s13 =	ssub.s32 s29, s31;
	s7 =	sshrl.u32 s7, $0x3;
	s14 =	sadd.s32 s12, s10  }
0xd: {  	s11 =	sadd.s32 s7, s5;
	s5 =	sadd.s32 s30, s3;
	s12 =	sadd.s32 $0x5C00, s14  }
0xe: {  	s6 =	sadd.s32 $0x4000, s5;
	s7 =	sadd.s32 $0x8000, s5;
	s8 =	sadd.s32 $0xC000, s5  }
0xf: {  	s9 =	sadd.s32 $0x10000, s5;
	s10 =	sadd.s32 $0x19800, s11;
	s11 =	smax.u32 s13, $0x1  }
0x10: {  	v0 =	vimm.f32 $0.0e+00;
	s13 =	sadd.s32 $0xFA00, s14;
	s14 =	simm.s32 $0x100;
	s19 =	sshrl.u32 s5, $0x3  }
.LBB2_1:
0x11: {  	s21 =	simm.s32 $0x0;
	s22 =	simm.s32 $0x200  }
.LBB2_2:
0x12: {  	p0 =	sne.s32 s22, $0xFE00;
	[tilespmem:s21+$0x170] =	vst v0  }
0x13: {  	[tilespmem:s21+$0x100] =	vst v0  }
0x14: {  	[tilespmem:s21+$0x110] =	vst v0  }
.Ltmp0:
0x15: {  	[tilespmem:s21+$0x120] =	vst v0;
	(pc) =	sbr.rel @p0 .LBB2_2-.Ltmp0, $4  }
0x16: {  	[tilespmem:s21+$0x130] =	vst v0  }
0x17: {  	[tilespmem:s21+$0x140] =	vst v0  }
0x18: {  	[tilespmem:s21+$0x150] =	vst v0  }
0x19: {  	[tilespmem:s21+$0x160] =	vst v0;
	s21 =	sshra.s32 s22, $0x2;
	s22 =	sadd.s32 $0x200, s22  }
0x1a: {  	[tilespmem:s21+$0x170] =	vst v0  }
0x1b: {  	[tilespmem:s21+$0x100] =	vst v0  }
0x1c: {  	[tilespmem:s21+$0x110] =	vst v0  }
0x1d: {  	[tilespmem:s21+$0x120] =	vst v0  }
0x1e: {  	[tilespmem:s21+$0x130] =	vst v0  }
0x1f: {  	[tilespmem:s21+$0x140] =	vst v0  }
0x20: {  	[tilespmem:s21+$0x150] =	vst v0  }
0x21: {  	[tilespmem:s21+$0x160] =	vst v0  }
0x22: {  	[spmem:s5] =	stream.linear.scatter [tilespmem:s14], [sflag:$0x2], $0x4000, $0x38;
	[tilespmem:$0x17D00] =	vst v63  }
0x23: {  	_ =	swait.ge [sflag:s15], $0x4000  }
0x24: {  	[sflag:s15] =	ssyncset.done $0x0  }
0x25: {  	[sflag:s15] =	ssyncadd.s32 $0xFFFFC000  }
0x26: {  	[spmem:s6] =	stream.linear.scatter [tilespmem:s14], [sflag:$0x2], $0x4000, $0x38;
	[tilespmem:$0x17D00] =	vst v63  }
0x27: {  	_ =	swait.ge [sflag:s15], $0x4000  }
0x28: {  	[sflag:s15] =	ssyncset.done $0x0  }
0x29: {  	[sflag:s15] =	ssyncadd.s32 $0xFFFFC000  }
0x2a: {  	[spmem:s7] =	stream.linear.scatter [tilespmem:s14], [sflag:$0x2], $0x4000, $0x38;
	[tilespmem:$0x17D00] =	vst v63  }
0x2b: {  	_ =	swait.ge [sflag:s15], $0x4000  }
0x2c: {  	[sflag:s15] =	ssyncset.done $0x0  }
0x2d: {  	[sflag:s15] =	ssyncadd.s32 $0xFFFFC000  }
0x2e: {  	[spmem:s8] =	stream.linear.scatter [tilespmem:s14], [sflag:$0x2], $0x4000, $0x38;
	[tilespmem:$0x17D00] =	vst v63  }
0x2f: {  	_ =	swait.ge [sflag:s15], $0x4000  }
0x30: {  	[sflag:s15] =	ssyncset.done $0x0  }
0x31: {  	[sflag:s15] =	ssyncadd.s32 $0xFFFFC000  }
0x32: {  	[spmem:s9] =	stream.linear.scatter [tilespmem:s14], [sflag:$0x2], $0x3C00, $0x38;
	[tilespmem:$0x17D00] =	vst v63  }
0x33: {  	_ =	swait.ge [sflag:s15], $0x3C00  }
0x34: {  	[sflag:s15] =	ssyncset.done $0x0  }
0x35: {  	[sflag:s15] =	ssyncadd.s32 $0xFFFFC400  }
0x36: {  	s30 =	sadd.s32 $0x0, s13;
	[bflag:$0x0] =	sbarrier.arrive $0xFFFF  }
0x37: {  	[tilespmem:s4], [sflag:$0x2] =	stream.linear.gather [hbm4b:s30+s4], $0x80, $0x38;
	[tilespmem:$0x17D00] =	vst v63  }
0x38: {  	_ =	swait.ge [sflag:s15], $0x80  }
0x39: {  	[sflag:s15] =	ssyncset.done $0x0  }
0x3a: {  	s31 =	sadd.s32 $0x0, s12;
	[sflag:s15] =	ssyncadd.s32 $0xFFFFFF80  }
0x3b: {  	[tilespmem:s16], [sflag:$0x2] =	stream.linear.gather [hbm4b:s31+s4], $0x80, $0x38;
	[tilespmem:$0x17D00] =	vst v63  }
0x3c: {  	_ =	swait.ge [sflag:s15], $0x80  }
0x3d: {  	[sflag:s15] =	ssyncset.done $0x0  }
0x3e: {  	[sflag:s15] =	ssyncadd.s32 $0xFFFFFF80  }
0x3f: {  	[tilespmem:s14], [sflag:$0x1] =	stream.indirect.gather [hbm4b:s1+s16], $0x80, s4, s16, $0xb8;
	[tilespmem:$0x17D00] =	vst v63  }
0x40: {  	_ =	swait.ge [sflag:s17], $0x4000  }
0x41: {  	[sflag:s17] =	ssyncset.done $0x0  }
0x42: {  	[sflag:s17] =	ssyncadd.s32 $0xFFFFC000  }
0x43: {  	[spmem:s3] =	stream.indirect.scatter.add.f32 [tilespmem:s14], [sflag:$0x2], $0x80, s16, s16, $0xb8;
	[tilespmem:$0x17D00] =	vst v63  }
0x44: {  	_ =	swait.ge [sflag:s15], $0x4000  }
0x45: {  	s21 =	simm.s32 $0x10;
	s22 =	simm.s32 $0x20;
	[sflag:s15] =	ssyncset.done $0x0  }
.LBB2_4:
0x46: {  	s23 =	sadd.s32 s21, s13  }
0x47: {  	[sflag:s15] =	ssyncadd.s32 $0xFFFFC000;
	s24 =	smov.u32 s22;
	s25 =	sadd.s32 $0x10, s22  }
0x48: {  	[tilespmem:s4], [sflag:$0x2] =	stream.linear.gather [hbm4b:s23+s4], $0x80, $0x38;
	[tilespmem:$0x17D00] =	vst v63  }
0x49: {  	p0 =	sne.s32 s22, $0x4E0;
	_ =	swait.ge [sflag:s15], $0x80  }
0x4a: {  	[sflag:s15] =	ssyncset.done $0x0  }
0x4b: {  	s22 =	sadd.s32 s21, s12;
	s21 =	smov.u32 s24;
	[sflag:s15] =	ssyncadd.s32 $0xFFFFFF80  }
0x4c: {  	[tilespmem:s16], [sflag:$0x2] =	stream.linear.gather [hbm4b:s22+s4], $0x80, $0x38;
	[tilespmem:$0x17D00] =	vst v63  }
0x4d: {  	_ =	swait.ge [sflag:s15], $0x80  }
0x4e: {  	[sflag:s15] =	ssyncset.done $0x0  }
0x4f: {  	[sflag:s15] =	ssyncadd.s32 $0xFFFFFF80  }
0x50: {  	[tilespmem:s14], [sflag:$0x1] =	stream.indirect.gather [hbm4b:s1+s16], $0x80, s4, s16, $0xb8;
	[tilespmem:$0x17D00] =	vst v63  }
0x51: {  	_ =	swait.ge [sflag:s17], $0x4000  }
.Ltmp1:
0x52: {  	[sflag:s17] =	ssyncset.done $0x0;
	(pc) =	sbr.rel @p0 .LBB2_4-.Ltmp1, $4  }
0x53: {  	[sflag:s17] =	ssyncadd.s32 $0xFFFFC000  }
0x54: {  	[spmem:s3] =	stream.indirect.scatter.add.f32 [tilespmem:s14], [sflag:$0x2], $0x80, s16, s16, $0xb8;
	[tilespmem:$0x17D00] =	vst v63  }
0x55: {  	_ =	swait.ge [sflag:s15], $0x4000  }
0x56: {  	s22 =	smov.u32 s25;
	[sflag:s15] =	ssyncset.done $0x0  }
0x57: {  	s22 =	sadd.s32 s21, s13;
	[sflag:s15] =	ssyncadd.s32 $0xFFFFC000  }
0x58: {  	[tilespmem:s4], [sflag:$0x2] =	stream.linear.gather [hbm4b:s22+s4], $0x80, $0x38;
	[tilespmem:$0x17D00] =	vst v63  }
0x59: {  	_ =	swait.ge [sflag:s15], $0x80  }
0x5a: {  	[sflag:s15] =	ssyncset.done $0x0  }
0x5b: {  	s31 =	sadd.s32 s21, s12;
	[sflag:s15] =	ssyncadd.s32 $0xFFFFFF80  }
0x5c: {  	[tilespmem:s16], [sflag:$0x2] =	stream.linear.gather [hbm4b:s31+s4], $0x80, $0x38;
	[tilespmem:$0x17D00] =	vst v63  }
0x5d: {  	_ =	swait.ge [sflag:s15], $0x80  }
0x5e: {  	[sflag:s15] =	ssyncset.done $0x0  }
0x5f: {  	[sflag:s15] =	ssyncadd.s32 $0xFFFFFF80  }
0x60: {  	[tilespmem:s14], [sflag:$0x1] =	stream.indirect.gather [hbm4b:s1+s16], $0x80, s4, s16, $0xb8;
	[tilespmem:$0x17D00] =	vst v63  }
0x61: {  	_ =	swait.ge [sflag:s17], $0x4000  }
0x62: {  	[sflag:s17] =	ssyncset.done $0x0  }
0x63: {  	[sflag:s17] =	ssyncadd.s32 $0xFFFFC000  }
0x64: {  	[spmem:s3] =	stream.indirect.scatter.add.f32 [tilespmem:s14], [sflag:$0x2], $0x80, s16, s16, $0xb8;
	[tilespmem:$0x17D00] =	vst v63  }
0x65: {  	_ =	swait.ge [sflag:s15], $0x4000  }
0x66: {  	s20 =	sadd.s32 $0x1, s20;
	[sflag:s15] =	ssyncset.done $0x0  }
0x67: {  	p0 =	sne.s32 s20, s11;
	[sflag:s15] =	ssyncadd.s32 $0xFFFFC000  }
.Ltmp2:
0x68: {  	[bflag:$0x0] =	sbarrier.arrive $0xFFFF;
	(pc) =	sbr.rel @p0 .LBB2_1-.Ltmp2, $4  }
0x69: {  	[hbm:s10], [sflag:s18] =	dma.local [spmem:s19], $0x2780  }
0x6a: {  	_ =	swait.ge [sflag:s15], $0x2780  }
0x6b: {  	[sflag:s15] =	ssyncset.done $0x0  }
0x6c: {  	[sflag:s15] =	ssyncadd.s32 $0xFFFFD880  }
0x6d: {  	_ =	sfence.sel $0x180000  }
0x6e: {  	[bflag:$0x0] =	sbarrier.arrive $0xFFFF  }
0x6f: {  	p0 =	sne.s32 s0, $0x0;
	_ =	strace $0x9000004D  }
0x70: {  	s0 =	sadd.s32 @!p0 $0x100000, s2;
	[bflag:$0x2] =	sbarrier.arrive $0xFFFF  }
0x71: {  	[sflag:s0] =	ssyncadd.tile.s32 @!p0 $0x1;
	_ =	shalt  }
.Lfunc_end2:
_tile_overlayer_lowered:
.L_overlay_start_2:
0x72: {  	(tag) =	ssettag $0x2  }
0x73: {  	s0 =	rddreg [dreg:$0x0];
	s2 =	stileid.u32  }
0x74: {  	s1 =	rddreg [dreg:$0x1];
	p0 =	sne.s32 s2, $0x0  }
0x75: {  	s3 =	rddreg [dreg:$0x2];
	[bflag:$0x3] =	sbarrier.arrive $0xFFFF;
	s2 =	simm.s32 @!p0 $0x1C02  }
0x76: {  	[timem:s3], [sflag:s2] =	dma.local @!p0 [hbm:s0], s1  }
0x77: {  	s0 =	simm.s32 @!p0 $0x2  }
0x78: {  	_ =	swait.ge @!p0 [sflag:s0], s1  }
0x79: {  	s1 =	ssub.s32 @!p0 $0x0, s1;
	[sflag:s0] =	ssyncset.done @!p0 $0x0  }
0x7a: {  	[sflag:s0] =	ssyncadd.s32 @!p0 s1  }
0x7b: {  	[bflag:$0x3] =	sbarrier.arrive $0xFFFF  }
0x7c: {  	_ =	shalt  }

// kernel: kernel.18.cloned.1.call-start
scs
__scs_entry_jumppad:
0x0: {  	(pc) =	sbr.rel $0x88, $3  }
0x1: {  	(tag) =	ssettag $0x0;
	lr =	simm.s32 $0x1  }
0x2: {  	[smem:$0x3F8E] =	sst lr;
	_ =	strace $0xD0000000  }
0x3: {  	_ = 	snop  }
0x4: {  	_ = 	snop  }
0x5: {  	_ = 	snop  }
0x6: {  	_ = 	snop  }
0x7: {  	_ = 	snop  }
__scs_overlays_trampoline_lowered:
0x8: {  	[smem:$0x3F9D] =	sst s0  }
0x9: {  	[smem:$0x3F9E] =	sst s1  }
0xa: {  	[smem:$0x3F9F] =	sst s2  }
0xb: {  	[smem:$0x3FA0] =	sst s3  }
0xc: {  	[smem:$0x3FA1] =	sst s4  }
0xd: {  	[smem:$0x3FA2] =	sst s5  }
0xe: {  	[smem:$0x3FA3] =	sst s6  }
0xf: {  	[smem:$0x3FA4] =	sst s7  }
0x10: {  	[smem:$0x3FA5] =	sst s8  }
0x11: {  	[smem:$0x3FA6] =	sst s9;
	s0 =	simm.s32 @!p0 $0x0  }
0x12: {  	s1 =	sld [smem:$0x3F8C];
	s0 =	simm.s32 @p0 $0x1  }
0x13: {  	[smem:$0x3FA7] =	sst s0;
	s0 =	simm.s32 @!p1 $0x0  }
0x14: {  	s2 =	sld [smem:$0x3F8B];
	s0 =	simm.s32 @p1 $0x1  }
0x15: {  	[smem:$0x3FA8] =	sst s0;
	s0 =	simm.s32 @!p2 $0x0  }
0x16: {  	s3 =	sld [smem:$0x3FDB];
	s0 =	simm.s32 @p2 $0x1  }
0x17: {  	s4 =	simm.s32 $0x1BF5;
	[smem:$0x3FAA] =	sst s0  }
0x18: {  	s0 =	sld [smem:$0x3F8D];
	_ =	swait.ge [sflag:s4], $0x0  }
0x19: {  	s7 =	sld [smem:$0x3F8E]  }
0x1a: {  	s8 =	sadd.s32 $0xFFFFE003, lr  }
0x1b: {  	s9 =	sadd.s32 $0xFFFFFEF7, lr;
	s5 =	simm.s32 $0xFFFFFFFF;
	p2 =	slt.u32 s8, $0xFFFFF086  }
0x1c: {  	p1 =	slt.u32 s9, $0xF7A;
	s5 =	simm.s32 @!p2 $0x0  }
0x1d: {  	s5 =	simm.s32 @p1 $0x1;
	p0 =	seq.s32 s7, s2  }
0x1e: {  	s7 =	smul.u32 @!p0 $0xF7A, s2;
	p2 =	seq.s32 @!p0 s5, $0x0  }
0x1f: {  	s9 =	smul.u32 $0xF7A, s1;
	s8 =	simm.s32 @!p0 $0x1BF5;
	p2 =	por !p2, p0  }
0x20: {  	[sflag:s8] =	ssyncset.s32 @!p0 $0xFFFFF086;
	s6 =	sadd.s32 @!p0 s3, s7;
	s7 =	simm.s32 @!p0 $0x108  }
0x21: {  	s3 =	sadd.s32 s3, s9;
	s6 =	sadd.s32 @!p0 $0x88, s6;
	s7 =	simm.s32 @p2 $0x1082  }
0x22: {  	[simem:s7], [sflag:s8] =	dma.local @!p0 [hbm:s6], $0xF7A  }
0x23: {  	s9 =	sor.u32 $0xD0000000, s2;
	s6 =	simm.s32 $0x108;
	_ =	swait.ge @!p0 [sflag:s8], $0x0  }
0x24: {  	s3 =	sadd.s32 $0x88, s3;
	s6 =	simm.s32 @!p1 $0x1082;
	[sflag:s4] =	ssyncset.s32 $0xFFFFF086  }
0x25: {  	[simem:s6], [sflag:s4] =	dma.local [hbm:s3], $0xF7A  }
0x26: {  	[smem:$0x3F8E] =	sst s1;
	(tag) =	ssettag s2;
	_ =	strace s9  }
0x27: {  	s1 =	sld [smem:$0x3F9E]  }
0x28: {  	s2 =	sld [smem:$0x3F9F]  }
0x29: {  	s4 =	sld [smem:$0x3FA1]  }
0x2a: {  	p0 =	seq.s32 s5, $0x0;
	s5 =	sld [smem:$0x3FA2]  }
0x2b: {  	s6 =	sld [smem:$0x3FA3]  }
0x2c: {  	s7 =	sld [smem:$0x3FA4]  }
0x2d: {  	s3 =	simm.s32 $0x108;
	s8 =	sld [smem:$0x3FA5]  }
0x2e: {  	s3 =	simm.s32 @!p0 $0x1082;
	s9 =	sld [smem:$0x3FA6]  }
0x2f: {  	lr =	sadd.s32 s0, s3;
	s0 =	sld [smem:$0x3F9D]  }
0x30: {  	s3 =	sld [smem:$0x3FA0]  }
0x31: {  	[smem:$0x3FA9] =	sst s10  }
0x32: {  	s10 =	sld [smem:$0x3FA7];
	_ =	sdelay $0x3  }
0x33: {  	p0 =	seq.s32 s10, $0x1;
	s10 =	sld [smem:$0x3FA9];
	_ =	sdelay $0x3  }
0x34: {  	[smem:$0x3FA9] =	sst s10  }
0x35: {  	s10 =	sld [smem:$0x3FA8];
	_ =	sdelay $0x3  }
0x36: {  	p1 =	seq.s32 s10, $0x1;
	s10 =	sld [smem:$0x3FA9];
	_ =	sdelay $0x3  }
0x37: {  	[smem:$0x3FA9] =	sst s10  }
0x38: {  	s10 =	sld [smem:$0x3FAA]  }
0x39: {  	_ = 	snop;
	(pc) =	sbr.ind lr, $3  }
0x3a: {  	_ = 	snop  }
0x3b: {  	_ = 	snop  }
0x3c: {  	p2 =	seq.s32 s10, $0x1;
	s10 =	sld [smem:$0x3FA9]  }
0x3d: {  	_ =	shalt  }
0x3e: {  	_ =	shalt  }
0x3f: {  	_ =	shalt  }
0x40: {  	_ =	shalt  }
0x41: {  	_ =	shalt  }
0x42: {  	_ =	shalt  }
0x43: {  	_ =	shalt  }
0x44: {  	_ =	shalt  }
0x45: {  	_ =	shalt  }
0x46: {  	_ =	shalt  }
0x47: {  	_ =	shalt  }
0x48: {  	_ =	shalt  }
0x49: {  	_ =	shalt  }
0x4a: {  	_ =	shalt  }
0x4b: {  	_ =	shalt  }
0x4c: {  	_ =	shalt  }
0x4d: {  	_ =	shalt  }
0x4e: {  	_ =	shalt  }
0x4f: {  	_ =	shalt  }
0x50: {  	_ =	shalt  }
0x51: {  	_ =	shalt  }
0x52: {  	_ =	shalt  }
0x53: {  	_ =	shalt  }
0x54: {  	_ =	shalt  }
0x55: {  	_ =	shalt  }
0x56: {  	_ =	shalt  }
0x57: {  	_ =	shalt  }
0x58: {  	_ =	shalt  }
0x59: {  	_ =	shalt  }
0x5a: {  	_ =	shalt  }
0x5b: {  	_ =	shalt  }
0x5c: {  	_ =	shalt  }
0x5d: {  	_ =	shalt  }
0x5e: {  	_ =	shalt  }
0x5f: {  	_ =	shalt  }
0x60: {  	_ =	shalt  }
0x61: {  	_ =	shalt  }
0x62: {  	_ =	shalt  }
0x63: {  	_ =	shalt  }
0x64: {  	_ =	shalt  }
0x65: {  	_ =	shalt  }
0x66: {  	_ =	shalt  }
0x67: {  	_ =	shalt  }
0x68: {  	_ =	shalt  }
0x69: {  	_ =	shalt  }
0x6a: {  	_ =	shalt  }
0x6b: {  	_ =	shalt  }
0x6c: {  	_ =	shalt  }
0x6d: {  	_ =	shalt  }
0x6e: {  	_ =	shalt  }
0x6f: {  	_ =	shalt  }
0x70: {  	_ =	shalt  }
0x71: {  	_ =	shalt  }
0x72: {  	_ =	shalt  }
0x73: {  	_ =	shalt  }
0x74: {  	_ =	shalt  }
0x75: {  	_ =	shalt  }
0x76: {  	_ =	shalt  }
0x77: {  	_ =	shalt  }
0x78: {  	_ =	shalt  }
0x79: {  	_ =	shalt  }
0x7a: {  	_ =	shalt  }
0x7b: {  	_ =	shalt  }
0x7c: {  	_ =	shalt  }
0x7d: {  	_ =	shalt  }
0x7e: {  	_ =	shalt  }
0x7f: {  	_ =	shalt  }
0x80: {  	_ =	shalt  }
0x81: {  	_ =	shalt  }
0x82: {  	_ =	shalt  }
0x83: {  	_ =	shalt  }
0x84: {  	_ =	shalt  }
0x85: {  	_ =	shalt  }
0x86: {  	_ =	shalt  }
0x87: {  	_ =	shalt  }
.Lfunc_end0:
.L_simem_size_0:
called_computation.3_lowered:
.L_overlay_start_0:
0x88: {  	s2 =	sld [smem:$0x3FD9]  }
0x89: {  	s3 =	sld [smem:$0x3FFE];
	_ =	sdelay $0x1  }
0x8a: {  	s1 =	srdreg.scid  }
0x8b: {  	s0 =	sand.u32 $0x1, s1  }
0x8c: {  	s17 =	sshll.u32 s0, $0xA;
	s2 =	sadd.s32 s3, s2  }
0x8d: {  	s2 =	sadd.s32 s2, s17  }
0x8e: {  	[smem:$0x3FB5] =	sst s2  }
0x8f: {  	_ = 	snop  }
0x90: {  	s2 =	sld [smem:$0x3FD0];
	(tm) =	ssettm $0x1  }
0x91: {  	s18 =	sld [smem:$0x3FFB];
	_ =	sdelay $0x3  }
0x92: {  	_ =	strace s18  }
0x93: {  	s3 =	sld [smem:$0x3FFC];
	_ =	sdelay $0x3  }
0x94: {  	_ =	strace s3  }
0x95: {  	s3 =	sld [smem:$0x3FFD];
	_ =	sdelay $0x3  }
0x96: {  	_ =	strace s3  }
0x97: {  	_ =	strace $0x8FFFFFFF  }
0x98: {  	s19 =	sld [smem:$0x3FDB];
	_ =	sdelay $0x1  }
0x99: {  	s4 =	simm.s32 $_scs_section_size  }
0x9a: {  	s5 =	simm.s32 $_size__tile_overlayer_lowered;
	s6 =	simm.s32 $_tile_overlayer_lowered  }
0x9b: {  	s22 =	simm.s32 $0x1BFF;
	s21 =	sshll.u32 s6, $0x1;
	s3 =	sadd.s32 s4, s19  }
0x9c: {  	s7 =	simm.s32 $0x0;
	s20 =	sshll.u32 s5, $0x1;
	s5 =	sadd.s32 s21, s3  }
0x9d: {  	[timem:s7], [sflag:s22] =	dma.local [hbm:s5], s20  }
0x9e: {  	_ =	swait.ge [sflag:s22], s20  }
0x9f: {  	s4 =	ssub.s32 $0x0, s20;
	[sflag:s22] =	ssyncset.done $0x0  }
0xa0: {  	[sflag:s22] =	ssyncadd.s32 s4;
	_ =	sdelay $0x1  }
0xa1: {  	s23 =	simm.s32 $0x1B8B  }
0xa2: {  	_ =	swait.ge [sflag:s23], $0x1  }
0xa3: {  	[sflag:s23] =	ssyncset.done $0x0  }
0xa4: {  	s25 =	simm.s32 $0x1B8E;
	s24 =	sld [smem:$0x3FFE];
	[sflag:s23] =	ssyncadd.s32 $0xFFFFFFFF  }
0xa5: {  	s26 =	simm.s32 $execute0_lowered;
	[smem:$0x3FD2] =	sst s25  }
0xa6: {  	s5 =	sshll.u32 s26, $0x1;
	_ =	strace $0x8000004F;
	[dreg:$0x1] =	wrdreg $0xFFFFFFFF  }
0xa7: {  	s28 =	simm.s32 $_size_execute0_lowered;
	s3 =	sadd.s32 s3, s5;
	[dreg:$0x0] =	wrdreg $0x0  }
0xa8: {  	s5 =	sshll.u32 s28, $0x1;
	[dreg:$0x2] =	wrdreg s3  }
0xa9: {  	[dreg:$0x3] =	wrdreg s5  }
0xaa: {  	[dreg:$0x4] =	wrdreg $0xC0  }
0xab: {  	_ =	task [dreg:s7], $0x5FFFF  }
0xac: {  	[dreg:$0x1] =	wrdreg $0xFFFFFFFF  }
0xad: {  	[dreg:$0x0] =	wrdreg $0x60  }
0xae: {  	[dreg:$0x2] =	wrdreg s2  }
0xaf: {  	[dreg:$0x3] =	wrdreg s24  }
0xb0: {  	[dreg:$0x4] =	wrdreg $0x41000  }
0xb1: {  	[dreg:$0x5] =	wrdreg $0x9  }
0xb2: {  	_ =	task.clear_ibuf [dreg:s7], $0x6FFFF;
	_ =	strace $0x9000004F  }
0xb3: {  	s29 =	simm.s32 $0x9;
	_ =	strace $0x80000051  }
0xb4: {  	_ =	swait.ge [sflag:s29], $0x1  }
0xb5: {  	[sflag:s29] =	ssyncadd.s32 $0xFFFFFFFF  }
0xb6: {  	_ =	strace $0x90000051  }
0xb7: {  	_ =	sfence  }
0xb8: {  	s30 =	sld [smem:$0x0];
	_ =	sdelay $0x2  }
0xb9: {  	s31 =	sshll.u32 s1, $0xD;
	s1 =	sshrl.u32 s1, $0x2  }
0xba: {  	s3 =	sand.u32 $0x4000, s31;
	s1 =	sadd.s32 s1, s30  }
0xbb: {  	s0 =	sor.u32 s3, s0;
	s1 =	sshll.u32 s1, $0x11  }
0xbc: {  	s0 =	sor.u32 s1, s0  }
0xbd: {  	s0 =	sadd.s32 $0x8F2B, s0  }
0xbe: {  	[sflag:s0] =	ssyncadd.remote.s32 $0x1  }
0xbf: {  	_ =	sfence.sel $0xFFFF  }
0xc0: {  	[dreg:$0x0] =	wrdreg $0xFFFFFFFF;
	(pc) =	sbr.abs _section_cstart, $3  }
0xc1: {  	[dreg:$0x1] =	wrdreg $0xFFFFFFFF  }
0xc2: {  	_ =	task.clear_ibuf [dreg:s7], $0x2FFFF;
	_ =	strace $0x9FFFFFFF  }
0xc3: {  	(tm) =	ssettm $0x7FFFFFFF  }
tec
execute0_lowered:
.L_overlay_start_1:
0x0: {  	(tag) =	ssettag $0x1  }
0x1: {  	s1 =	rddreg [dreg:$0x0]  }
0x2: {  	s5 =	rddreg [dreg:$0x1]  }
0x3: {  	s0 =	srdreg.scid;
	s3 =	rddreg [dreg:$0x2]  }
0x4: {  	s2 =	rddreg [dreg:$0x3];
	s6 =	sand.u32 $0x1, s0  }
0x5: {  	s0 =	stileid.u32;
	s7 =	smul.u32 $0x13C000, s6  }
0x6: {  	s4 =	simm.s32 $0x0;
	s15 =	simm.s32 $0x2;
	s8 =	smul.u32 $0x13C00, s0  }
0x7: {  	s16 =	simm.s32 $0x80;
	s17 =	simm.s32 $0x1;
	s9 =	smul.u32 $0x9E0, s0  }
0x8: {  	s20 =	simm.s32 $0x0;
	[smem:$0x7FF] =	sst s4;
	s28 =	smul.u32 $0x4F000, s0  }
0x9: {  	_ =	strace $0x80000050;
	s29 =	ssub.s32 $0x2, s6;
	s18 =	sshll.u32 s0, $0x6  }
0xa: {  	s12 =	smul.u32 $0x4F0, s6;
	s31 =	sshrl.u32 s29, $0x1;
	s18 =	sor.u32 $0x1C02, s18  }
0xb: {  	s7 =	sadd.s32 s8, s7;
	s10 =	sadd.s32 s9, s5;
	s30 =	sshrl.u32 s28, $0x2  }
0xc: {  	s13 =	ssub.s32 s29, s31;
	s7 =	sshrl.u32 s7, $0x3;
	s14 =	sadd.s32 s12, s10  }
0xd: {  	s11 =	sadd.s32 s7, s5;
	s5 =	sadd.s32 s30, s3;
	s12 =	sadd.s32 $0x5C00, s14  }
0xe: {  	s6 =	sadd.s32 $0x4000, s5;
	s7 =	sadd.s32 $0x8000, s5;
	s8 =	sadd.s32 $0xC000, s5  }
0xf: {  	s9 =	sadd.s32 $0x10000, s5;
	s10 =	sadd.s32 $0x19800, s11;
	s11 =	smax.u32 s13, $0x1  }
0x10: {  	v0 =	vimm.f32 $0.0e+00;
	s13 =	sadd.s32 $0xFA00, s14;
	s14 =	simm.s32 $0x100;
	s19 =	sshrl.u32 s5, $0x3  }
.LBB2_1:
0x11: {  	s21 =	simm.s32 $0x0;
	s22 =	simm.s32 $0x200  }
.LBB2_2:
0x12: {  	p0 =	sne.s32 s22, $0xFE00;
	[tilespmem:s21+$0x170] =	vst v0  }
0x13: {  	[tilespmem:s21+$0x100] =	vst v0  }
0x14: {  	[tilespmem:s21+$0x110] =	vst v0  }
.Ltmp0:
0x15: {  	[tilespmem:s21+$0x120] =	vst v0;
	(pc) =	sbr.rel @p0 .LBB2_2-.Ltmp0, $4  }
0x16: {  	[tilespmem:s21+$0x130] =	vst v0  }
0x17: {  	[tilespmem:s21+$0x140] =	vst v0  }
0x18: {  	[tilespmem:s21+$0x150] =	vst v0  }
0x19: {  	[tilespmem:s21+$0x160] =	vst v0;
	s21 =	sshra.s32 s22, $0x2;
	s22 =	sadd.s32 $0x200, s22  }
0x1a: {  	[tilespmem:s21+$0x170] =	vst v0  }
0x1b: {  	[tilespmem:s21+$0x100] =	vst v0  }
0x1c: {  	[tilespmem:s21+$0x110] =	vst v0  }
0x1d: {  	[tilespmem:s21+$0x120] =	vst v0  }
0x1e: {  	[tilespmem:s21+$0x130] =	vst v0  }
0x1f: {  	[tilespmem:s21+$0x140] =	vst v0  }
0x20: {  	[tilespmem:s21+$0x150] =	vst v0  }
0x21: {  	[tilespmem:s21+$0x160] =	vst v0  }
0x22: {  	[spmem:s5] =	stream.linear.scatter [tilespmem:s14], [sflag:$0x2], $0x4000, $0x38;
	[tilespmem:$0x17D00] =	vst v63  }
0x23: {  	_ =	swait.ge [sflag:s15], $0x4000  }
0x24: {  	[sflag:s15] =	ssyncset.done $0x0  }
0x25: {  	[sflag:s15] =	ssyncadd.s32 $0xFFFFC000  }
0x26: {  	[spmem:s6] =	stream.linear.scatter [tilespmem:s14], [sflag:$0x2], $0x4000, $0x38;
	[tilespmem:$0x17D00] =	vst v63  }
0x27: {  	_ =	swait.ge [sflag:s15], $0x4000  }
0x28: {  	[sflag:s15] =	ssyncset.done $0x0  }
0x29: {  	[sflag:s15] =	ssyncadd.s32 $0xFFFFC000  }
0x2a: {  	[spmem:s7] =	stream.linear.scatter [tilespmem:s14], [sflag:$0x2], $0x4000, $0x38;
	[tilespmem:$0x17D00] =	vst v63  }
0x2b: {  	_ =	swait.ge [sflag:s15], $0x4000  }
0x2c: {  	[sflag:s15] =	ssyncset.done $0x0  }
0x2d: {  	[sflag:s15] =	ssyncadd.s32 $0xFFFFC000  }
0x2e: {  	[spmem:s8] =	stream.linear.scatter [tilespmem:s14], [sflag:$0x2], $0x4000, $0x38;
	[tilespmem:$0x17D00] =	vst v63  }
0x2f: {  	_ =	swait.ge [sflag:s15], $0x4000  }
0x30: {  	[sflag:s15] =	ssyncset.done $0x0  }
0x31: {  	[sflag:s15] =	ssyncadd.s32 $0xFFFFC000  }
0x32: {  	[spmem:s9] =	stream.linear.scatter [tilespmem:s14], [sflag:$0x2], $0x3C00, $0x38;
	[tilespmem:$0x17D00] =	vst v63  }
0x33: {  	_ =	swait.ge [sflag:s15], $0x3C00  }
0x34: {  	[sflag:s15] =	ssyncset.done $0x0  }
0x35: {  	[sflag:s15] =	ssyncadd.s32 $0xFFFFC400  }
0x36: {  	s30 =	sadd.s32 $0x0, s13;
	[bflag:$0x0] =	sbarrier.arrive $0xFFFF  }
0x37: {  	[tilespmem:s4], [sflag:$0x2] =	stream.linear.gather [hbm4b:s30+s4], $0x80, $0x38;
	[tilespmem:$0x17D00] =	vst v63  }
0x38: {  	_ =	swait.ge [sflag:s15], $0x80  }
0x39: {  	[sflag:s15] =	ssyncset.done $0x0  }
0x3a: {  	s31 =	sadd.s32 $0x0, s12;
	[sflag:s15] =	ssyncadd.s32 $0xFFFFFF80  }
0x3b: {  	[tilespmem:s16], [sflag:$0x2] =	stream.linear.gather [hbm4b:s31+s4], $0x80, $0x38;
	[tilespmem:$0x17D00] =	vst v63  }
0x3c: {  	_ =	swait.ge [sflag:s15], $0x80  }
0x3d: {  	[sflag:s15] =	ssyncset.done $0x0  }
0x3e: {  	[sflag:s15] =	ssyncadd.s32 $0xFFFFFF80  }
0x3f: {  	[tilespmem:s14], [sflag:$0x1] =	stream.indirect.gather [hbm4b:s1+s16], $0x80, s4, s16, $0xb8;
	[tilespmem:$0x17D00] =	vst v63  }
0x40: {  	_ =	swait.ge [sflag:s17], $0x4000  }
0x41: {  	[sflag:s17] =	ssyncset.done $0x0  }
0x42: {  	[sflag:s17] =	ssyncadd.s32 $0xFFFFC000  }
0x43: {  	[spmem:s3] =	stream.indirect.scatter.add.f32 [tilespmem:s14], [sflag:$0x2], $0x80, s16, s16, $0xb8;
	[tilespmem:$0x17D00] =	vst v63  }
0x44: {  	_ =	swait.ge [sflag:s15], $0x4000  }
0x45: {  	s21 =	simm.s32 $0x10;
	s22 =	simm.s32 $0x20;
	[sflag:s15] =	ssyncset.done $0x0  }
.LBB2_4:
0x46: {  	s23 =	sadd.s32 s21, s13  }
0x47: {  	[sflag:s15] =	ssyncadd.s32 $0xFFFFC000;
	s24 =	smov.u32 s22;
	s25 =	sadd.s32 $0x10, s22  }
0x48: {  	[tilespmem:s4], [sflag:$0x2] =	stream.linear.gather [hbm4b:s23+s4], $0x80, $0x38;
	[tilespmem:$0x17D00] =	vst v63  }
0x49: {  	p0 =	sne.s32 s22, $0x4E0;
	_ =	swait.ge [sflag:s15], $0x80  }
0x4a: {  	[sflag:s15] =	ssyncset.done $0x0  }
0x4b: {  	s22 =	sadd.s32 s21, s12;
	s21 =	smov.u32 s24;
	[sflag:s15] =	ssyncadd.s32 $0xFFFFFF80  }
0x4c: {  	[tilespmem:s16], [sflag:$0x2] =	stream.linear.gather [hbm4b:s22+s4], $0x80, $0x38;
	[tilespmem:$0x17D00] =	vst v63  }
0x4d: {  	_ =	swait.ge [sflag:s15], $0x80  }
0x4e: {  	[sflag:s15] =	ssyncset.done $0x0  }
0x4f: {  	[sflag:s15] =	ssyncadd.s32 $0xFFFFFF80  }
0x50: {  	[tilespmem:s14], [sflag:$0x1] =	stream.indirect.gather [hbm4b:s1+s16], $0x80, s4, s16, $0xb8;
	[tilespmem:$0x17D00] =	vst v63  }
0x51: {  	_ =	swait.ge [sflag:s17], $0x4000  }
.Ltmp1:
0x52: {  	[sflag:s17] =	ssyncset.done $0x0;
	(pc) =	sbr.rel @p0 .LBB2_4-.Ltmp1, $4  }
0x53: {  	[sflag:s17] =	ssyncadd.s32 $0xFFFFC000  }
0x54: {  	[spmem:s3] =	stream.indirect.scatter.add.f32 [tilespmem:s14], [sflag:$0x2], $0x80, s16, s16, $0xb8;
	[tilespmem:$0x17D00] =	vst v63  }
0x55: {  	_ =	swait.ge [sflag:s15], $0x4000  }
0x56: {  	s22 =	smov.u32 s25;
	[sflag:s15] =	ssyncset.done $0x0  }
0x57: {  	s22 =	sadd.s32 s21, s13;
	[sflag:s15] =	ssyncadd.s32 $0xFFFFC000  }
0x58: {  	[tilespmem:s4], [sflag:$0x2] =	stream.linear.gather [hbm4b:s22+s4], $0x80, $0x38;
	[tilespmem:$0x17D00] =	vst v63  }
0x59: {  	_ =	swait.ge [sflag:s15], $0x80  }
0x5a: {  	[sflag:s15] =	ssyncset.done $0x0  }
0x5b: {  	s31 =	sadd.s32 s21, s12;
	[sflag:s15] =	ssyncadd.s32 $0xFFFFFF80  }
0x5c: {  	[tilespmem:s16], [sflag:$0x2] =	stream.linear.gather [hbm4b:s31+s4], $0x80, $0x38;
	[tilespmem:$0x17D00] =	vst v63  }
0x5d: {  	_ =	swait.ge [sflag:s15], $0x80  }
0x5e: {  	[sflag:s15] =	ssyncset.done $0x0  }
0x5f: {  	[sflag:s15] =	ssyncadd.s32 $0xFFFFFF80  }
0x60: {  	[tilespmem:s14], [sflag:$0x1] =	stream.indirect.gather [hbm4b:s1+s16], $0x80, s4, s16, $0xb8;
	[tilespmem:$0x17D00] =	vst v63  }
0x61: {  	_ =	swait.ge [sflag:s17], $0x4000  }
0x62: {  	[sflag:s17] =	ssyncset.done $0x0  }
0x63: {  	[sflag:s17] =	ssyncadd.s32 $0xFFFFC000  }
0x64: {  	[spmem:s3] =	stream.indirect.scatter.add.f32 [tilespmem:s14], [sflag:$0x2], $0x80, s16, s16, $0xb8;
	[tilespmem:$0x17D00] =	vst v63  }
0x65: {  	_ =	swait.ge [sflag:s15], $0x4000  }
0x66: {  	s20 =	sadd.s32 $0x1, s20;
	[sflag:s15] =	ssyncset.done $0x0  }
0x67: {  	p0 =	sne.s32 s20, s11;
	[sflag:s15] =	ssyncadd.s32 $0xFFFFC000  }
.Ltmp2:
0x68: {  	[bflag:$0x0] =	sbarrier.arrive $0xFFFF;
	(pc) =	sbr.rel @p0 .LBB2_1-.Ltmp2, $4  }
0x69: {  	[hbm:s10], [sflag:s18] =	dma.local [spmem:s19], $0x2780  }
0x6a: {  	_ =	swait.ge [sflag:s15], $0x2780  }
0x6b: {  	[sflag:s15] =	ssyncset.done $0x0  }
0x6c: {  	[sflag:s15] =	ssyncadd.s32 $0xFFFFD880  }
0x6d: {  	_ =	sfence.sel $0x180000  }
0x6e: {  	[bflag:$0x0] =	sbarrier.arrive $0xFFFF  }
0x6f: {  	p0 =	sne.s32 s0, $0x0;
	_ =	strace $0x90000050  }
0x70: {  	s0 =	sadd.s32 @!p0 $0x100000, s2;
	[bflag:$0x2] =	sbarrier.arrive $0xFFFF  }
0x71: {  	[sflag:s0] =	ssyncadd.tile.s32 @!p0 $0x1;
	_ =	shalt  }
.Lfunc_end2:
_tile_overlayer_lowered:
.L_overlay_start_2:
0x72: {  	(tag) =	ssettag $0x2  }
0x73: {  	s0 =	rddreg [dreg:$0x0];
	s2 =	stileid.u32  }
0x74: {  	s1 =	rddreg [dreg:$0x1];
	p0 =	sne.s32 s2, $0x0  }
0x75: {  	s3 =	rddreg [dreg:$0x2];
	[bflag:$0x3] =	sbarrier.arrive $0xFFFF;
	s2 =	simm.s32 @!p0 $0x1C02  }
0x76: {  	[timem:s3], [sflag:s2] =	dma.local @!p0 [hbm:s0], s1  }
0x77: {  	s0 =	simm.s32 @!p0 $0x2  }
0x78: {  	_ =	swait.ge @!p0 [sflag:s0], s1  }
0x79: {  	s1 =	ssub.s32 @!p0 $0x0, s1;
	[sflag:s0] =	ssyncset.done @!p0 $0x0  }
0x7a: {  	[sflag:s0] =	ssyncadd.s32 @!p0 s1  }
0x7b: {  	[bflag:$0x3] =	sbarrier.arrive $0xFFFF  }
0x7c: {  	_ =	shalt  }

// kernel: kernel.9.cloned.1.call-start
scs
__scs_entry_jumppad:
0x0: {  	(pc) =	sbr.rel $0x88, $3  }
0x1: {  	(tag) =	ssettag $0x0;
	lr =	simm.s32 $0x1  }
0x2: {  	[smem:$0x3F8E] =	sst lr;
	_ =	strace $0xD0000000  }
0x3: {  	_ = 	snop  }
0x4: {  	_ = 	snop  }
0x5: {  	_ = 	snop  }
0x6: {  	_ = 	snop  }
0x7: {  	_ = 	snop  }
__scs_overlays_trampoline_lowered:
0x8: {  	[smem:$0x3F9D] =	sst s0  }
0x9: {  	[smem:$0x3F9E] =	sst s1  }
0xa: {  	[smem:$0x3F9F] =	sst s2  }
0xb: {  	[smem:$0x3FA0] =	sst s3  }
0xc: {  	[smem:$0x3FA1] =	sst s4  }
0xd: {  	[smem:$0x3FA2] =	sst s5  }
0xe: {  	[smem:$0x3FA3] =	sst s6  }
0xf: {  	[smem:$0x3FA4] =	sst s7  }
0x10: {  	[smem:$0x3FA5] =	sst s8  }
0x11: {  	[smem:$0x3FA6] =	sst s9;
	s0 =	simm.s32 @!p0 $0x0  }
0x12: {  	s1 =	sld [smem:$0x3F8C];
	s0 =	simm.s32 @p0 $0x1  }
0x13: {  	[smem:$0x3FA7] =	sst s0;
	s0 =	simm.s32 @!p1 $0x0  }
0x14: {  	s2 =	sld [smem:$0x3F8B];
	s0 =	simm.s32 @p1 $0x1  }
0x15: {  	[smem:$0x3FA8] =	sst s0;
	s0 =	simm.s32 @!p2 $0x0  }
0x16: {  	s3 =	sld [smem:$0x3FDB];
	s0 =	simm.s32 @p2 $0x1  }
0x17: {  	s4 =	simm.s32 $0x1BF5;
	[smem:$0x3FAA] =	sst s0  }
0x18: {  	s0 =	sld [smem:$0x3F8D];
	_ =	swait.ge [sflag:s4], $0x0  }
0x19: {  	s7 =	sld [smem:$0x3F8E]  }
0x1a: {  	s8 =	sadd.s32 $0xFFFFE003, lr  }
0x1b: {  	s9 =	sadd.s32 $0xFFFFFEF7, lr;
	s5 =	simm.s32 $0xFFFFFFFF;
	p2 =	slt.u32 s8, $0xFFFFF086  }
0x1c: {  	p1 =	slt.u32 s9, $0xF7A;
	s5 =	simm.s32 @!p2 $0x0  }
0x1d: {  	s5 =	simm.s32 @p1 $0x1;
	p0 =	seq.s32 s7, s2  }
0x1e: {  	s7 =	smul.u32 @!p0 $0xF7A, s2;
	p2 =	seq.s32 @!p0 s5, $0x0  }
0x1f: {  	s9 =	smul.u32 $0xF7A, s1;
	s8 =	simm.s32 @!p0 $0x1BF5;
	p2 =	por !p2, p0  }
0x20: {  	[sflag:s8] =	ssyncset.s32 @!p0 $0xFFFFF086;
	s6 =	sadd.s32 @!p0 s3, s7;
	s7 =	simm.s32 @!p0 $0x108  }
0x21: {  	s3 =	sadd.s32 s3, s9;
	s6 =	sadd.s32 @!p0 $0x88, s6;
	s7 =	simm.s32 @p2 $0x1082  }
0x22: {  	[simem:s7], [sflag:s8] =	dma.local @!p0 [hbm:s6], $0xF7A  }
0x23: {  	s9 =	sor.u32 $0xD0000000, s2;
	s6 =	simm.s32 $0x108;
	_ =	swait.ge @!p0 [sflag:s8], $0x0  }
0x24: {  	s3 =	sadd.s32 $0x88, s3;
	s6 =	simm.s32 @!p1 $0x1082;
	[sflag:s4] =	ssyncset.s32 $0xFFFFF086  }
0x25: {  	[simem:s6], [sflag:s4] =	dma.local [hbm:s3], $0xF7A  }
0x26: {  	[smem:$0x3F8E] =	sst s1;
	(tag) =	ssettag s2;
	_ =	strace s9  }
0x27: {  	s1 =	sld [smem:$0x3F9E]  }
0x28: {  	s2 =	sld [smem:$0x3F9F]  }
0x29: {  	s4 =	sld [smem:$0x3FA1]  }
0x2a: {  	p0 =	seq.s32 s5, $0x0;
	s5 =	sld [smem:$0x3FA2]  }
0x2b: {  	s6 =	sld [smem:$0x3FA3]  }
0x2c: {  	s7 =	sld [smem:$0x3FA4]  }
0x2d: {  	s3 =	simm.s32 $0x108;
	s8 =	sld [smem:$0x3FA5]  }
0x2e: {  	s3 =	simm.s32 @!p0 $0x1082;
	s9 =	sld [smem:$0x3FA6]  }
0x2f: {  	lr =	sadd.s32 s0, s3;
	s0 =	sld [smem:$0x3F9D]  }
0x30: {  	s3 =	sld [smem:$0x3FA0]  }
0x31: {  	[smem:$0x3FA9] =	sst s10  }
0x32: {  	s10 =	sld [smem:$0x3FA7];
	_ =	sdelay $0x3  }
0x33: {  	p0 =	seq.s32 s10, $0x1;
	s10 =	sld [smem:$0x3FA9];
	_ =	sdelay $0x3  }
0x34: {  	[smem:$0x3FA9] =	sst s10  }
0x35: {  	s10 =	sld [smem:$0x3FA8];
	_ =	sdelay $0x3  }
0x36: {  	p1 =	seq.s32 s10, $0x1;
	s10 =	sld [smem:$0x3FA9];
	_ =	sdelay $0x3  }
0x37: {  	[smem:$0x3FA9] =	sst s10  }
0x38: {  	s10 =	sld [smem:$0x3FAA]  }
0x39: {  	_ = 	snop;
	(pc) =	sbr.ind lr, $3  }
0x3a: {  	_ = 	snop  }
0x3b: {  	_ = 	snop  }
0x3c: {  	p2 =	seq.s32 s10, $0x1;
	s10 =	sld [smem:$0x3FA9]  }
0x3d: {  	_ =	shalt  }
0x3e: {  	_ =	shalt  }
0x3f: {  	_ =	shalt  }
0x40: {  	_ =	shalt  }
0x41: {  	_ =	shalt  }
0x42: {  	_ =	shalt  }
0x43: {  	_ =	shalt  }
0x44: {  	_ =	shalt  }
0x45: {  	_ =	shalt  }
0x46: {  	_ =	shalt  }
0x47: {  	_ =	shalt  }
0x48: {  	_ =	shalt  }
0x49: {  	_ =	shalt  }
0x4a: {  	_ =	shalt  }
0x4b: {  	_ =	shalt  }
0x4c: {  	_ =	shalt  }
0x4d: {  	_ =	shalt  }
0x4e: {  	_ =	shalt  }
0x4f: {  	_ =	shalt  }
0x50: {  	_ =	shalt  }
0x51: {  	_ =	shalt  }
0x52: {  	_ =	shalt  }
0x53: {  	_ =	shalt  }
0x54: {  	_ =	shalt  }
0x55: {  	_ =	shalt  }
0x56: {  	_ =	shalt  }
0x57: {  	_ =	shalt  }
0x58: {  	_ =	shalt  }
0x59: {  	_ =	shalt  }
0x5a: {  	_ =	shalt  }
0x5b: {  	_ =	shalt  }
0x5c: {  	_ =	shalt  }
0x5d: {  	_ =	shalt  }
0x5e: {  	_ =	shalt  }
0x5f: {  	_ =	shalt  }
0x60: {  	_ =	shalt  }
0x61: {  	_ =	shalt  }
0x62: {  	_ =	shalt  }
0x63: {  	_ =	shalt  }
0x64: {  	_ =	shalt  }
0x65: {  	_ =	shalt  }
0x66: {  	_ =	shalt  }
0x67: {  	_ =	shalt  }
0x68: {  	_ =	shalt  }
0x69: {  	_ =	shalt  }
0x6a: {  	_ =	shalt  }
0x6b: {  	_ =	shalt  }
0x6c: {  	_ =	shalt  }
0x6d: {  	_ =	shalt  }
0x6e: {  	_ =	shalt  }
0x6f: {  	_ =	shalt  }
0x70: {  	_ =	shalt  }
0x71: {  	_ =	shalt  }
0x72: {  	_ =	shalt  }
0x73: {  	_ =	shalt  }
0x74: {  	_ =	shalt  }
0x75: {  	_ =	shalt  }
0x76: {  	_ =	shalt  }
0x77: {  	_ =	shalt  }
0x78: {  	_ =	shalt  }
0x79: {  	_ =	shalt  }
0x7a: {  	_ =	shalt  }
0x7b: {  	_ =	shalt  }
0x7c: {  	_ =	shalt  }
0x7d: {  	_ =	shalt  }
0x7e: {  	_ =	shalt  }
0x7f: {  	_ =	shalt  }
0x80: {  	_ =	shalt  }
0x81: {  	_ =	shalt  }
0x82: {  	_ =	shalt  }
0x83: {  	_ =	shalt  }
0x84: {  	_ =	shalt  }
0x85: {  	_ =	shalt  }
0x86: {  	_ =	shalt  }
0x87: {  	_ =	shalt  }
.Lfunc_end0:
.L_simem_size_0:
called_computation_lowered:
.L_overlay_start_0:
0x88: {  	s2 =	sld [smem:$0x3FD9]  }
0x89: {  	s3 =	sld [smem:$0x3FFE];
	_ =	sdelay $0x1  }
0x8a: {  	s1 =	srdreg.scid  }
0x8b: {  	s0 =	sand.u32 $0x1, s1  }
0x8c: {  	s17 =	sshll.u32 s0, $0xA;
	s2 =	sadd.s32 s3, s2  }
0x8d: {  	s2 =	sadd.s32 s2, s17  }
0x8e: {  	[smem:$0x3FB5] =	sst s2  }
0x8f: {  	_ = 	snop  }
0x90: {  	(tm) =	ssettm $0x1  }
0x91: {  	s18 =	sld [smem:$0x3FFB];
	_ =	sdelay $0x3  }
0x92: {  	_ =	strace s18  }
0x93: {  	s2 =	sld [smem:$0x3FFC];
	_ =	sdelay $0x3  }
0x94: {  	_ =	strace s2  }
0x95: {  	s2 =	sld [smem:$0x3FFD];
	_ =	sdelay $0x3  }
0x96: {  	_ =	strace s2  }
0x97: {  	_ =	strace $0x8FFFFFFF  }
0x98: {  	s19 =	sld [smem:$0x3FDB];
	_ =	sdelay $0x1  }
0x99: {  	s20 =	simm.s32 $_scs_section_size  }
0x9a: {  	s4 =	simm.s32 $_size__tile_overlayer_lowered;
	s5 =	simm.s32 $_tile_overlayer_lowered  }
0x9b: {  	s6 =	simm.s32 $0x1BFF;
	s21 =	sshll.u32 s5, $0x1;
	s3 =	sadd.s32 s20, s19  }
0x9c: {  	s22 =	simm.s32 $0x0;
	s4 =	sshll.u32 s4, $0x1;
	s5 =	sadd.s32 s21, s3  }
0x9d: {  	[timem:s22], [sflag:s6] =	dma.local [hbm:s5], s4  }
0x9e: {  	_ =	swait.ge [sflag:s6], s4  }
0x9f: {  	s4 =	ssub.s32 $0x0, s4;
	[sflag:s6] =	ssyncset.done $0x0  }
0xa0: {  	[sflag:s6] =	ssyncadd.s32 s4;
	_ =	sdelay $0x1  }
0xa1: {  	s23 =	simm.s32 $0x1B8B  }
0xa2: {  	_ =	swait.ge [sflag:s23], $0x1  }
0xa3: {  	[sflag:s23] =	ssyncset.done $0x0  }
0xa4: {  	[sflag:s23] =	ssyncadd.s32 $0xFFFFFFFF  }
0xa5: {  	s4 =	sld [smem:$0x0]  }
0xa6: {  	s5 =	sand.u32 $0xFFFFFFFE, s1  }
0xa7: {  	p0 =	sne.s32 s1, s5  }
0xa8: {  	s5 =	sshll.u32 @p0 s5, $0xE  }
0xa9: {  	s5 =	sadd.s32 @p0 $0x11B8D, s5;
	s6 =	sshll.u32 @p0 s4, $0x11  }
0xaa: {  	s5 =	sor.u32 @p0 s6, s5  }
0xab: {  	[sflag:s5] =	ssyncadd.remote.s32 @p0 $0x1;
	_ =	sdelay $0x1  }
0xac: {  	s5 =	simm.s32 @p0 $0x1B8D  }
0xad: {  	_ =	swait.eq @p0 [sflag:s5], $0x1  }
0xae: {  	[sflag:s5] =	ssyncadd.s32 @p0 $0xFFFFFFFF  }
0xaf: {  	s6 =	sshll.u32 @!p0 s1, $0xE  }
0xb0: {  	s6 =	sor.u32 @!p0 $0x4000, s6;
	s5 =	simm.s32 @!p0 $0x1B8D  }
0xb1: {  	s4 =	sshll.u32 @!p0 s4, $0x11;
	s6 =	sadd.s32 @!p0 $0x11B8D, s6;
	_ =	swait.eq @!p0 [sflag:s5], $0x1  }
0xb2: {  	s4 =	sor.u32 @!p0 s4, s6;
	[sflag:s5] =	ssyncadd.s32 @!p0 $0xFFFFFFFF  }
0xb3: {  	s25 =	simm.s32 $0x1B8E;
	s24 =	sld [smem:$0x3FFE];
	[sflag:s4] =	ssyncadd.remote.s32 @!p0 $0x1  }
0xb4: {  	s26 =	simm.s32 $execute0_lowered;
	[smem:$0x3FD2] =	sst s25  }
0xb5: {  	s5 =	sshll.u32 s26, $0x1;
	_ =	strace $0x80000049;
	[dreg:$0x1] =	wrdreg $0xFFFFFFFF  }
0xb6: {  	s28 =	simm.s32 $_size_execute0_lowered;
	s3 =	sadd.s32 s3, s5;
	[dreg:$0x0] =	wrdreg $0x0  }
0xb7: {  	s5 =	sshll.u32 s28, $0x1;
	[dreg:$0x2] =	wrdreg s3  }
0xb8: {  	[dreg:$0x3] =	wrdreg s5  }
0xb9: {  	[dreg:$0x4] =	wrdreg $0xC0  }
0xba: {  	_ =	task [dreg:s22], $0x5FFFF  }
0xbb: {  	[dreg:$0x1] =	wrdreg $0xFFFFFFFF  }
0xbc: {  	[dreg:$0x0] =	wrdreg $0x60  }
0xbd: {  	[dreg:$0x2] =	wrdreg s24  }
0xbe: {  	[dreg:$0x3] =	wrdreg $0x80800  }
0xbf: {  	[dreg:$0x4] =	wrdreg $0x9  }
0xc0: {  	_ =	task.clear_ibuf [dreg:s22], $0x5FFFF;
	_ =	strace $0x90000049  }
0xc1: {  	s29 =	simm.s32 $0x9;
	_ =	strace $0x8000004B  }
0xc2: {  	_ =	swait.ge [sflag:s29], $0x1  }
0xc3: {  	[sflag:s29] =	ssyncadd.s32 $0xFFFFFFFF  }
0xc4: {  	_ =	strace $0x9000004B  }
0xc5: {  	_ =	sfence  }
0xc6: {  	s30 =	sld [smem:$0x0];
	_ =	sdelay $0x2  }
0xc7: {  	s31 =	sshll.u32 s1, $0xD;
	s1 =	sshrl.u32 s1, $0x2  }
0xc8: {  	s4 =	sand.u32 $0x4000, s31;
	s1 =	sadd.s32 s1, s30  }
0xc9: {  	s0 =	sor.u32 s4, s0;
	s1 =	sshll.u32 s1, $0x11  }
0xca: {  	s0 =	sor.u32 s1, s0  }
0xcb: {  	s0 =	sadd.s32 $0x8F2B, s0  }
0xcc: {  	[sflag:s0] =	ssyncadd.remote.s32 $0x1  }
0xcd: {  	_ =	sfence.sel $0xFFFF  }
0xce: {  	[dreg:$0x0] =	wrdreg $0xFFFFFFFF;
	(pc) =	sbr.abs _section_cstart, $3  }
0xcf: {  	[dreg:$0x1] =	wrdreg $0xFFFFFFFF  }
0xd0: {  	_ =	task.clear_ibuf [dreg:s22], $0x2FFFF;
	_ =	strace $0x9FFFFFFF  }
0xd1: {  	(tm) =	ssettm $0x7FFFFFFF  }
tec
execute0_lowered:
.L_overlay_start_1:
0x0: {  	(tag) =	ssettag $0x1  }
0x1: {  	s4 =	rddreg [dreg:$0x0];
	s0 =	srdreg.scid  }
0x2: {  	s2 =	rddreg [dreg:$0x1];
	s1 =	stileid.u32;
	s3 =	simm.s32 $0x0  }
0x3: {  	s13 =	simm.s32 $0x1;
	s14 =	simm.s32 $0x80;
	s7 =	smul.u32 $0x13C00, s1  }
0x4: {  	s5 =	sand.u32 $0x1, s0;
	s0 =	rddreg [dreg:$0x2];
	s8 =	smul.u32 $0x9E0, s1  }
0x5: {  	s17 =	simm.s32 $0x0;
	[smem:$0x7FF] =	sst s3;
	s28 =	smul.u32 $0x4F000, s1  }
0x6: {  	s15 =	sshll.u32 s1, $0x6;
	s6 =	smul.u32 $0x13C000, s5;
	_ =	strace $0x8000004A  }
0x7: {  	s29 =	ssub.s32 $0x2, s5;
	s12 =	smul.u32 $0x4F0, s5;
	s15 =	sor.u32 $0x1C01, s15  }
0x8: {  	s10 =	sadd.s32 s8, s4;
	s30 =	sshrl.u32 s29, $0x1;
	s31 =	sshrl.u32 s28, $0x2  }
0x9: {  	s6 =	sadd.s32 s7, s6;
	s11 =	ssub.s32 s29, s30;
	s12 =	sadd.s32 s12, s10  }
0xa: {  	s6 =	sshrl.u32 s6, $0x3;
	s10 =	smax.u32 s11, $0x1;
	s11 =	sadd.s32 $0x5C00, s12  }
0xb: {  	s12 =	simm.s32 $0x4080;
	s9 =	sadd.s32 s6, s4;
	s4 =	sadd.s32 s31, s2  }
0xc: {  	s5 =	sadd.s32 $0x4000, s4;
	s6 =	sadd.s32 $0x8000, s4;
	s7 =	sadd.s32 $0xC000, s4  }
0xd: {  	v0 =	vimm.f32 $1.000000000e+00;
	v1 =	vimm.f32 $0.0e+00;
	s8 =	sadd.s32 $0x10000, s4;
	s9 =	sadd.s32 $0x68800, s9;
	s16 =	sshrl.u32 s4, $0x3  }
.LBB2_1:
0xe: {  	s18 =	simm.s32 $0x0;
	s19 =	simm.s32 $0x200  }
.LBB2_2:
0xf: {  	p0 =	sne.s32 s19, $0xFE00;
	[tilespmem:s18+$0x40F0] =	vst v1  }
0x10: {  	[tilespmem:s18+$0x80] =	vst v0  }
0x11: {  	[tilespmem:s18+$0x4080] =	vst v1  }
0x12: {  	[tilespmem:s18+$0x90] =	vst v0  }
0x13: {  	[tilespmem:s18+$0x4090] =	vst v1  }
0x14: {  	[tilespmem:s18+$0xA0] =	vst v0  }
0x15: {  	[tilespmem:s18+$0x40A0] =	vst v1  }
0x16: {  	[tilespmem:s18+$0xB0] =	vst v0  }
0x17: {  	[tilespmem:s18+$0x40B0] =	vst v1  }
0x18: {  	[tilespmem:s18+$0xC0] =	vst v0  }
0x19: {  	[tilespmem:s18+$0x40C0] =	vst v1  }
.Ltmp0:
0x1a: {  	[tilespmem:s18+$0xD0] =	vst v0;
	(pc) =	sbr.rel @p0 .LBB2_2-.Ltmp0, $4  }
0x1b: {  	[tilespmem:s18+$0x40D0] =	vst v1  }
0x1c: {  	[tilespmem:s18+$0xE0] =	vst v0  }
0x1d: {  	[tilespmem:s18+$0x40E0] =	vst v1  }
0x1e: {  	[tilespmem:s18+$0xF0] =	vst v0;
	s18 =	sshra.s32 s19, $0x2;
	s19 =	sadd.s32 $0x200, s19  }
0x1f: {  	[tilespmem:s18+$0x40F0] =	vst v1  }
0x20: {  	[tilespmem:s18+$0x80] =	vst v0  }
0x21: {  	[tilespmem:s18+$0x4080] =	vst v1  }
0x22: {  	[tilespmem:s18+$0x90] =	vst v0  }
0x23: {  	[tilespmem:s18+$0x4090] =	vst v1  }
0x24: {  	[tilespmem:s18+$0xA0] =	vst v0  }
0x25: {  	[tilespmem:s18+$0x40A0] =	vst v1  }
0x26: {  	[tilespmem:s18+$0xB0] =	vst v0  }
0x27: {  	[tilespmem:s18+$0x40B0] =	vst v1  }
0x28: {  	[tilespmem:s18+$0xC0] =	vst v0  }
0x29: {  	[tilespmem:s18+$0x40C0] =	vst v1  }
0x2a: {  	[tilespmem:s18+$0xD0] =	vst v0  }
0x2b: {  	[tilespmem:s18+$0x40D0] =	vst v1  }
0x2c: {  	[tilespmem:s18+$0xE0] =	vst v0  }
0x2d: {  	[tilespmem:s18+$0x40E0] =	vst v1  }
0x2e: {  	[tilespmem:s18+$0xF0] =	vst v0  }
0x2f: {  	[spmem:s4] =	stream.linear.scatter [tilespmem:s12], [sflag:$0x1], $0x4000, $0x38;
	[tilespmem:$0x1BC80] =	vst v63  }
0x30: {  	_ =	swait.ge [sflag:s13], $0x4000  }
0x31: {  	[sflag:s13] =	ssyncset.done $0x0  }
0x32: {  	[sflag:s13] =	ssyncadd.s32 $0xFFFFC000  }
0x33: {  	[spmem:s5] =	stream.linear.scatter [tilespmem:s12], [sflag:$0x1], $0x4000, $0x38;
	[tilespmem:$0x1BC80] =	vst v63  }
0x34: {  	_ =	swait.ge [sflag:s13], $0x4000  }
0x35: {  	[sflag:s13] =	ssyncset.done $0x0  }
0x36: {  	[sflag:s13] =	ssyncadd.s32 $0xFFFFC000  }
0x37: {  	[spmem:s6] =	stream.linear.scatter [tilespmem:s12], [sflag:$0x1], $0x4000, $0x38;
	[tilespmem:$0x1BC80] =	vst v63  }
0x38: {  	_ =	swait.ge [sflag:s13], $0x4000  }
0x39: {  	[sflag:s13] =	ssyncset.done $0x0  }
0x3a: {  	[sflag:s13] =	ssyncadd.s32 $0xFFFFC000  }
0x3b: {  	[spmem:s7] =	stream.linear.scatter [tilespmem:s12], [sflag:$0x1], $0x4000, $0x38;
	[tilespmem:$0x1BC80] =	vst v63  }
0x3c: {  	_ =	swait.ge [sflag:s13], $0x4000  }
0x3d: {  	[sflag:s13] =	ssyncset.done $0x0  }
0x3e: {  	[sflag:s13] =	ssyncadd.s32 $0xFFFFC000  }
0x3f: {  	[spmem:s8] =	stream.linear.scatter [tilespmem:s12], [sflag:$0x1], $0x3C00, $0x38;
	[tilespmem:$0x1BC80] =	vst v63  }
0x40: {  	_ =	swait.ge [sflag:s13], $0x3C00  }
0x41: {  	[sflag:s13] =	ssyncset.done $0x0  }
0x42: {  	[sflag:s13] =	ssyncadd.s32 $0xFFFFC400  }
0x43: {  	s31 =	sadd.s32 $0x0, s11;
	[bflag:$0x0] =	sbarrier.arrive $0xFFFF  }
0x44: {  	[tilespmem:s3], [sflag:$0x1] =	stream.linear.gather [hbm4b:s31+s3], $0x80, $0x38;
	[tilespmem:$0x1BC80] =	vst v63  }
0x45: {  	_ =	swait.ge [sflag:s13], $0x80  }
0x46: {  	[sflag:s13] =	ssyncset.done $0x0  }
0x47: {  	[sflag:s13] =	ssyncadd.s32 $0xFFFFFF80  }
0x48: {  	[spmem:s2] =	stream.indirect.scatter.add.f32 [tilespmem:s14], [sflag:$0x1], $0x80, s3, s14, $0xb8;
	[tilespmem:$0x1BC80] =	vst v63  }
0x49: {  	_ =	swait.ge [sflag:s13], $0x4000  }
0x4a: {  	s18 =	simm.s32 $0x10;
	s19 =	simm.s32 $0x20;
	[sflag:s13] =	ssyncset.done $0x0  }
.LBB2_4:
0x4b: {  	s20 =	sadd.s32 s18, s11  }
0x4c: {  	[sflag:s13] =	ssyncadd.s32 $0xFFFFC000;
	s18 =	smov.u32 s19;
	s21 =	sadd.s32 $0x10, s19  }
0x4d: {  	[tilespmem:s3], [sflag:$0x1] =	stream.linear.gather [hbm4b:s20+s3], $0x80, $0x38;
	[tilespmem:$0x1BC80] =	vst v63  }
0x4e: {  	p0 =	sne.s32 s19, $0x4E0;
	_ =	swait.ge [sflag:s13], $0x80  }
.Ltmp1:
0x4f: {  	[sflag:s13] =	ssyncset.done $0x0;
	(pc) =	sbr.rel @p0 .LBB2_4-.Ltmp1, $4  }
0x50: {  	[sflag:s13] =	ssyncadd.s32 $0xFFFFFF80  }
0x51: {  	[spmem:s2] =	stream.indirect.scatter.add.f32 [tilespmem:s14], [sflag:$0x1], $0x80, s3, s14, $0xb8;
	[tilespmem:$0x1BC80] =	vst v63  }
0x52: {  	_ =	swait.ge [sflag:s13], $0x4000  }
0x53: {  	s19 =	smov.u32 s21;
	[sflag:s13] =	ssyncset.done $0x0  }
0x54: {  	s18 =	sadd.s32 s18, s11;
	[sflag:s13] =	ssyncadd.s32 $0xFFFFC000  }
0x55: {  	[tilespmem:s3], [sflag:$0x1] =	stream.linear.gather [hbm4b:s18+s3], $0x80, $0x38;
	[tilespmem:$0x1BC80] =	vst v63  }
0x56: {  	_ =	swait.ge [sflag:s13], $0x80  }
0x57: {  	[sflag:s13] =	ssyncset.done $0x0  }
0x58: {  	[sflag:s13] =	ssyncadd.s32 $0xFFFFFF80  }
0x59: {  	[spmem:s2] =	stream.indirect.scatter.add.f32 [tilespmem:s14], [sflag:$0x1], $0x80, s3, s14, $0xb8;
	[tilespmem:$0x1BC80] =	vst v63  }
0x5a: {  	_ =	swait.ge [sflag:s13], $0x4000  }
0x5b: {  	s17 =	sadd.s32 $0x1, s17;
	[sflag:s13] =	ssyncset.done $0x0  }
0x5c: {  	p0 =	sne.s32 s17, s10;
	[sflag:s13] =	ssyncadd.s32 $0xFFFFC000  }
.Ltmp2:
0x5d: {  	[bflag:$0x0] =	sbarrier.arrive $0xFFFF;
	(pc) =	sbr.rel @p0 .LBB2_1-.Ltmp2, $4  }
0x5e: {  	[hbm:s9], [sflag:s15] =	dma.local [spmem:s16], $0x2780  }
0x5f: {  	_ =	swait.ge [sflag:s13], $0x2780  }
0x60: {  	[sflag:s13] =	ssyncset.done $0x0  }
0x61: {  	[sflag:s13] =	ssyncadd.s32 $0xFFFFD880  }
0x62: {  	_ =	sfence.sel $0x180000  }
0x63: {  	[bflag:$0x0] =	sbarrier.arrive $0xFFFF  }
0x64: {  	p0 =	sne.s32 s1, $0x0;
	_ =	strace $0x9000004A  }
0x65: {  	s0 =	sadd.s32 @!p0 $0x100000, s0;
	[bflag:$0x2] =	sbarrier.arrive $0xFFFF  }
0x66: {  	[sflag:s0] =	ssyncadd.tile.s32 @!p0 $0x1;
	_ =	shalt  }
.Lfunc_end2:
_tile_overlayer_lowered:
.L_overlay_start_2:
0x67: {  	(tag) =	ssettag $0x2  }
0x68: {  	s0 =	rddreg [dreg:$0x0];
	s2 =	stileid.u32  }
0x69: {  	s1 =	rddreg [dreg:$0x1];
	p0 =	sne.s32 s2, $0x0  }
0x6a: {  	s3 =	rddreg [dreg:$0x2];
	[bflag:$0x3] =	sbarrier.arrive $0xFFFF;
	s2 =	simm.s32 @!p0 $0x1C01  }
0x6b: {  	[timem:s3], [sflag:s2] =	dma.local @!p0 [hbm:s0], s1  }
0x6c: {  	s0 =	simm.s32 @!p0 $0x1  }
0x6d: {  	_ =	swait.ge @!p0 [sflag:s0], s1  }
0x6e: {  	s1 =	ssub.s32 @!p0 $0x0, s1;
	[sflag:s0] =	ssyncset.done @!p0 $0x0  }
0x6f: {  	[sflag:s0] =	ssyncadd.s32 @!p0 s1  }
0x70: {  	[bflag:$0x3] =	sbarrier.arrive $0xFFFF  }
0x71: {  	_ =	shalt  }

</sc_bundles>
